<compile_context>
chip_gen: v7x
topology: tpu7x:2x2x1
jax: 0.10.2.dev20260603
libtpu: 0.0.44.dev20260713+nightly
codegen_flags: <defaults>
</compile_context>

<pallas_src>
import functools

import jax
import jax.numpy as jnp
import numpy as np
from jax import lax
from jax.experimental import pallas as pl
from jax.experimental.pallas import tpu as pltpu
from jax.experimental.pallas import tpu_sc as plsc

N = 20000
C = 128
K = 27
NSEG = (2048, 512, 128)
B = 800
NB = N // B
FN = float(N)
EPS = 1e-5

NW = 32
PW = 640
N_PAD = NW * PW
CH = 8
NCH = PW // CH


def _bn_affine(S, mu_sum, W, g, b):
    mu = mu_sum / FN
    m = jnp.dot(mu, W, preferred_element_type=jnp.float32)
    SW = jnp.dot(S, W, preferred_element_type=jnp.float32)
    ey2 = jnp.sum(W * SW, axis=0, keepdims=True) / FN
    var = ey2 - m * m
    alpha = g * lax.rsqrt(var + EPS)
    return W * alpha, b - m * alpha


def _oh_t(cl_row, nseg):
    iota = lax.broadcasted_iota(jnp.int32, (nseg, B), 0)
    return (iota == cl_row).astype(jnp.float32)


def _oh(cl_col, nseg):
    iota = lax.broadcasted_iota(jnp.int32, (B, nseg), 1)
    return (iota == cl_col).astype(jnp.float32)


def _gram_body(feat_ref, s_ref, mu_ref):
    @pl.when(pl.program_id(0) == 0)
    def _():
        s_ref[...] = jnp.zeros_like(s_ref)
        mu_ref[...] = jnp.zeros_like(mu_ref)

    x = feat_ref[...]
    s_ref[...] += lax.dot_general(x, x, (((0,), (0,)), ((), ())),
                                  preferred_element_type=jnp.float32)
    mu_ref[...] += jnp.sum(x, axis=0, keepdims=True)


def _gram(feat):
    return pl.pallas_call(
        _gram_body,
        grid=(NB,),
        in_specs=[pl.BlockSpec((B, C), lambda i: (i, 0))],
        out_specs=[pl.BlockSpec((C, C), lambda i: (0, 0)),
                   pl.BlockSpec((1, C), lambda i: (0, 0))],
        out_shape=[jax.ShapeDtypeStruct((C, C), jnp.float32),
                   jax.ShapeDtypeStruct((1, C), jnp.float32)],
    )(feat)


def _lw_body(nseg, feat_ref, clt_ref, s_ref, mu_ref, w_ref, g_ref, b_ref,
             pw_ref, ss_ref, cnt_ref):
    @pl.when(pl.program_id(0) == 0)
    def _():
        ss_ref[...] = jnp.zeros_like(ss_ref)
        cnt_ref[...] = jnp.zeros_like(cnt_ref)

    Wa, beta = _bn_affine(s_ref[...], mu_ref[...], w_ref[...],
                          g_ref[...], b_ref[...])
    pw = jnp.maximum(
        jnp.dot(feat_ref[...], Wa, preferred_element_type=jnp.float32) + beta,
        0.0)
    pw_ref[...] = pw
    oh_t = _oh_t(clt_ref[0], nseg)
    ss_ref[...] += jnp.dot(oh_t, pw, preferred_element_type=jnp.float32)
    cnt_ref[...] += jnp.sum(oh_t, axis=1, keepdims=True)


def _lw(feat, clt, S, mu, W, g, b, nseg):
    return pl.pallas_call(
        functools.partial(_lw_body, nseg),
        grid=(NB,),
        in_specs=[pl.BlockSpec((B, C), lambda i: (i, 0)),
                  pl.BlockSpec((1, 1, B), lambda i: (i, 0, 0)),
                  pl.BlockSpec((C, C), lambda i: (0, 0)),
                  pl.BlockSpec((1, C), lambda i: (0, 0)),
                  pl.BlockSpec((C, C), lambda i: (0, 0)),
                  pl.BlockSpec((1, C), lambda i: (0, 0)),
                  pl.BlockSpec((1, C), lambda i: (0, 0))],
        out_specs=[pl.BlockSpec((B, C), lambda i: (i, 0)),
                   pl.BlockSpec((nseg, C), lambda i: (0, 0)),
                   pl.BlockSpec((nseg, 1), lambda i: (0, 0))],
        out_shape=[jax.ShapeDtypeStruct((N, C), jnp.float32),
                   jax.ShapeDtypeStruct((nseg, C), jnp.float32),
                   jax.ShapeDtypeStruct((nseg, 1), jnp.float32)],
    )(feat, clt, S, mu, W, g, b)


def _subwt_body(nseg, pw_ref, clc_ref, ss_ref, cnt_ref, wt_ref, y_ref, mx_ref):
    @pl.when(pl.program_id(0) == 0)
    def _():
        mx_ref[...] = jnp.full_like(mx_ref, -jnp.inf)

    mean_tab = ss_ref[...] / jnp.maximum(cnt_ref[...], 1.0)
    oh = _oh(clc_ref[...], nseg)
    pwc = pw_ref[...] - jnp.dot(oh, mean_tab,
                                preferred_element_type=jnp.float32)
    y = jnp.dot(pwc, wt_ref[...], preferred_element_type=jnp.float32)
    y_ref[...] = y
    mx_ref[...] = jnp.maximum(mx_ref[...], jnp.max(y, axis=0, keepdims=True))


def _subwt(pw, clc, ss, cnt, wt, nseg):
    return pl.pallas_call(
        functools.partial(_subwt_body, nseg),
        grid=(NB,),
        in_specs=[pl.BlockSpec((B, C), lambda i: (i, 0)),
                  pl.BlockSpec((B, 1), lambda i: (i, 0)),
                  pl.BlockSpec((nseg, C), lambda i: (0, 0)),
                  pl.BlockSpec((nseg, 1), lambda i: (0, 0)),
                  pl.BlockSpec((C, C), lambda i: (0, 0))],
        out_specs=[pl.BlockSpec((B, C), lambda i: (i, 0)),
                   pl.BlockSpec((1, C), lambda i: (0, 0))],
        out_shape=[jax.ShapeDtypeStruct((N, C), jnp.float32),
                   jax.ShapeDtypeStruct((1, C), jnp.float32)],
    )(pw, clc, ss, cnt, wt)


def _exp_body(nseg, y_ref, mx_ref, clt_ref, e_ref, es_ref):
    @pl.when(pl.program_id(0) == 0)
    def _():
        es_ref[...] = jnp.zeros_like(es_ref)

    m = jnp.max(mx_ref[...])
    e = jnp.exp(y_ref[...] - m)
    e_ref[...] = e
    oh_t = _oh_t(clt_ref[0], nseg)
    es_ref[...] += jnp.dot(oh_t, e, preferred_element_type=jnp.float32)


def _expseg(y, mx, clt, nseg):
    return pl.pallas_call(
        functools.partial(_exp_body, nseg),
        grid=(NB,),
        in_specs=[pl.BlockSpec((B, C), lambda i: (i, 0)),
                  pl.BlockSpec((1, C), lambda i: (0, 0)),
                  pl.BlockSpec((1, 1, B), lambda i: (i, 0, 0))],
        out_specs=[pl.BlockSpec((B, C), lambda i: (i, 0)),
                   pl.BlockSpec((nseg, C), lambda i: (0, 0))],
        out_shape=[jax.ShapeDtypeStruct((N, C), jnp.float32),
                   jax.ShapeDtypeStruct((nseg, C), jnp.float32)],
    )(y, mx, clt)


def _pf_body(nseg, e_ref, es_ref, clt_ref, clc_ref, feat_ref, s_ref, mu_ref,
             wp_ref, g_ref, b_ref, ps_ref):
    @pl.when(pl.program_id(0) == 0)
    def _():
        ps_ref[...] = jnp.zeros_like(ps_ref)

    Wa, beta = _bn_affine(s_ref[...], mu_ref[...], wp_ref[...],
                          g_ref[...], b_ref[...])
    proj = jnp.maximum(
        jnp.dot(feat_ref[...], Wa, preferred_element_type=jnp.float32) + beta,
        0.0)
    oh = _oh(clc_ref[...], nseg)
    denom = jnp.dot(oh, es_ref[...], preferred_element_type=jnp.float32) + 1e-6
    p = proj * (e_ref[...] / denom)
    oh_t = _oh_t(clt_ref[0], nseg)
    ps_ref[...] += jnp.dot(oh_t, p, preferred_element_type=jnp.float32)


def _pf(e, es, clt, clc, feat, S, mu, Wp, g, b, nseg):
    return pl.pallas_call(
        functools.partial(_pf_body, nseg),
        grid=(NB,),
        in_specs=[pl.BlockSpec((B, C), lambda i: (i, 0)),
                  pl.BlockSpec((nseg, C), lambda i: (0, 0)),
                  pl.BlockSpec((1, 1, B), lambda i: (i, 0, 0)),
                  pl.BlockSpec((B, 1), lambda i: (i, 0)),
                  pl.BlockSpec((B, C), lambda i: (i, 0)),
                  pl.BlockSpec((C, C), lambda i: (0, 0)),
                  pl.BlockSpec((1, C), lambda i: (0, 0)),
                  pl.BlockSpec((C, C), lambda i: (0, 0)),
                  pl.BlockSpec((1, C), lambda i: (0, 0)),
                  pl.BlockSpec((1, C), lambda i: (0, 0))],
        out_specs=[pl.BlockSpec((nseg, C), lambda i: (0, 0))],
        out_shape=[jax.ShapeDtypeStruct((nseg, C), jnp.float32)],
    )(e, es, clt, clc, feat, S, mu, Wp, g, b)[0]


def _fuse1_body(feat_ref, cl0_ref, cl1_ref, cl2_ref, ps0_ref, ps1_ref,
                ps2_ref, s_ref, mu_ref, wp3_ref, g3_ref, b3_ref, wadp_ref,
                wft_ref, wfb_ref, y_ref, st_ref):
    @pl.when(pl.program_id(0) == 0)
    def _():
        st_ref[...] = jnp.zeros_like(st_ref)

    Wa, beta = _bn_affine(s_ref[...], mu_ref[...], wp3_ref[...],
                          g3_ref[...], b3_ref[...])
    feat = feat_ref[...]
    featp = jnp.maximum(
        jnp.dot(feat, Wa, preferred_element_type=jnp.float32) + beta, 0.0)

    ya = jnp.dot(feat, wadp_ref[...], preferred_element_type=jnp.float32)
    lane = lax.broadcasted_iota(jnp.int32, (B, C), 1)
    ym = jnp.where(lane < 3, ya, -jnp.inf)
    mxr = jnp.max(ym, axis=1, keepdims=True)
    ee = jnp.exp(ym - mxr)
    adp = ee / jnp.sum(ee, axis=1, keepdims=True)

    acc = jnp.zeros((B, C), jnp.float32)
    for i, (cl_ref, ps_ref, nseg) in enumerate(
            ((cl0_ref, ps0_ref, NSEG[0]),
             (cl1_ref, ps1_ref, NSEG[1]),
             (cl2_ref, ps2_ref, NSEG[2]))):
        oh = _oh(cl_ref[...], nseg)
        pf = jnp.dot(oh, ps_ref[...], preferred_element_type=jnp.float32)
        acc = acc + adp[:, i:i + 1] * pf

    y = (jnp.dot(featp, wft_ref[...], preferred_element_type=jnp.float32)
         + jnp.dot(acc, wfb_ref[...], preferred_element_type=jnp.float32))
    y_ref[...] = y
    st_ref[...] += jnp.concatenate(
        [jnp.sum(y, axis=0, keepdims=True),
         jnp.sum(y * y, axis=0, keepdims=True)], axis=0)


def _fuse1(feat, cl0c, cl1c, cl2c, ps0, ps1, ps2, S, mu, Wp3, g3, b3,
           WadpP, Wft, Wfb):
    return pl.pallas_call(
        _fuse1_body,
        grid=(NB,),
        in_specs=[pl.BlockSpec((B, C), lambda i: (i, 0)),
                  pl.BlockSpec((B, 1), lambda i: (i, 0)),
                  pl.BlockSpec((B, 1), lambda i: (i, 0)),
                  pl.BlockSpec((B, 1), lambda i: (i, 0)),
                  pl.BlockSpec((NSEG[0], C), lambda i: (0, 0)),
                  pl.BlockSpec((NSEG[1], C), lambda i: (0, 0)),
                  pl.BlockSpec((NSEG[2], C), lambda i: (0, 0)),
                  pl.BlockSpec((C, C), lambda i: (0, 0)),
                  pl.BlockSpec((1, C), lambda i: (0, 0)),
                  pl.BlockSpec((C, C), lambda i: (0, 0)),
                  pl.BlockSpec((1, C), lambda i: (0, 0)),
                  pl.BlockSpec((1, C), lambda i: (0, 0)),
                  pl.BlockSpec((C, C), lambda i: (0, 0)),
                  pl.BlockSpec((C, C), lambda i: (0, 0)),
                  pl.BlockSpec((C, C), lambda i: (0, 0))],
        out_specs=[pl.BlockSpec((B, C), lambda i: (i, 0)),
                   pl.BlockSpec((2, C), lambda i: (0, 0))],
        out_shape=[jax.ShapeDtypeStruct((N, C), jnp.float32),
                   jax.ShapeDtypeStruct((2, C), jnp.float32)],
    )(feat, cl0c, cl1c, cl2c, ps0, ps1, ps2, S, mu, Wp3, g3, b3,
      WadpP, Wft, Wfb)


def _fuse2_body(y_ref, st_ref, g_ref, b_ref, feat_ref, h_ref):
    st = st_ref[...]
    m = st[0:1] / FN
    var = st[1:2] / FN - m * m
    h = jnp.maximum(
        (y_ref[...] - m) * lax.rsqrt(var + EPS) * g_ref[...] + b_ref[...],
        0.0) + feat_ref[...]
    h_ref[...] = h


def _fuse2(y, st, g, b, feat):
    return pl.pallas_call(
        _fuse2_body,
        grid=(NB,),
        in_specs=[pl.BlockSpec((B, C), lambda i: (i, 0)),
                  pl.BlockSpec((2, C), lambda i: (0, 0)),
                  pl.BlockSpec((1, C), lambda i: (0, 0)),
                  pl.BlockSpec((1, C), lambda i: (0, 0)),
                  pl.BlockSpec((B, C), lambda i: (i, 0))],
        out_specs=[pl.BlockSpec((B, C), lambda i: (i, 0))],
        out_shape=[jax.ShapeDtypeStruct((N, C), jnp.float32)],
    )(y, st, g, b, feat)[0]


def _conv_plain_body(hg_ref, wd_ref, x_ref):
    acc = jnp.dot(hg_ref[:, 0, :], wd_ref[0],
                  preferred_element_type=jnp.float32)
    for k in range(1, K):
        acc += jnp.dot(hg_ref[:, k, :], wd_ref[k],
                       preferred_element_type=jnp.float32)
    x_ref[...] = acc


def _conv_plain(hg, Wd):
    return pl.pallas_call(
        _conv_plain_body,
        grid=(NB,),
        in_specs=[pl.BlockSpec((B, K, C), lambda b: (b, 0, 0)),
                  pl.BlockSpec((K, C, C), lambda b: (0, 0, 0))],
        out_specs=[pl.BlockSpec((B, C), lambda b: (b, 0))],
        out_shape=[jax.ShapeDtypeStruct((N, C), jnp.float32)],
    )(hg, Wd)[0]


def _conv_bn_body(hg_ref, wd_ref, st_ref, g_ref, b_ref, x_ref):
    st = st_ref[...]
    m = st[0:1] / FN
    var = st[1:2] / FN - m * m
    alpha = g_ref[...] * lax.rsqrt(var + EPS)
    beta = b_ref[...] - m * alpha
    acc = jnp.dot(hg_ref[:, 0, :] * alpha + beta, wd_ref[0],
                  preferred_element_type=jnp.float32)
    for k in range(1, K):
        acc += jnp.dot(hg_ref[:, k, :] * alpha + beta, wd_ref[k],
                       preferred_element_type=jnp.float32)
    x_ref[...] = acc


def _conv_bn(hg, Wd, st, g, b):
    return pl.pallas_call(
        _conv_bn_body,
        grid=(NB,),
        in_specs=[pl.BlockSpec((B, K, C), lambda b: (b, 0, 0)),
                  pl.BlockSpec((K, C, C), lambda b: (0, 0, 0)),
                  pl.BlockSpec((2, C), lambda b: (0, 0)),
                  pl.BlockSpec((1, C), lambda b: (0, 0)),
                  pl.BlockSpec((1, C), lambda b: (0, 0))],
        out_specs=[pl.BlockSpec((B, C), lambda b: (b, 0))],
        out_shape=[jax.ShapeDtypeStruct((N, C), jnp.float32)],
    )(hg, Wd, st, g, b)[0]


def _stats_body(x_ref, st_ref):
    @pl.when(pl.program_id(0) == 0)
    def _():
        st_ref[...] = jnp.zeros_like(st_ref)

    x = x_ref[...]
    st_ref[...] += jnp.concatenate(
        [jnp.sum(x, axis=0, keepdims=True),
         jnp.sum(x * x, axis=0, keepdims=True)], axis=0)


def _stats(x):
    return pl.pallas_call(
        _stats_body,
        grid=(NB,),
        in_specs=[pl.BlockSpec((B, C), lambda i: (i, 0))],
        out_specs=[pl.BlockSpec((2, C), lambda i: (0, 0))],
        out_shape=[jax.ShapeDtypeStruct((2, C), jnp.float32)],
    )(x)[0]


def _final_body(x_ref, st_ref, g_ref, b_ref, h_ref, o_ref):
    st = st_ref[...]
    m = st[0:1] / FN
    var = st[1:2] / FN - m * m
    o_ref[...] = jnp.maximum(
        (x_ref[...] - m) * lax.rsqrt(var + EPS) * g_ref[...] + b_ref[...]
        + h_ref[...], 0.0)


def _final(x, st, g, b, h):
    return pl.pallas_call(
        _final_body,
        grid=(NB,),
        in_specs=[pl.BlockSpec((B, C), lambda i: (i, 0)),
                  pl.BlockSpec((2, C), lambda i: (0, 0)),
                  pl.BlockSpec((1, C), lambda i: (0, 0)),
                  pl.BlockSpec((1, C), lambda i: (0, 0)),
                  pl.BlockSpec((B, C), lambda i: (i, 0))],
        out_specs=[pl.BlockSpec((B, C), lambda i: (i, 0))],
        out_shape=[jax.ShapeDtypeStruct((N, C), jnp.float32)],
    )(x, st, g, b, h)[0]


def _sc_gather_body(src_hbm, idx_hbm, out_hbm, idx_v, rows0, rows1,
                    sem0, sem1):
    cid = lax.axis_index("c")
    sid = lax.axis_index("s")
    wid = sid * 2 + cid
    base = wid * PW * K

    nw_words = NCH * CH * K
    pltpu.sync_copy(idx_hbm.at[pl.ds(wid * nw_words, nw_words)], idx_v)

    def idx_sl(c):
        return idx_v.at[pl.ds(c * CH * K, CH * K)]

    pltpu.async_copy(src_hbm.at[idx_sl(0)], rows0, sem0)
    pltpu.async_copy(src_hbm.at[idx_sl(1)], rows1, sem1)

    def do_chunk(c, rows, sem, prefetch):
        pltpu.make_async_copy(src_hbm.at[idx_sl(c)], rows, sem).wait()
        pltpu.sync_copy(rows, out_hbm.at[pl.ds(base + c * CH * K, CH * K)])
        if prefetch:
            pltpu.async_copy(src_hbm.at[idx_sl(c + 2)], rows, sem)

    def sstep(s, carry):
        do_chunk(2 * s, rows0, sem0, True)
        do_chunk(2 * s + 1, rows1, sem1, True)
        return carry

    lax.fori_loop(0, NCH // 2 - 1, sstep, 0)
    do_chunk(NCH - 2, rows0, sem0, False)
    do_chunk(NCH - 1, rows1, sem1, False)


def _sc_gather(src, idx_chunked):
    mesh = plsc.VectorSubcoreMesh(core_axis_name="c", subcore_axis_name="s",
                                  num_cores=2, num_subcores=16)
    f = pl.kernel(
        _sc_gather_body,
        out_type=jax.ShapeDtypeStruct((N_PAD * K, C), jnp.float32),
        mesh=mesh,
        scratch_types=[pltpu.VMEM((NCH * CH * K,), jnp.int32),
                       pltpu.VMEM((CH * K, C), jnp.float32),
                       pltpu.VMEM((CH * K, C), jnp.float32),
                       pltpu.SemaphoreType.DMA,
                       pltpu.SemaphoreType.DMA],
    )
    return f(src, idx_chunked).reshape(N_PAD, K, C)


def kernel(feat, cluster0, cluster1, cluster2, neighbor_idx,
           W_proj0, g_proj0, b_proj0, W_proj1, g_proj1, b_proj1,
           W_proj2, g_proj2, b_proj2, W_proj3, g_proj3, b_proj3,
           W_lw0, g_lw0, b_lw0, W_wt0, W_lw1, g_lw1, b_lw1, W_wt1,
           W_lw2, g_lw2, b_lw2, W_wt2, W_adp, W_fuse, g_fuse, b_fuse,
           W_conv1, W_conv2, g_n1, b_n1, g_n2, b_n2):
    r1 = lambda v: v.reshape(1, C)
    clusters = (cluster0.astype(jnp.int32), cluster1.astype(jnp.int32),
                cluster2.astype(jnp.int32))
    clt = [cl.reshape(NB, 1, B) for cl in clusters]
    clc = [cl.reshape(N, 1) for cl in clusters]

    W_lws = (W_lw0, W_lw1, W_lw2)
    g_lws = (r1(g_lw0), r1(g_lw1), r1(g_lw2))
    b_lws = (r1(b_lw0), r1(b_lw1), r1(b_lw2))
    W_wts = (W_wt0, W_wt1, W_wt2)
    W_projs = (W_proj0, W_proj1, W_proj2)
    g_projs = (r1(g_proj0), r1(g_proj1), r1(g_proj2))
    b_projs = (r1(b_proj0), r1(b_proj1), r1(b_proj2))

    WadpP = jnp.pad(W_adp, ((0, 0), (0, C - W_adp.shape[1])))
    Wft, Wfb = W_fuse[:C], W_fuse[C:]
    G, CG = 32, 4
    g_idx = np.arange(G)[:, None, None]
    i_idx = np.arange(CG)[None, :, None]
    o_idx = np.arange(CG)[None, None, :]
    rr = np.broadcast_to(g_idx * CG + i_idx, (G, CG, CG))
    cc = np.broadcast_to(g_idx * CG + o_idx, (G, CG, CG))
    Wd1 = jnp.zeros((K, C, C), jnp.float32).at[:, rr, cc].set(W_conv1)
    Wd2 = jnp.zeros((K, C, C), jnp.float32).at[:, rr, cc].set(W_conv2)

    idx_flat = jnp.concatenate(
        [neighbor_idx.astype(jnp.int32).reshape(-1),
         jnp.zeros((N_PAD - N) * K, jnp.int32)])

    S, mu = _gram(feat)

    ps_tabs = []
    for i in range(3):
        nseg = NSEG[i]
        pw, ss, cnt = _lw(feat, clt[i], S, mu, W_lws[i], g_lws[i], b_lws[i],
                          nseg)
        y, mx = _subwt(pw, clc[i], ss, cnt, W_wts[i], nseg)
        e, es = _expseg(y, mx, clt[i], nseg)
        ps = _pf(e, es, clt[i], clc[i], feat, S, mu, W_projs[i],
                 g_projs[i], b_projs[i], nseg)
        ps_tabs.append(ps)

    y_f, st_f = _fuse1(feat, clc[0], clc[1], clc[2],
                       ps_tabs[0], ps_tabs[1], ps_tabs[2],
                       S, mu, W_proj3, r1(g_proj3), r1(b_proj3),
                       WadpP, Wft, Wfb)
    h = _fuse2(y_f, st_f, r1(g_fuse), r1(b_fuse), feat)

    hg1 = _sc_gather(h, idx_flat)
    x1 = _conv_plain(hg1, Wd1)
    st1 = _stats(x1)
    hg2 = _sc_gather(x1, idx_flat)
    x2 = _conv_bn(hg2, Wd2, st1, r1(g_n1), r1(b_n1))
    st2 = _stats(x2)
    return _final(x2, st2, r1(g_n2), r1(b_n2), h)

# --- scband reference (transcript-rebuilt; emitter-appended) ---
"""Pipeline reference for scband-basic-block-83640193122772 (READ-ONLY COPY).

The authoritative reference and input builder live on the scoring server;
editing this copy changes nothing except your own understanding.
"""

import jax, jax.numpy as jnp
import numpy as np

N = 20000
C = 128
G = 32
CG = C // G
K = 27
NSEG = [2048, 512, 128]
DEPTH = 4


def _lin(k, shape):
    return jax.random.uniform(k, shape, jnp.float32, -1.0, 1.0) / np.sqrt(shape[0])


def setup_inputs(seed=0):
    key = jax.random.key(seed)
    ks = jax.random.split(key, 32)
    inp = {}
    inp['feat'] = jax.random.normal(ks[0], (N, C), dtype=jnp.float32)
    inp['cluster0'] = jax.random.randint(ks[1], (N,), 0, NSEG[0])
    inp['cluster1'] = jax.random.randint(ks[2], (N,), 0, NSEG[1])
    inp['cluster2'] = jax.random.randint(ks[3], (N,), 0, NSEG[2])
    inp['neighbor_idx'] = jax.random.randint(ks[4], (N, K), 0, N)
    i = 5
    for j in range(DEPTH):
        inp['W_proj%d' % j] = _lin(ks[i], (C, C)); i += 1
        inp['g_proj%d' % j] = jnp.ones((C,), jnp.float32)
        inp['b_proj%d' % j] = jnp.zeros((C,), jnp.float32)
    for j in range(DEPTH - 1):
        inp['W_lw%d' % j] = _lin(ks[i], (C, C)); i += 1
        inp['g_lw%d' % j] = jnp.ones((C,), jnp.float32)
        inp['b_lw%d' % j] = jnp.zeros((C,), jnp.float32)
        inp['W_wt%d' % j] = _lin(ks[i], (C, C)); i += 1
    inp['W_adp'] = _lin(ks[i], (C, DEPTH - 1)); i += 1
    inp['W_fuse'] = _lin(ks[i], (2 * C, C)); i += 1
    inp['g_fuse'] = jnp.ones((C,), jnp.float32)
    inp['b_fuse'] = jnp.zeros((C,), jnp.float32)
    inp['W_conv1'] = jax.random.normal(ks[i], (K, G, CG, CG), jnp.float32) * 0.05; i += 1
    inp['W_conv2'] = jax.random.normal(ks[i], (K, G, CG, CG), jnp.float32) * 0.05; i += 1
    inp['g_n1'] = jnp.ones((C,), jnp.float32)
    inp['b_n1'] = jnp.zeros((C,), jnp.float32)
    inp['g_n2'] = jnp.ones((C,), jnp.float32)
    inp['b_n2'] = jnp.zeros((C,), jnp.float32)
    return inp


def _bn(x, g, b, eps=1e-5):
    m = jnp.mean(x, axis=0, keepdims=True)
    v = jnp.var(x, axis=0, keepdims=True)
    return (x - m) / jnp.sqrt(v + eps) * g + b


def _seg_mean(x, seg, num):
    s = jax.ops.segment_sum(x, seg, num_segments=num)
    c = jax.ops.segment_sum(jnp.ones((x.shape[0], 1), x.dtype), seg, num_segments=num)
    return s / jnp.maximum(c, 1.0)


def _grouped_conv(x, nbr, W):
    n = x.shape[0]
    out = jnp.zeros((n, G, CG), x.dtype)
    for k in range(K):
        g = jnp.take(x, nbr[:, k], axis=0).reshape(n, G, CG)
        out = out + jnp.einsum('ngi,gio->ngo', g, W[k])
    return out.reshape(n, C)


def reference(feat, cluster0, cluster1, cluster2, neighbor_idx,
              W_proj0, g_proj0, b_proj0,
              W_proj1, g_proj1, b_proj1,
              W_proj2, g_proj2, b_proj2,
              W_proj3, g_proj3, b_proj3,
              W_lw0, g_lw0, b_lw0, W_wt0,
              W_lw1, g_lw1, b_lw1, W_wt1,
              W_lw2, g_lw2, b_lw2, W_wt2,
              W_adp, W_fuse, g_fuse, b_fuse,
              W_conv1, W_conv2,
              g_n1, b_n1, g_n2, b_n2):
    inp = dict(locals())
    feat0 = inp['feat']
    clusters = [inp['cluster0'], inp['cluster1'], inp['cluster2']]
    nbr = inp['neighbor_idx']
    feat = feat0
    feats = []
    for i in range(DEPTH - 1):
        cl = clusters[i]
        pw = jnp.maximum(_bn(feat @ inp['W_lw%d' % i], inp['g_lw%d' % i], inp['b_lw%d' % i]), 0.0)
        pw = pw - jnp.take(_seg_mean(pw, cl, NSEG[i]), cl, axis=0)
        pw = pw @ inp['W_wt%d' % i]
        pw = jnp.exp(pw - jnp.max(pw))
        denom = jnp.take(jax.ops.segment_sum(pw, cl, num_segments=NSEG[i]), cl, axis=0) + 1e-6
        pw = pw / denom
        pfeat = jnp.maximum(_bn(feat @ inp['W_proj%d' % i], inp['g_proj%d' % i], inp['b_proj%d' % i]), 0.0) * pw
        pfeat = jnp.take(jax.ops.segment_sum(pfeat, cl, num_segments=NSEG[i]), cl, axis=0)
        feats.append(pfeat)
    adp = jax.nn.softmax(feat @ inp['W_adp'], axis=1)
    feats = jnp.stack(feats, axis=1)
    feats = jnp.einsum('ln,lnc->lc', adp, feats)
    featp = jnp.maximum(_bn(feat @ inp['W_proj3'], inp['g_proj3'], inp['b_proj3']), 0.0)
    h = jnp.concatenate([featp, feats], axis=1)
    h = jnp.maximum(_bn(h @ inp['W_fuse'], inp['g_fuse'], inp['b_fuse']), 0.0) + feat0
    res = h
    x = _grouped_conv(h, nbr, inp['W_conv1'])
    x = _bn(x, inp['g_n1'], inp['b_n1'])
    x = _grouped_conv(x, nbr, inp['W_conv2'])
    x = _bn(x, inp['g_n2'], inp['b_n2'])
    out = jnp.maximum(x + res, 0.0)
    return out

if __name__ == "__main__":
    import jax
    _d = setup_inputs()
    print(jax.jit(kernel)(*tuple(_d.values())))

</pallas_src>

<mosaic_0001>
#map = affine_map<(d0, d1) -> (0, 0)>
#map1 = affine_map<(d0, d1) -> (0)>
module attributes {stable_mosaic.version = 14 : i64} {
  func.func @_sc_gather_body(%arg0: i32, %arg1: i32, %arg2: memref<20000x128xf32, #tpu.memory_space<hbm>>, %arg3: memref<552960xi32, #tpu.memory_space<hbm>>, %arg4: memref<552960x128xf32, #tpu.memory_space<hbm>>, %arg5: memref<17280xi32, #tpu.memory_space<vmem>>, %arg6: memref<216x128xf32, #tpu.memory_space<vmem>>, %arg7: memref<216x128xf32, #tpu.memory_space<vmem>>, %arg8: memref<!tpu.dma_semaphore, #tpu.memory_space<semaphore_mem>>, %arg9: memref<!tpu.dma_semaphore, #tpu.memory_space<semaphore_mem>>) attributes {dimension_semantics = [#tpu.dimension_semantics<core_parallel>, #tpu.dimension_semantics<subcore_parallel>], iteration_bounds = array<i64: 2, 16>, scalar_prefetch = 0 : i64, scratch_operands = 5 : i64, tpu.core_type = #tpu.core_type<sc_vector_subcore>, window_params = [{transform_indices = #map}, {transform_indices = #map1}, {transform_indices = #map}]} {
    %mul3A = arith.constant 2 : i32
    %mul3A_0 = arith.muli %arg1, %mul3A : i32
    %add3A = arith.addi %mul3A_0, %arg0 : i32
    %mul3A_1 = arith.constant 640 : i32
    %mul3A_2 = arith.muli %add3A, %mul3A_1 : i32
    %mul3A_3 = arith.constant 27 : i32
    %mul3A_4 = arith.muli %mul3A_2, %mul3A_3 : i32
    %mul3A_5 = arith.constant 17280 : i32
    %mul3A_6 = arith.muli %add3A, %mul3A_5 : i32
    "tpu.region"() ({
      %run_scoped3A = tpu.sem_alloc : memref<!tpu.dma_semaphore, #tpu.memory_space<semaphore_mem>>
      %dma_start3A_34 = tpu.memref_slice %arg3[%mul3A_6] : memref<552960xi32, #tpu.memory_space<hbm>> -> memref<17280xi32, #tpu.memory_space<hbm>>
      %dma_start3A_35 = tpu.memref_slice %arg3[%mul3A_6] : memref<552960xi32, #tpu.memory_space<hbm>> -> memref<17280xi32, #tpu.memory_space<hbm>>
      tpu.enqueue_dma source(%dma_start3A_35 : memref<17280xi32, #tpu.memory_space<hbm>>) target(%arg5 : memref<17280xi32, #tpu.memory_space<vmem>>) target_semaphore(%run_scoped3A : memref<!tpu.dma_semaphore, #tpu.memory_space<semaphore_mem>>)
      %dma_wait3A_36 = tpu.memref_slice %arg3[%mul3A_6] : memref<552960xi32, #tpu.memory_space<hbm>> -> memref<17280xi32, #tpu.memory_space<hbm>>
      %dma_wait3A_37 = tpu.memref_slice %arg3[%mul3A_6] : memref<552960xi32, #tpu.memory_space<hbm>> -> memref<17280xi32, #tpu.memory_space<hbm>>
      tpu.wait_dma2 semaphore(%run_scoped3A : memref<!tpu.dma_semaphore, #tpu.memory_space<semaphore_mem>>) src(%dma_wait3A_37 : memref<17280xi32, #tpu.memory_space<hbm>>) dst(%arg5 : memref<17280xi32, #tpu.memory_space<vmem>>)
      tpu.yield
    }) : () -> ()
    %dma_start3A = arith.constant 0 : i32
    %dma_start3A_7 = tpu.memref_slice %arg5[%dma_start3A] : memref<17280xi32, #tpu.memory_space<vmem>> -> memref<216xi32, #tpu.memory_space<vmem>>
    %dma_start3A_8 = arith.constant 0 : i32
    %dma_start3A_9 = arith.constant 0 : i32
    %dma_start3A_10 = tpu.memref_slice %arg2[%dma_start3A_8, %dma_start3A_9] : memref<20000x128xf32, #tpu.memory_space<hbm>> -> memref<20000x128xf32, #tpu.memory_space<hbm>>
    tpu.enqueue_indirect_dma source(%dma_start3A_10 : memref<20000x128xf32, #tpu.memory_space<hbm>>) target(%arg6 : memref<216x128xf32, #tpu.memory_space<vmem>>) offsets(%dma_start3A_7 : memref<216xi32, #tpu.memory_space<vmem>>) semaphore(%arg8 : memref<!tpu.dma_semaphore, #tpu.memory_space<semaphore_mem>>)
    %dma_start3A_11 = arith.constant 216 : i32
    %dma_start3A_12 = tpu.memref_slice %arg5[%dma_start3A_11] : memref<17280xi32, #tpu.memory_space<vmem>> -> memref<216xi32, #tpu.memory_space<vmem>>
    %dma_start3A_13 = arith.constant 0 : i32
    %dma_start3A_14 = arith.constant 0 : i32
    %dma_start3A_15 = tpu.memref_slice %arg2[%dma_start3A_13, %dma_start3A_14] : memref<20000x128xf32, #tpu.memory_space<hbm>> -> memref<20000x128xf32, #tpu.memory_space<hbm>>
    tpu.enqueue_indirect_dma source(%dma_start3A_15 : memref<20000x128xf32, #tpu.memory_space<hbm>>) target(%arg7 : memref<216x128xf32, #tpu.memory_space<vmem>>) offsets(%dma_start3A_12 : memref<216xi32, #tpu.memory_space<vmem>>) semaphore(%arg9 : memref<!tpu.dma_semaphore, #tpu.memory_space<semaphore_mem>>)
    %scan3A = arith.constant 0 : i32
    %scan3A_16 = arith.constant 0 : i32
    %scan3A_17 = arith.constant 39 : i32
    %scan3A_18 = arith.addi %scan3A_16, %scan3A_17 : i32
    %scan3A_19 = arith.constant 1 : i32
    scf.for %scan3A_34 = %scan3A_16 to %scan3A_18 step %scan3A_19  : i32 {
      %mul3A_35 = arith.constant 2 : i32
      %mul3A_36 = arith.muli %mul3A_35, %scan3A_34 : i32
      %mul3A_37 = arith.constant 8 : i32
      %mul3A_38 = arith.muli %mul3A_36, %mul3A_37 : i32
      %mul3A_39 = arith.constant 27 : i32
      %mul3A_40 = arith.muli %mul3A_38, %mul3A_39 : i32
      %dma_wait3A_41 = tpu.memref_slice %arg5[%mul3A_40] : memref<17280xi32, #tpu.memory_space<vmem>> -> memref<216xi32, #tpu.memory_space<vmem>>
      %dma_wait3A_42 = arith.constant 0 : i32
      %dma_wait3A_43 = arith.constant 0 : i32
      %dma_wait3A_44 = tpu.memref_slice %arg2[%dma_wait3A_42, %dma_wait3A_43] : memref<20000x128xf32, #tpu.memory_space<hbm>> -> memref<20000x128xf32, #tpu.memory_space<hbm>>
      tpu.wait_indirect_dma semaphore(%arg8 : memref<!tpu.dma_semaphore, #tpu.memory_space<semaphore_mem>>) src(%dma_wait3A_44 : memref<20000x128xf32, #tpu.memory_space<hbm>>) dst(%arg6 : memref<216x128xf32, #tpu.memory_space<vmem>>)
      %mul3A_45 = arith.constant 8 : i32
      %mul3A_46 = arith.muli %mul3A_36, %mul3A_45 : i32
      %mul3A_47 = arith.constant 27 : i32
      %mul3A_48 = arith.muli %mul3A_46, %mul3A_47 : i32
      %add3A_49 = arith.addi %mul3A_4, %mul3A_48 : i32
      "tpu.region"() ({
        %run_scoped3A = tpu.sem_alloc : memref<!tpu.dma_semaphore, #tpu.memory_space<semaphore_mem>>
        %dma_start3A_87 = arith.constant 0 : i32
        %dma_start3A_88 = tpu.memref_slice %arg4[%add3A_49, %dma_start3A_87] : memref<552960x128xf32, #tpu.memory_space<hbm>> -> memref<216x128xf32, #tpu.memory_space<hbm>>
        %dma_start3A_89 = arith.constant 0 : i32
        %dma_start3A_90 = tpu.memref_slice %arg4[%add3A_49, %dma_start3A_89] : memref<552960x128xf32, #tpu.memory_space<hbm>> -> memref<216x128xf32, #tpu.memory_space<hbm>>
        tpu.enqueue_dma source(%arg6 : memref<216x128xf32, #tpu.memory_space<vmem>>) target(%dma_start3A_90 : memref<216x128xf32, #tpu.memory_space<hbm>>) target_semaphore(%run_scoped3A : memref<!tpu.dma_semaphore, #tpu.memory_space<semaphore_mem>>)
        %dma_wait3A_91 = arith.constant 0 : i32
        %dma_wait3A_92 = tpu.memref_slice %arg4[%add3A_49, %dma_wait3A_91] : memref<552960x128xf32, #tpu.memory_space<hbm>> -> memref<216x128xf32, #tpu.memory_space<hbm>>
        %dma_wait3A_93 = arith.constant 0 : i32
        %dma_wait3A_94 = tpu.memref_slice %arg4[%add3A_49, %dma_wait3A_93] : memref<552960x128xf32, #tpu.memory_space<hbm>> -> memref<216x128xf32, #tpu.memory_space<hbm>>
        tpu.wait_dma2 semaphore(%run_scoped3A : memref<!tpu.dma_semaphore, #tpu.memory_space<semaphore_mem>>) src(%arg6 : memref<216x128xf32, #tpu.memory_space<vmem>>) dst(%dma_wait3A_94 : memref<216x128xf32, #tpu.memory_space<hbm>>)
        tpu.yield
      }) : () -> ()
      %add3A_50 = arith.constant 2 : i32
      %add3A_51 = arith.addi %mul3A_36, %add3A_50 : i32
      %mul3A_52 = arith.constant 8 : i32
      %mul3A_53 = arith.muli %add3A_51, %mul3A_52 : i32
      %mul3A_54 = arith.constant 27 : i32
      %mul3A_55 = arith.muli %mul3A_53, %mul3A_54 : i32
      %dma_start3A_56 = tpu.memref_slice %arg5[%mul3A_55] : memref<17280xi32, #tpu.memory_space<vmem>> -> memref<216xi32, #tpu.memory_space<vmem>>
      %dma_start3A_57 = arith.constant 0 : i32
      %dma_start3A_58 = arith.constant 0 : i32
      %dma_start3A_59 = tpu.memref_slice %arg2[%dma_start3A_57, %dma_start3A_58] : memref<20000x128xf32, #tpu.memory_space<hbm>> -> memref<20000x128xf32, #tpu.memory_space<hbm>>
      tpu.enqueue_indirect_dma source(%dma_start3A_59 : memref<20000x128xf32, #tpu.memory_space<hbm>>) target(%arg6 : memref<216x128xf32, #tpu.memory_space<vmem>>) offsets(%dma_start3A_56 : memref<216xi32, #tpu.memory_space<vmem>>) semaphore(%arg8 : memref<!tpu.dma_semaphore, #tpu.memory_space<semaphore_mem>>)
      %mul3A_60 = arith.constant 2 : i32
      %mul3A_61 = arith.muli %mul3A_60, %scan3A_34 : i32
      %add3A_62 = arith.constant 1 : i32
      %add3A_63 = arith.addi %mul3A_61, %add3A_62 : i32
      %mul3A_64 = arith.constant 8 : i32
      %mul3A_65 = arith.muli %add3A_63, %mul3A_64 : i32
      %mul3A_66 = arith.constant 27 : i32
      %mul3A_67 = arith.muli %mul3A_65, %mul3A_66 : i32
      %dma_wait3A_68 = tpu.memref_slice %arg5[%mul3A_67] : memref<17280xi32, #tpu.memory_space<vmem>> -> memref<216xi32, #tpu.memory_space<vmem>>
      %dma_wait3A_69 = arith.constant 0 : i32
      %dma_wait3A_70 = arith.constant 0 : i32
      %dma_wait3A_71 = tpu.memref_slice %arg2[%dma_wait3A_69, %dma_wait3A_70] : memref<20000x128xf32, #tpu.memory_space<hbm>> -> memref<20000x128xf32, #tpu.memory_space<hbm>>
      tpu.wait_indirect_dma semaphore(%arg9 : memref<!tpu.dma_semaphore, #tpu.memory_space<semaphore_mem>>) src(%dma_wait3A_71 : memref<20000x128xf32, #tpu.memory_space<hbm>>) dst(%arg7 : memref<216x128xf32, #tpu.memory_space<vmem>>)
      %mul3A_72 = arith.constant 8 : i32
      %mul3A_73 = arith.muli %add3A_63, %mul3A_72 : i32
      %mul3A_74 = arith.constant 27 : i32
      %mul3A_75 = arith.muli %mul3A_73, %mul3A_74 : i32
      %add3A_76 = arith.addi %mul3A_4, %mul3A_75 : i32
      "tpu.region"() ({
        %run_scoped3A = tpu.sem_alloc : memref<!tpu.dma_semaphore, #tpu.memory_space<semaphore_mem>>
        %dma_start3A_87 = arith.constant 0 : i32
        %dma_start3A_88 = tpu.memref_slice %arg4[%add3A_76, %dma_start3A_87] : memref<552960x128xf32, #tpu.memory_space<hbm>> -> memref<216x128xf32, #tpu.memory_space<hbm>>
        %dma_start3A_89 = arith.constant 0 : i32
        %dma_start3A_90 = tpu.memref_slice %arg4[%add3A_76, %dma_start3A_89] : memref<552960x128xf32, #tpu.memory_space<hbm>> -> memref<216x128xf32, #tpu.memory_space<hbm>>
        tpu.enqueue_dma source(%arg7 : memref<216x128xf32, #tpu.memory_space<vmem>>) target(%dma_start3A_90 : memref<216x128xf32, #tpu.memory_space<hbm>>) target_semaphore(%run_scoped3A : memref<!tpu.dma_semaphore, #tpu.memory_space<semaphore_mem>>)
        %dma_wait3A_91 = arith.constant 0 : i32
        %dma_wait3A_92 = tpu.memref_slice %arg4[%add3A_76, %dma_wait3A_91] : memref<552960x128xf32, #tpu.memory_space<hbm>> -> memref<216x128xf32, #tpu.memory_space<hbm>>
        %dma_wait3A_93 = arith.constant 0 : i32
        %dma_wait3A_94 = tpu.memref_slice %arg4[%add3A_76, %dma_wait3A_93] : memref<552960x128xf32, #tpu.memory_space<hbm>> -> memref<216x128xf32, #tpu.memory_space<hbm>>
        tpu.wait_dma2 semaphore(%run_scoped3A : memref<!tpu.dma_semaphore, #tpu.memory_space<semaphore_mem>>) src(%arg7 : memref<216x128xf32, #tpu.memory_space<vmem>>) dst(%dma_wait3A_94 : memref<216x128xf32, #tpu.memory_space<hbm>>)
        tpu.yield
      }) : () -> ()
      %add3A_77 = arith.constant 2 : i32
      %add3A_78 = arith.addi %add3A_63, %add3A_77 : i32
      %mul3A_79 = arith.constant 8 : i32
      %mul3A_80 = arith.muli %add3A_78, %mul3A_79 : i32
      %mul3A_81 = arith.constant 27 : i32
      %mul3A_82 = arith.muli %mul3A_80, %mul3A_81 : i32
      %dma_start3A_83 = tpu.memref_slice %arg5[%mul3A_82] : memref<17280xi32, #tpu.memory_space<vmem>> -> memref<216xi32, #tpu.memory_space<vmem>>
      %dma_start3A_84 = arith.constant 0 : i32
      %dma_start3A_85 = arith.constant 0 : i32
      %dma_start3A_86 = tpu.memref_slice %arg2[%dma_start3A_84, %dma_start3A_85] : memref<20000x128xf32, #tpu.memory_space<hbm>> -> memref<20000x128xf32, #tpu.memory_space<hbm>>
      tpu.enqueue_indirect_dma source(%dma_start3A_86 : memref<20000x128xf32, #tpu.memory_space<hbm>>) target(%arg7 : memref<216x128xf32, #tpu.memory_space<vmem>>) offsets(%dma_start3A_83 : memref<216xi32, #tpu.memory_space<vmem>>) semaphore(%arg9 : memref<!tpu.dma_semaphore, #tpu.memory_space<semaphore_mem>>)
    }
    %scan3A_20 = arith.constant 39 : i32
    %dma_wait3A = arith.constant 16848 : i32
    %dma_wait3A_21 = tpu.memref_slice %arg5[%dma_wait3A] : memref<17280xi32, #tpu.memory_space<vmem>> -> memref<216xi32, #tpu.memory_space<vmem>>
    %dma_wait3A_22 = arith.constant 0 : i32
    %dma_wait3A_23 = arith.constant 0 : i32
    %dma_wait3A_24 = tpu.memref_slice %arg2[%dma_wait3A_22, %dma_wait3A_23] : memref<20000x128xf32, #tpu.memory_space<hbm>> -> memref<20000x128xf32, #tpu.memory_space<hbm>>
    tpu.wait_indirect_dma semaphore(%arg8 : memref<!tpu.dma_semaphore, #tpu.memory_space<semaphore_mem>>) src(%dma_wait3A_24 : memref<20000x128xf32, #tpu.memory_space<hbm>>) dst(%arg6 : memref<216x128xf32, #tpu.memory_space<vmem>>)
    %add3A_25 = arith.constant 16848 : i32
    %add3A_26 = arith.addi %mul3A_4, %add3A_25 : i32
    "tpu.region"() ({
      %run_scoped3A = tpu.sem_alloc : memref<!tpu.dma_semaphore, #tpu.memory_space<semaphore_mem>>
      %dma_start3A_34 = arith.constant 0 : i32
      %dma_start3A_35 = tpu.memref_slice %arg4[%add3A_26, %dma_start3A_34] : memref<552960x128xf32, #tpu.memory_space<hbm>> -> memref<216x128xf32, #tpu.memory_space<hbm>>
      %dma_start3A_36 = arith.constant 0 : i32
      %dma_start3A_37 = tpu.memref_slice %arg4[%add3A_26, %dma_start3A_36] : memref<552960x128xf32, #tpu.memory_space<hbm>> -> memref<216x128xf32, #tpu.memory_space<hbm>>
      tpu.enqueue_dma source(%arg6 : memref<216x128xf32, #tpu.memory_space<vmem>>) target(%dma_start3A_37 : memref<216x128xf32, #tpu.memory_space<hbm>>) target_semaphore(%run_scoped3A : memref<!tpu.dma_semaphore, #tpu.memory_space<semaphore_mem>>)
      %dma_wait3A_38 = arith.constant 0 : i32
      %dma_wait3A_39 = tpu.memref_slice %arg4[%add3A_26, %dma_wait3A_38] : memref<552960x128xf32, #tpu.memory_space<hbm>> -> memref<216x128xf32, #tpu.memory_space<hbm>>
      %dma_wait3A_40 = arith.constant 0 : i32
      %dma_wait3A_41 = tpu.memref_slice %arg4[%add3A_26, %dma_wait3A_40] : memref<552960x128xf32, #tpu.memory_space<hbm>> -> memref<216x128xf32, #tpu.memory_space<hbm>>
      tpu.wait_dma2 semaphore(%run_scoped3A : memref<!tpu.dma_semaphore, #tpu.memory_space<semaphore_mem>>) src(%arg6 : memref<216x128xf32, #tpu.memory_space<vmem>>) dst(%dma_wait3A_41 : memref<216x128xf32, #tpu.memory_space<hbm>>)
      tpu.yield
    }) : () -> ()
    %dma_wait3A_27 = arith.constant 17064 : i32
    %dma_wait3A_28 = tpu.memref_slice %arg5[%dma_wait3A_27] : memref<17280xi32, #tpu.memory_space<vmem>> -> memref<216xi32, #tpu.memory_space<vmem>>
    %dma_wait3A_29 = arith.constant 0 : i32
    %dma_wait3A_30 = arith.constant 0 : i32
    %dma_wait3A_31 = tpu.memref_slice %arg2[%dma_wait3A_29, %dma_wait3A_30] : memref<20000x128xf32, #tpu.memory_space<hbm>> -> memref<20000x128xf32, #tpu.memory_space<hbm>>
    tpu.wait_indirect_dma semaphore(%arg9 : memref<!tpu.dma_semaphore, #tpu.memory_space<semaphore_mem>>) src(%dma_wait3A_31 : memref<20000x128xf32, #tpu.memory_space<hbm>>) dst(%arg7 : memref<216x128xf32, #tpu.memory_space<vmem>>)
    %add3A_32 = arith.constant 17064 : i32
    %add3A_33 = arith.addi %mul3A_4, %add3A_32 : i32
    "tpu.region"() ({
      %run_scoped3A = tpu.sem_alloc : memref<!tpu.dma_semaphore, #tpu.memory_space<semaphore_mem>>
      %dma_start3A_34 = arith.constant 0 : i32
      %dma_start3A_35 = tpu.memref_slice %arg4[%add3A_33, %dma_start3A_34] : memref<552960x128xf32, #tpu.memory_space<hbm>> -> memref<216x128xf32, #tpu.memory_space<hbm>>
      %dma_start3A_36 = arith.constant 0 : i32
      %dma_start3A_37 = tpu.memref_slice %arg4[%add3A_33, %dma_start3A_36] : memref<552960x128xf32, #tpu.memory_space<hbm>> -> memref<216x128xf32, #tpu.memory_space<hbm>>
      tpu.enqueue_dma source(%arg7 : memref<216x128xf32, #tpu.memory_space<vmem>>) target(%dma_start3A_37 : memref<216x128xf32, #tpu.memory_space<hbm>>) target_semaphore(%run_scoped3A : memref<!tpu.dma_semaphore, #tpu.memory_space<semaphore_mem>>)
      %dma_wait3A_38 = arith.constant 0 : i32
      %dma_wait3A_39 = tpu.memref_slice %arg4[%add3A_33, %dma_wait3A_38] : memref<552960x128xf32, #tpu.memory_space<hbm>> -> memref<216x128xf32, #tpu.memory_space<hbm>>
      %dma_wait3A_40 = arith.constant 0 : i32
      %dma_wait3A_41 = tpu.memref_slice %arg4[%add3A_33, %dma_wait3A_40] : memref<552960x128xf32, #tpu.memory_space<hbm>> -> memref<216x128xf32, #tpu.memory_space<hbm>>
      tpu.wait_dma2 semaphore(%run_scoped3A : memref<!tpu.dma_semaphore, #tpu.memory_space<semaphore_mem>>) src(%arg7 : memref<216x128xf32, #tpu.memory_space<vmem>>) dst(%dma_wait3A_41 : memref<216x128xf32, #tpu.memory_space<hbm>>)
      tpu.yield
    }) : () -> ()
    return
  }
}

#map = affine_map<(d0, d1) -> (0, 0)>
#map1 = affine_map<(d0, d1) -> (0)>
module attributes {stable_mosaic.version = 14 : i64} {
  func.func @_sc_gather_body(%arg0: i32, %arg1: i32, %arg2: memref<20000x128xf32, #tpu.memory_space<hbm>>, %arg3: memref<552960xi32, #tpu.memory_space<hbm>>, %arg4: memref<552960x128xf32, #tpu.memory_space<hbm>>, %arg5: memref<17280xi32, #tpu.memory_space<vmem>>, %arg6: memref<216x128xf32, #tpu.memory_space<vmem>>, %arg7: memref<216x128xf32, #tpu.memory_space<vmem>>, %arg8: memref<!tpu.dma_semaphore, #tpu.memory_space<semaphore_mem>>, %arg9: memref<!tpu.dma_semaphore, #tpu.memory_space<semaphore_mem>>) attributes {dimension_semantics = [#tpu.dimension_semantics<core_parallel>, #tpu.dimension_semantics<subcore_parallel>], iteration_bounds = array<i64: 2, 16>, scalar_prefetch = 0 : i64, scratch_operands = 5 : i64, tpu.core_type = #tpu.core_type<sc_vector_subcore>, window_params = [{transform_indices = #map}, {transform_indices = #map1}, {transform_indices = #map}]} {
    %mul3A = arith.constant 2 : i32
    %mul3A_0 = arith.muli %arg1, %mul3A : i32
    %add3A = arith.addi %mul3A_0, %arg0 : i32
    %mul3A_1 = arith.constant 640 : i32
    %mul3A_2 = arith.muli %add3A, %mul3A_1 : i32
    %mul3A_3 = arith.constant 27 : i32
    %mul3A_4 = arith.muli %mul3A_2, %mul3A_3 : i32
    %mul3A_5 = arith.constant 17280 : i32
    %mul3A_6 = arith.muli %add3A, %mul3A_5 : i32
    "tpu.region"() ({
      %run_scoped3A = tpu.sem_alloc : memref<!tpu.dma_semaphore, #tpu.memory_space<semaphore_mem>>
      %dma_start3A_34 = tpu.memref_slice %arg3[%mul3A_6] : memref<552960xi32, #tpu.memory_space<hbm>> -> memref<17280xi32, #tpu.memory_space<hbm>>
      %dma_start3A_35 = tpu.memref_slice %arg3[%mul3A_6] : memref<552960xi32, #tpu.memory_space<hbm>> -> memref<17280xi32, #tpu.memory_space<hbm>>
      tpu.enqueue_dma source(%dma_start3A_35 : memref<17280xi32, #tpu.memory_space<hbm>>) target(%arg5 : memref<17280xi32, #tpu.memory_space<vmem>>) target_semaphore(%run_scoped3A : memref<!tpu.dma_semaphore, #tpu.memory_space<semaphore_mem>>)
      %dma_wait3A_36 = tpu.memref_slice %arg3[%mul3A_6] : memref<552960xi32, #tpu.memory_space<hbm>> -> memref<17280xi32, #tpu.memory_space<hbm>>
      %dma_wait3A_37 = tpu.memref_slice %arg3[%mul3A_6] : memref<552960xi32, #tpu.memory_space<hbm>> -> memref<17280xi32, #tpu.memory_space<hbm>>
      tpu.wait_dma2 semaphore(%run_scoped3A : memref<!tpu.dma_semaphore, #tpu.memory_space<semaphore_mem>>) src(%dma_wait3A_37 : memref<17280xi32, #tpu.memory_space<hbm>>) dst(%arg5 : memref<17280xi32, #tpu.memory_space<vmem>>)
      tpu.yield
    }) : () -> ()
    %dma_start3A = arith.constant 0 : i32
    %dma_start3A_7 = tpu.memref_slice %arg5[%dma_start3A] : memref<17280xi32, #tpu.memory_space<vmem>> -> memref<216xi32, #tpu.memory_space<vmem>>
    %dma_start3A_8 = arith.constant 0 : i32
    %dma_start3A_9 = arith.constant 0 : i32
    %dma_start3A_10 = tpu.memref_slice %arg2[%dma_start3A_8, %dma_start3A_9] : memref<20000x128xf32, #tpu.memory_space<hbm>> -> memref<20000x128xf32, #tpu.memory_space<hbm>>
    tpu.enqueue_indirect_dma source(%dma_start3A_10 : memref<20000x128xf32, #tpu.memory_space<hbm>>) target(%arg6 : memref<216x128xf32, #tpu.memory_space<vmem>>) offsets(%dma_start3A_7 : memref<216xi32, #tpu.memory_space<vmem>>) semaphore(%arg8 : memref<!tpu.dma_semaphore, #tpu.memory_space<semaphore_mem>>)
    %dma_start3A_11 = arith.constant 216 : i32
    %dma_start3A_12 = tpu.memref_slice %arg5[%dma_start3A_11] : memref<17280xi32, #tpu.memory_space<vmem>> -> memref<216xi32, #tpu.memory_space<vmem>>
    %dma_start3A_13 = arith.constant 0 : i32
    %dma_start3A_14 = arith.constant 0 : i32
    %dma_start3A_15 = tpu.memref_slice %arg2[%dma_start3A_13, %dma_start3A_14] : memref<20000x128xf32, #tpu.memory_space<hbm>> -> memref<20000x128xf32, #tpu.memory_space<hbm>>
    tpu.enqueue_indirect_dma source(%dma_start3A_15 : memref<20000x128xf32, #tpu.memory_space<hbm>>) target(%arg7 : memref<216x128xf32, #tpu.memory_space<vmem>>) offsets(%dma_start3A_12 : memref<216xi32, #tpu.memory_space<vmem>>) semaphore(%arg9 : memref<!tpu.dma_semaphore, #tpu.memory_space<semaphore_mem>>)
    %scan3A = arith.constant 0 : i32
    %scan3A_16 = arith.constant 0 : i32
    %scan3A_17 = arith.constant 39 : i32
    %scan3A_18 = arith.addi %scan3A_16, %scan3A_17 : i32
    %scan3A_19 = arith.constant 1 : i32
    scf.for %scan3A_34 = %scan3A_16 to %scan3A_18 step %scan3A_19  : i32 {
      %mul3A_35 = arith.constant 2 : i32
      %mul3A_36 = arith.muli %mul3A_35, %scan3A_34 : i32
      %mul3A_37 = arith.constant 8 : i32
      %mul3A_38 = arith.muli %mul3A_36, %mul3A_37 : i32
      %mul3A_39 = arith.constant 27 : i32
      %mul3A_40 = arith.muli %mul3A_38, %mul3A_39 : i32
      %dma_wait3A_41 = tpu.memref_slice %arg5[%mul3A_40] : memref<17280xi32, #tpu.memory_space<vmem>> -> memref<216xi32, #tpu.memory_space<vmem>>
      %dma_wait3A_42 = arith.constant 0 : i32
      %dma_wait3A_43 = arith.constant 0 : i32
      %dma_wait3A_44 = tpu.memref_slice %arg2[%dma_wait3A_42, %dma_wait3A_43] : memref<20000x128xf32, #tpu.memory_space<hbm>> -> memref<20000x128xf32, #tpu.memory_space<hbm>>
      tpu.wait_indirect_dma semaphore(%arg8 : memref<!tpu.dma_semaphore, #tpu.memory_space<semaphore_mem>>) src(%dma_wait3A_44 : memref<20000x128xf32, #tpu.memory_space<hbm>>) dst(%arg6 : memref<216x128xf32, #tpu.memory_space<vmem>>)
      %mul3A_45 = arith.constant 8 : i32
      %mul3A_46 = arith.muli %mul3A_36, %mul3A_45 : i32
      %mul3A_47 = arith.constant 27 : i32
      %mul3A_48 = arith.muli %mul3A_46, %mul3A_47 : i32
      %add3A_49 = arith.addi %mul3A_4, %mul3A_48 : i32
      "tpu.region"() ({
        %run_scoped3A = tpu.sem_alloc : memref<!tpu.dma_semaphore, #tpu.memory_space<semaphore_mem>>
        %dma_start3A_87 = arith.constant 0 : i32
        %dma_start3A_88 = tpu.memref_slice %arg4[%add3A_49, %dma_start3A_87] : memref<552960x128xf32, #tpu.memory_space<hbm>> -> memref<216x128xf32, #tpu.memory_space<hbm>>
        %dma_start3A_89 = arith.constant 0 : i32
        %dma_start3A_90 = tpu.memref_slice %arg4[%add3A_49, %dma_start3A_89] : memref<552960x128xf32, #tpu.memory_space<hbm>> -> memref<216x128xf32, #tpu.memory_space<hbm>>
        tpu.enqueue_dma source(%arg6 : memref<216x128xf32, #tpu.memory_space<vmem>>) target(%dma_start3A_90 : memref<216x128xf32, #tpu.memory_space<hbm>>) target_semaphore(%run_scoped3A : memref<!tpu.dma_semaphore, #tpu.memory_space<semaphore_mem>>)
        %dma_wait3A_91 = arith.constant 0 : i32
        %dma_wait3A_92 = tpu.memref_slice %arg4[%add3A_49, %dma_wait3A_91] : memref<552960x128xf32, #tpu.memory_space<hbm>> -> memref<216x128xf32, #tpu.memory_space<hbm>>
        %dma_wait3A_93 = arith.constant 0 : i32
        %dma_wait3A_94 = tpu.memref_slice %arg4[%add3A_49, %dma_wait3A_93] : memref<552960x128xf32, #tpu.memory_space<hbm>> -> memref<216x128xf32, #tpu.memory_space<hbm>>
        tpu.wait_dma2 semaphore(%run_scoped3A : memref<!tpu.dma_semaphore, #tpu.memory_space<semaphore_mem>>) src(%arg6 : memref<216x128xf32, #tpu.memory_space<vmem>>) dst(%dma_wait3A_94 : memref<216x128xf32, #tpu.memory_space<hbm>>)
        tpu.yield
      }) : () -> ()
      %add3A_50 = arith.constant 2 : i32
      %add3A_51 = arith.addi %mul3A_36, %add3A_50 : i32
      %mul3A_52 = arith.constant 8 : i32
      %mul3A_53 = arith.muli %add3A_51, %mul3A_52 : i32
      %mul3A_54 = arith.constant 27 : i32
      %mul3A_55 = arith.muli %mul3A_53, %mul3A_54 : i32
      %dma_start3A_56 = tpu.memref_slice %arg5[%mul3A_55] : memref<17280xi32, #tpu.memory_space<vmem>> -> memref<216xi32, #tpu.memory_space<vmem>>
      %dma_start3A_57 = arith.constant 0 : i32
      %dma_start3A_58 = arith.constant 0 : i32
      %dma_start3A_59 = tpu.memref_slice %arg2[%dma_start3A_57, %dma_start3A_58] : memref<20000x128xf32, #tpu.memory_space<hbm>> -> memref<20000x128xf32, #tpu.memory_space<hbm>>
      tpu.enqueue_indirect_dma source(%dma_start3A_59 : memref<20000x128xf32, #tpu.memory_space<hbm>>) target(%arg6 : memref<216x128xf32, #tpu.memory_space<vmem>>) offsets(%dma_start3A_56 : memref<216xi32, #tpu.memory_space<vmem>>) semaphore(%arg8 : memref<!tpu.dma_semaphore, #tpu.memory_space<semaphore_mem>>)
      %mul3A_60 = arith.constant 2 : i32
      %mul3A_61 = arith.muli %mul3A_60, %scan3A_34 : i32
      %add3A_62 = arith.constant 1 : i32
      %add3A_63 = arith.addi %mul3A_61, %add3A_62 : i32
      %mul3A_64 = arith.constant 8 : i32
      %mul3A_65 = arith.muli %add3A_63, %mul3A_64 : i32
      %mul3A_66 = arith.constant 27 : i32
      %mul3A_67 = arith.muli %mul3A_65, %mul3A_66 : i32
      %dma_wait3A_68 = tpu.memref_slice %arg5[%mul3A_67] : memref<17280xi32, #tpu.memory_space<vmem>> -> memref<216xi32, #tpu.memory_space<vmem>>
      %dma_wait3A_69 = arith.constant 0 : i32
      %dma_wait3A_70 = arith.constant 0 : i32
      %dma_wait3A_71 = tpu.memref_slice %arg2[%dma_wait3A_69, %dma_wait3A_70] : memref<20000x128xf32, #tpu.memory_space<hbm>> -> memref<20000x128xf32, #tpu.memory_space<hbm>>
      tpu.wait_indirect_dma semaphore(%arg9 : memref<!tpu.dma_semaphore, #tpu.memory_space<semaphore_mem>>) src(%dma_wait3A_71 : memref<20000x128xf32, #tpu.memory_space<hbm>>) dst(%arg7 : memref<216x128xf32, #tpu.memory_space<vmem>>)
      %mul3A_72 = arith.constant 8 : i32
      %mul3A_73 = arith.muli %add3A_63, %mul3A_72 : i32
      %mul3A_74 = arith.constant 27 : i32
      %mul3A_75 = arith.muli %mul3A_73, %mul3A_74 : i32
      %add3A_76 = arith.addi %mul3A_4, %mul3A_75 : i32
      "tpu.region"() ({
        %run_scoped3A = tpu.sem_alloc : memref<!tpu.dma_semaphore, #tpu.memory_space<semaphore_mem>>
        %dma_start3A_87 = arith.constant 0 : i32
        %dma_start3A_88 = tpu.memref_slice %arg4[%add3A_76, %dma_start3A_87] : memref<552960x128xf32, #tpu.memory_space<hbm>> -> memref<216x128xf32, #tpu.memory_space<hbm>>
        %dma_start3A_89 = arith.constant 0 : i32
        %dma_start3A_90 = tpu.memref_slice %arg4[%add3A_76, %dma_start3A_89] : memref<552960x128xf32, #tpu.memory_space<hbm>> -> memref<216x128xf32, #tpu.memory_space<hbm>>
        tpu.enqueue_dma source(%arg7 : memref<216x128xf32, #tpu.memory_space<vmem>>) target(%dma_start3A_90 : memref<216x128xf32, #tpu.memory_space<hbm>>) target_semaphore(%run_scoped3A : memref<!tpu.dma_semaphore, #tpu.memory_space<semaphore_mem>>)
        %dma_wait3A_91 = arith.constant 0 : i32
        %dma_wait3A_92 = tpu.memref_slice %arg4[%add3A_76, %dma_wait3A_91] : memref<552960x128xf32, #tpu.memory_space<hbm>> -> memref<216x128xf32, #tpu.memory_space<hbm>>
        %dma_wait3A_93 = arith.constant 0 : i32
        %dma_wait3A_94 = tpu.memref_slice %arg4[%add3A_76, %dma_wait3A_93] : memref<552960x128xf32, #tpu.memory_space<hbm>> -> memref<216x128xf32, #tpu.memory_space<hbm>>
        tpu.wait_dma2 semaphore(%run_scoped3A : memref<!tpu.dma_semaphore, #tpu.memory_space<semaphore_mem>>) src(%arg7 : memref<216x128xf32, #tpu.memory_space<vmem>>) dst(%dma_wait3A_94 : memref<216x128xf32, #tpu.memory_space<hbm>>)
        tpu.yield
      }) : () -> ()
      %add3A_77 = arith.constant 2 : i32
      %add3A_78 = arith.addi %add3A_63, %add3A_77 : i32
      %mul3A_79 = arith.constant 8 : i32
      %mul3A_80 = arith.muli %add3A_78, %mul3A_79 : i32
      %mul3A_81 = arith.constant 27 : i32
      %mul3A_82 = arith.muli %mul3A_80, %mul3A_81 : i32
      %dma_start3A_83 = tpu.memref_slice %arg5[%mul3A_82] : memref<17280xi32, #tpu.memory_space<vmem>> -> memref<216xi32, #tpu.memory_space<vmem>>
      %dma_start3A_84 = arith.constant 0 : i32
      %dma_start3A_85 = arith.constant 0 : i32
      %dma_start3A_86 = tpu.memref_slice %arg2[%dma_start3A_84, %dma_start3A_85] : memref<20000x128xf32, #tpu.memory_space<hbm>> -> memref<20000x128xf32, #tpu.memory_space<hbm>>
      tpu.enqueue_indirect_dma source(%dma_start3A_86 : memref<20000x128xf32, #tpu.memory_space<hbm>>) target(%arg7 : memref<216x128xf32, #tpu.memory_space<vmem>>) offsets(%dma_start3A_83 : memref<216xi32, #tpu.memory_space<vmem>>) semaphore(%arg9 : memref<!tpu.dma_semaphore, #tpu.memory_space<semaphore_mem>>)
    }
    %scan3A_20 = arith.constant 39 : i32
    %dma_wait3A = arith.constant 16848 : i32
    %dma_wait3A_21 = tpu.memref_slice %arg5[%dma_wait3A] : memref<17280xi32, #tpu.memory_space<vmem>> -> memref<216xi32, #tpu.memory_space<vmem>>
    %dma_wait3A_22 = arith.constant 0 : i32
    %dma_wait3A_23 = arith.constant 0 : i32
    %dma_wait3A_24 = tpu.memref_slice %arg2[%dma_wait3A_22, %dma_wait3A_23] : memref<20000x128xf32, #tpu.memory_space<hbm>> -> memref<20000x128xf32, #tpu.memory_space<hbm>>
    tpu.wait_indirect_dma semaphore(%arg8 : memref<!tpu.dma_semaphore, #tpu.memory_space<semaphore_mem>>) src(%dma_wait3A_24 : memref<20000x128xf32, #tpu.memory_space<hbm>>) dst(%arg6 : memref<216x128xf32, #tpu.memory_space<vmem>>)
    %add3A_25 = arith.constant 16848 : i32
    %add3A_26 = arith.addi %mul3A_4, %add3A_25 : i32
    "tpu.region"() ({
      %run_scoped3A = tpu.sem_alloc : memref<!tpu.dma_semaphore, #tpu.memory_space<semaphore_mem>>
      %dma_start3A_34 = arith.constant 0 : i32
      %dma_start3A_35 = tpu.memref_slice %arg4[%add3A_26, %dma_start3A_34] : memref<552960x128xf32, #tpu.memory_space<hbm>> -> memref<216x128xf32, #tpu.memory_space<hbm>>
      %dma_start3A_36 = arith.constant 0 : i32
      %dma_start3A_37 = tpu.memref_slice %arg4[%add3A_26, %dma_start3A_36] : memref<552960x128xf32, #tpu.memory_space<hbm>> -> memref<216x128xf32, #tpu.memory_space<hbm>>
      tpu.enqueue_dma source(%arg6 : memref<216x128xf32, #tpu.memory_space<vmem>>) target(%dma_start3A_37 : memref<216x128xf32, #tpu.memory_space<hbm>>) target_semaphore(%run_scoped3A : memref<!tpu.dma_semaphore, #tpu.memory_space<semaphore_mem>>)
      %dma_wait3A_38 = arith.constant 0 : i32
      %dma_wait3A_39 = tpu.memref_slice %arg4[%add3A_26, %dma_wait3A_38] : memref<552960x128xf32, #tpu.memory_space<hbm>> -> memref<216x128xf32, #tpu.memory_space<hbm>>
      %dma_wait3A_40 = arith.constant 0 : i32
      %dma_wait3A_41 = tpu.memref_slice %arg4[%add3A_26, %dma_wait3A_40] : memref<552960x128xf32, #tpu.memory_space<hbm>> -> memref<216x128xf32, #tpu.memory_space<hbm>>
      tpu.wait_dma2 semaphore(%run_scoped3A : memref<!tpu.dma_semaphore, #tpu.memory_space<semaphore_mem>>) src(%arg6 : memref<216x128xf32, #tpu.memory_space<vmem>>) dst(%dma_wait3A_41 : memref<216x128xf32, #tpu.memory_space<hbm>>)
      tpu.yield
    }) : () -> ()
    %dma_wait3A_27 = arith.constant 17064 : i32
    %dma_wait3A_28 = tpu.memref_slice %arg5[%dma_wait3A_27] : memref<17280xi32, #tpu.memory_space<vmem>> -> memref<216xi32, #tpu.memory_space<vmem>>
    %dma_wait3A_29 = arith.constant 0 : i32
    %dma_wait3A_30 = arith.constant 0 : i32
    %dma_wait3A_31 = tpu.memref_slice %arg2[%dma_wait3A_29, %dma_wait3A_30] : memref<20000x128xf32, #tpu.memory_space<hbm>> -> memref<20000x128xf32, #tpu.memory_space<hbm>>
    tpu.wait_indirect_dma semaphore(%arg9 : memref<!tpu.dma_semaphore, #tpu.memory_space<semaphore_mem>>) src(%dma_wait3A_31 : memref<20000x128xf32, #tpu.memory_space<hbm>>) dst(%arg7 : memref<216x128xf32, #tpu.memory_space<vmem>>)
    %add3A_32 = arith.constant 17064 : i32
    %add3A_33 = arith.addi %mul3A_4, %add3A_32 : i32
    "tpu.region"() ({
      %run_scoped3A = tpu.sem_alloc : memref<!tpu.dma_semaphore, #tpu.memory_space<semaphore_mem>>
      %dma_start3A_34 = arith.constant 0 : i32
      %dma_start3A_35 = tpu.memref_slice %arg4[%add3A_33, %dma_start3A_34] : memref<552960x128xf32, #tpu.memory_space<hbm>> -> memref<216x128xf32, #tpu.memory_space<hbm>>
      %dma_start3A_36 = arith.constant 0 : i32
      %dma_start3A_37 = tpu.memref_slice %arg4[%add3A_33, %dma_start3A_36] : memref<552960x128xf32, #tpu.memory_space<hbm>> -> memref<216x128xf32, #tpu.memory_space<hbm>>
      tpu.enqueue_dma source(%arg7 : memref<216x128xf32, #tpu.memory_space<vmem>>) target(%dma_start3A_37 : memref<216x128xf32, #tpu.memory_space<hbm>>) target_semaphore(%run_scoped3A : memref<!tpu.dma_semaphore, #tpu.memory_space<semaphore_mem>>)
      %dma_wait3A_38 = arith.constant 0 : i32
      %dma_wait3A_39 = tpu.memref_slice %arg4[%add3A_33, %dma_wait3A_38] : memref<552960x128xf32, #tpu.memory_space<hbm>> -> memref<216x128xf32, #tpu.memory_space<hbm>>
      %dma_wait3A_40 = arith.constant 0 : i32
      %dma_wait3A_41 = tpu.memref_slice %arg4[%add3A_33, %dma_wait3A_40] : memref<552960x128xf32, #tpu.memory_space<hbm>> -> memref<216x128xf32, #tpu.memory_space<hbm>>
      tpu.wait_dma2 semaphore(%run_scoped3A : memref<!tpu.dma_semaphore, #tpu.memory_space<semaphore_mem>>) src(%arg7 : memref<216x128xf32, #tpu.memory_space<vmem>>) dst(%dma_wait3A_41 : memref<216x128xf32, #tpu.memory_space<hbm>>)
      tpu.yield
    }) : () -> ()
    return
  }
}

module attributes {stable_mosaic.version = 14 : i64} {
  func.func @_gram_body(%arg0: i32, %arg1: memref<800x128xf32, #tpu.memory_space<vmem>>, %arg2: memref<128x128xf32, #tpu.memory_space<vmem>>, %arg3: memref<1x128xf32, #tpu.memory_space<vmem>>) attributes {dimension_semantics = [#tpu.dimension_semantics<arbitrary>], iteration_bounds = array<i64: 25>, scalar_prefetch = 0 : i64, scratch_operands = 0 : i64, tpu.core_type = #tpu.core_type<tc>, window_params = [{transform_indices = @transform_0, window_bounds = array<i64: 800, 128>}, {pipeline_mode = #tpu.pipeline_mode<synchronous>, transform_indices = @transform_1, window_bounds = array<i64: 128, 128>}, {pipeline_mode = #tpu.pipeline_mode<synchronous>, transform_indices = @transform_2, window_bounds = array<i64: 1, 128>}]} {
    %eq3A = arith.constant 0 : i32
    %eq3A_0 = arith.cmpi eq, %arg0, %eq3A : i32
    %convert_element_type3A = arith.extui %eq3A_0 : i1 to i32
    %cond3A = arith.constant 0 : i32
    %cond3A_1 = arith.cmpi ne, %convert_element_type3A, %cond3A : i32
    scf.if %cond3A_1 {
      %broadcast_in_dim3A_18 = arith.constant 0.000000e+00 : f32
      %broadcast_in_dim3A_19 = vector.broadcast %broadcast_in_dim3A_18 : f32 to vector<128x128xf32>
      %swap3A_20 = arith.constant 0 : index
      %swap3A_21 = arith.constant 0 : index
      %swap3A_22 = vector.load %arg2[%swap3A_20, %swap3A_21] : memref<128x128xf32, #tpu.memory_space<vmem>>, vector<128x128xf32>
      tpu.vector_store %arg2[%swap3A_20, %swap3A_21], %broadcast_in_dim3A_19 {strides = array<i32>} : memref<128x128xf32, #tpu.memory_space<vmem>>, vector<128x128xf32>,
      %broadcast_in_dim3A_23 = arith.constant 0.000000e+00 : f32
      %broadcast_in_dim3A_24 = vector.broadcast %broadcast_in_dim3A_23 : f32 to vector<1x128xf32>
      %swap3A_25 = arith.constant 0 : index
      %swap3A_26 = arith.constant 0 : index
      %swap3A_27 = vector.load %arg3[%swap3A_25, %swap3A_26] : memref<1x128xf32, #tpu.memory_space<vmem>>, vector<1x128xf32>
      tpu.vector_store %arg3[%swap3A_25, %swap3A_26], %broadcast_in_dim3A_24 {strides = array<i32>} : memref<1x128xf32, #tpu.memory_space<vmem>>, vector<1x128xf32>,
    } else {
    }
    %get3A = arith.constant 0 : index
    %get3A_2 = arith.constant 0 : index
    %get3A_3 = vector.load %arg1[%get3A, %get3A_2] : memref<800x128xf32, #tpu.memory_space<vmem>>, vector<800x128xf32>
    %get3A_4 = arith.constant 0 : index
    %get3A_5 = arith.constant 0 : index
    %get3A_6 = vector.load %arg2[%get3A_4, %get3A_5] : memref<128x128xf32, #tpu.memory_space<vmem>>, vector<128x128xf32>
    %dot_general3A = arith.constant dense<0.000000e+00> : vector<128x128xf32>
    %dot_general3A_7 = tpu.matmul %get3A_3, %get3A_3, %dot_general3A {dimension_numbers = #tpu.dot_dimension_numbers<[0], [0], [1], [1], [0, 1, 1, 1], [], []>, transpose_lhs_hint = false} : vector<800x128xf32>, vector<800x128xf32>, vector<128x128xf32> -> vector<128x128xf32>
    %add3A = arith.addf %get3A_6, %dot_general3A_7 : vector<128x128xf32>
    %swap3A = arith.constant 0 : index
    %swap3A_8 = arith.constant 0 : index
    %swap3A_9 = vector.load %arg2[%swap3A, %swap3A_8] : memref<128x128xf32, #tpu.memory_space<vmem>>, vector<128x128xf32>
    tpu.vector_store %arg2[%swap3A, %swap3A_8], %add3A {strides = array<i32>} : memref<128x128xf32, #tpu.memory_space<vmem>>, vector<128x128xf32>,
    %get3A_10 = arith.constant 0 : index
    %get3A_11 = arith.constant 0 : index
    %get3A_12 = vector.load %arg3[%get3A_10, %get3A_11] : memref<1x128xf32, #tpu.memory_space<vmem>>, vector<1x128xf32>
    %reduce_sum3A = arith.constant dense<0.000000e+00> : vector<128xf32>
    %reduce_sum3A_13 = vector.multi_reduction <add>, %get3A_3, %reduce_sum3A [0] : vector<800x128xf32> to vector<128xf32>
    %broadcast_in_dim3A = vector.shape_cast %reduce_sum3A_13 : vector<128xf32> to vector<1x128xf32>
    %add3A_14 = arith.addf %get3A_12, %broadcast_in_dim3A : vector<1x128xf32>
    %swap3A_15 = arith.constant 0 : index
    %swap3A_16 = arith.constant 0 : index
    %swap3A_17 = vector.load %arg3[%swap3A_15, %swap3A_16] : memref<1x128xf32, #tpu.memory_space<vmem>>, vector<1x128xf32>
    tpu.vector_store %arg3[%swap3A_15, %swap3A_16], %add3A_14 {strides = array<i32>} : memref<1x128xf32, #tpu.memory_space<vmem>>, vector<1x128xf32>,
    return
  }
  func.func @transform_0(%arg0: i32) -> (i32, i32) {
    %c0_i32 = arith.constant 0 : i32
    %c0_i32_0 = arith.constant 0 : i32
    return %arg0, %c0_i32 : i32, i32
  }
  func.func @transform_1(%arg0: i32) -> (i32, i32) {
    %c0_i32 = arith.constant 0 : i32
    %c0_i32_0 = arith.constant 0 : i32
    %c0_i32_1 = arith.constant 0 : i32
    return %c0_i32, %c0_i32_0 : i32, i32
  }
  func.func @transform_2(%arg0: i32) -> (i32, i32) {
    %c0_i32 = arith.constant 0 : i32
    %c0_i32_0 = arith.constant 0 : i32
    %c0_i32_1 = arith.constant 0 : i32
    return %c0_i32, %c0_i32_0 : i32, i32
  }
}

module attributes {stable_mosaic.version = 14 : i64} {
  func.func @_lw_body(%arg0: i32, %arg1: memref<800x128xf32, #tpu.memory_space<vmem>>, %arg2: memref<1x1x800xi32, #tpu.memory_space<vmem>>, %arg3: memref<128x128xf32, #tpu.memory_space<vmem>>, %arg4: memref<1x128xf32, #tpu.memory_space<vmem>>, %arg5: memref<128x128xf32, #tpu.memory_space<vmem>>, %arg6: memref<1x128xf32, #tpu.memory_space<vmem>>, %arg7: memref<1x128xf32, #tpu.memory_space<vmem>>, %arg8: memref<800x128xf32, #tpu.memory_space<vmem>>, %arg9: memref<128x128xf32, #tpu.memory_space<vmem>>, %arg10: memref<128x1xf32, #tpu.memory_space<vmem>>) attributes {dimension_semantics = [#tpu.dimension_semantics<arbitrary>], iteration_bounds = array<i64: 25>, scalar_prefetch = 0 : i64, scratch_operands = 0 : i64, tpu.core_type = #tpu.core_type<tc>, window_params = [{transform_indices = @transform_0, window_bounds = array<i64: 800, 128>}, {transform_indices = @transform_1, window_bounds = array<i64: 1, 1, 800>}, {pipeline_mode = #tpu.pipeline_mode<synchronous>, transform_indices = @transform_2, window_bounds = array<i64: 128, 128>}, {pipeline_mode = #tpu.pipeline_mode<synchronous>, transform_indices = @transform_3, window_bounds = array<i64: 1, 128>}, {pipeline_mode = #tpu.pipeline_mode<synchronous>, transform_indices = @transform_4, window_bounds = array<i64: 128, 128>}, {pipeline_mode = #tpu.pipeline_mode<synchronous>, transform_indices = @transform_5, window_bounds = array<i64: 1, 128>}, {pipeline_mode = #tpu.pipeline_mode<synchronous>, transform_indices = @transform_6, window_bounds = array<i64: 1, 128>}, {transform_indices = @transform_7, window_bounds = array<i64: 800, 128>}, {pipeline_mode = #tpu.pipeline_mode<synchronous>, transform_indices = @transform_8, window_bounds = array<i64: 128, 128>}, {pipeline_mode = #tpu.pipeline_mode<synchronous>, transform_indices = @transform_9, window_bounds = array<i64: 128, 1>}]} {
    %eq3A = arith.constant 0 : i32
    %eq3A_0 = arith.cmpi eq, %arg0, %eq3A : i32
    %convert_element_type3A = arith.extui %eq3A_0 : i1 to i32
    %cond3A = arith.constant 0 : i32
    %cond3A_1 = arith.cmpi ne, %convert_element_type3A, %cond3A : i32
    scf.if %cond3A_1 {
      %broadcast_in_dim3A_72 = arith.constant 0.000000e+00 : f32
      %broadcast_in_dim3A_73 = vector.broadcast %broadcast_in_dim3A_72 : f32 to vector<128x128xf32>
      %swap3A_74 = arith.constant 0 : index
      %swap3A_75 = arith.constant 0 : index
      %swap3A_76 = vector.load %arg9[%swap3A_74, %swap3A_75] : memref<128x128xf32, #tpu.memory_space<vmem>>, vector<128x128xf32>
      tpu.vector_store %arg9[%swap3A_74, %swap3A_75], %broadcast_in_dim3A_73 {strides = array<i32>} : memref<128x128xf32, #tpu.memory_space<vmem>>, vector<128x128xf32>,
      %broadcast_in_dim3A_77 = arith.constant 0.000000e+00 : f32
      %broadcast_in_dim3A_78 = vector.broadcast %broadcast_in_dim3A_77 : f32 to vector<128x1xf32>
      %swap3A_79 = arith.constant 0 : index
      %swap3A_80 = arith.constant 0 : index
      %swap3A_81 = vector.load %arg10[%swap3A_79, %swap3A_80] : memref<128x1xf32, #tpu.memory_space<vmem>>, vector<128x1xf32>
      tpu.vector_store %arg10[%swap3A_79, %swap3A_80], %broadcast_in_dim3A_78 {strides = array<i32>} : memref<128x1xf32, #tpu.memory_space<vmem>>, vector<128x1xf32>,
    } else {
    }
    %get3A = arith.constant 0 : index
    %get3A_2 = arith.constant 0 : index
    %get3A_3 = vector.load %arg3[%get3A, %get3A_2] : memref<128x128xf32, #tpu.memory_space<vmem>>, vector<128x128xf32>
    %get3A_4 = arith.constant 0 : index
    %get3A_5 = arith.constant 0 : index
    %get3A_6 = vector.load %arg4[%get3A_4, %get3A_5] : memref<1x128xf32, #tpu.memory_space<vmem>>, vector<1x128xf32>
    %get3A_7 = arith.constant 0 : index
    %get3A_8 = arith.constant 0 : index
    %get3A_9 = vector.load %arg5[%get3A_7, %get3A_8] : memref<128x128xf32, #tpu.memory_space<vmem>>, vector<128x128xf32>
    %get3A_10 = arith.constant 0 : index
    %get3A_11 = arith.constant 0 : index
    %get3A_12 = vector.load %arg6[%get3A_10, %get3A_11] : memref<1x128xf32, #tpu.memory_space<vmem>>, vector<1x128xf32>
    %get3A_13 = arith.constant 0 : index
    %get3A_14 = arith.constant 0 : index
    %get3A_15 = vector.load %arg7[%get3A_13, %get3A_14] : memref<1x128xf32, #tpu.memory_space<vmem>>, vector<1x128xf32>
    %div3A = arith.constant 2.000000e+04 : f32
    %div3A_16 = vector.broadcast %div3A : f32 to vector<1x128xf32>
    %div3A_17 = arith.divf %get3A_6, %div3A_16 : vector<1x128xf32>
    %dot_general3A = arith.constant dense<0.000000e+00> : vector<1x128xf32>
    %dot_general3A_18 = tpu.matmul %div3A_17, %get3A_9, %dot_general3A {dimension_numbers = #tpu.dot_dimension_numbers<[1], [0], [0], [1], [0, 0, 1, 1], [], []>, transpose_lhs_hint = false} : vector<1x128xf32>, vector<128x128xf32>, vector<1x128xf32> -> vector<1x128xf32>
    %dot_general3A_19 = arith.constant dense<0.000000e+00> : vector<128x128xf32>
    %dot_general3A_20 = tpu.matmul %get3A_3, %get3A_9, %dot_general3A_19 {dimension_numbers = #tpu.dot_dimension_numbers<[1], [0], [0], [1], [0, 0, 1, 1], [], []>, transpose_lhs_hint = false} : vector<128x128xf32>, vector<128x128xf32>, vector<128x128xf32> -> vector<128x128xf32>
    %mul3A = arith.mulf %get3A_9, %dot_general3A_20 : vector<128x128xf32>
    %reduce_sum3A = arith.constant dense<0.000000e+00> : vector<128xf32>
    %reduce_sum3A_21 = vector.multi_reduction <add>, %mul3A, %reduce_sum3A [0] : vector<128x128xf32> to vector<128xf32>
    %broadcast_in_dim3A = vector.shape_cast %reduce_sum3A_21 : vector<128xf32> to vector<1x128xf32>
    %div3A_22 = arith.constant 2.000000e+04 : f32
    %div3A_23 = vector.broadcast %div3A_22 : f32 to vector<1x128xf32>
    %div3A_24 = arith.divf %broadcast_in_dim3A, %div3A_23 : vector<1x128xf32>
    %mul3A_25 = arith.mulf %dot_general3A_18, %dot_general3A_18 : vector<1x128xf32>
    %sub3A = arith.subf %div3A_24, %mul3A_25 : vector<1x128xf32>
    %add3A = arith.constant 9.99999974E-6 : f32
    %add3A_26 = vector.broadcast %add3A : f32 to vector<1x128xf32>
    %add3A_27 = arith.addf %sub3A, %add3A_26 : vector<1x128xf32>
    %rsqrt3A = math.rsqrt %add3A_27 : vector<1x128xf32>
    %mul3A_28 = arith.mulf %get3A_12, %rsqrt3A : vector<1x128xf32>
    %mul3A_29 = vector.broadcast %mul3A_28 : vector<1x128xf32> to vector<128x128xf32>
    %mul3A_30 = arith.mulf %get3A_9, %mul3A_29 : vector<128x128xf32>
    %mul3A_31 = arith.mulf %dot_general3A_18, %mul3A_28 : vector<1x128xf32>
    %sub3A_32 = arith.subf %get3A_15, %mul3A_31 : vector<1x128xf32>
    %get3A_33 = arith.constant 0 : index
    %get3A_34 = arith.constant 0 : index
    %get3A_35 = vector.load %arg1[%get3A_33, %get3A_34] : memref<800x128xf32, #tpu.memory_space<vmem>>, vector<800x128xf32>
    %dot_general3A_36 = arith.constant dense<0.000000e+00> : vector<800x128xf32>
    %dot_general3A_37 = tpu.matmul %get3A_35, %mul3A_30, %dot_general3A_36 {dimension_numbers = #tpu.dot_dimension_numbers<[1], [0], [0], [1], [0, 0, 1, 1], [], []>, transpose_lhs_hint = false} : vector<800x128xf32>, vector<128x128xf32>, vector<800x128xf32> -> vector<800x128xf32>
    %add3A_38 = vector.broadcast %sub3A_32 : vector<1x128xf32> to vector<800x128xf32>
    %add3A_39 = arith.addf %dot_general3A_37, %add3A_38 : vector<800x128xf32>
    %max3A = arith.constant 0.000000e+00 : f32
    %max3A_40 = vector.broadcast %max3A : f32 to vector<800x128xf32>
    %max3A_41 = arith.maximumf %add3A_39, %max3A_40 : vector<800x128xf32>
    %swap3A = arith.constant 0 : index
    %swap3A_42 = arith.constant 0 : index
    %swap3A_43 = vector.load %arg8[%swap3A, %swap3A_42] : memref<800x128xf32, #tpu.memory_space<vmem>>, vector<800x128xf32>
    tpu.vector_store %arg8[%swap3A, %swap3A_42], %max3A_41 {strides = array<i32>} : memref<800x128xf32, #tpu.memory_space<vmem>>, vector<800x128xf32>,
    %get3A_44 = arith.constant 0 : index
    %get3A_45 = arith.constant 0 : index
    %get3A_46 = arith.constant 0 : index
    %get3A_47 = vector.load %arg2[%get3A_44, %get3A_45, %get3A_46] : memref<1x1x800xi32, #tpu.memory_space<vmem>>, vector<1x1x800xi32>
    %get3A_48 = vector.shape_cast %get3A_47 : vector<1x1x800xi32> to vector<1x800xi32>
    %iota3A = tpu.iota {dimensions = array<i32: 0>} : vector<128x800xi32>
    %eq3A_49 = vector.broadcast %get3A_48 : vector<1x800xi32> to vector<128x800xi32>
    %eq3A_50 = arith.cmpi eq, %iota3A, %eq3A_49 : vector<128x800xi32>
    %convert_element_type3A_51 = arith.extui %eq3A_50 : vector<128x800xi1> to vector<128x800xi32>
    %convert_element_type3A_52 = arith.sitofp %convert_element_type3A_51 : vector<128x800xi32> to vector<128x800xf32>
    %get3A_53 = arith.constant 0 : index
    %get3A_54 = arith.constant 0 : index
    %get3A_55 = vector.load %arg9[%get3A_53, %get3A_54] : memref<128x128xf32, #tpu.memory_space<vmem>>, vector<128x128xf32>
    %dot_general3A_56 = arith.constant dense<0.000000e+00> : vector<128x128xf32>
    %dot_general3A_57 = tpu.matmul %convert_element_type3A_52, %max3A_41, %dot_general3A_56 {dimension_numbers = #tpu.dot_dimension_numbers<[1], [0], [0], [1], [0, 0, 1, 1], [], []>, transpose_lhs_hint = false} : vector<128x800xf32>, vector<800x128xf32>, vector<128x128xf32> -> vector<128x128xf32>
    %add3A_58 = arith.addf %get3A_55, %dot_general3A_57 : vector<128x128xf32>
    %swap3A_59 = arith.constant 0 : index
    %swap3A_60 = arith.constant 0 : index
    %swap3A_61 = vector.load %arg9[%swap3A_59, %swap3A_60] : memref<128x128xf32, #tpu.memory_space<vmem>>, vector<128x128xf32>
    tpu.vector_store %arg9[%swap3A_59, %swap3A_60], %add3A_58 {strides = array<i32>} : memref<128x128xf32, #tpu.memory_space<vmem>>, vector<128x128xf32>,
    %get3A_62 = arith.constant 0 : index
    %get3A_63 = arith.constant 0 : index
    %get3A_64 = vector.load %arg10[%get3A_62, %get3A_63] : memref<128x1xf32, #tpu.memory_space<vmem>>, vector<128x1xf32>
    %reduce_sum3A_65 = arith.constant dense<0.000000e+00> : vector<128xf32>
    %reduce_sum3A_66 = vector.multi_reduction <add>, %convert_element_type3A_52, %reduce_sum3A_65 [1] : vector<128x800xf32> to vector<128xf32>
    %broadcast_in_dim3A_67 = vector.shape_cast %reduce_sum3A_66 : vector<128xf32> to vector<128x1xf32>
    %add3A_68 = arith.addf %get3A_64, %broadcast_in_dim3A_67 : vector<128x1xf32>
    %swap3A_69 = arith.constant 0 : index
    %swap3A_70 = arith.constant 0 : index
    %swap3A_71 = vector.load %arg10[%swap3A_69, %swap3A_70] : memref<128x1xf32, #tpu.memory_space<vmem>>, vector<128x1xf32>
    tpu.vector_store %arg10[%swap3A_69, %swap3A_70], %add3A_68 {strides = array<i32>} : memref<128x1xf32, #tpu.memory_space<vmem>>, vector<128x1xf32>,
    return
  }
  func.func @transform_0(%arg0: i32) -> (i32, i32) {
    %c0_i32 = arith.constant 0 : i32
    %c0_i32_0 = arith.constant 0 : i32
    return %arg0, %c0_i32 : i32, i32
  }
  func.func @transform_1(%arg0: i32) -> (i32, i32, i32) {
    %c0_i32 = arith.constant 0 : i32
    %c0_i32_0 = arith.constant 0 : i32
    %c0_i32_1 = arith.constant 0 : i32
    return %arg0, %c0_i32, %c0_i32_0 : i32, i32, i32
  }
  func.func @transform_2(%arg0: i32) -> (i32, i32) {
    %c0_i32 = arith.constant 0 : i32
    %c0_i32_0 = arith.constant 0 : i32
    %c0_i32_1 = arith.constant 0 : i32
    return %c0_i32, %c0_i32_0 : i32, i32
  }
  func.func @transform_3(%arg0: i32) -> (i32, i32) {
    %c0_i32 = arith.constant 0 : i32
    %c0_i32_0 = arith.constant 0 : i32
    %c0_i32_1 = arith.constant 0 : i32
    return %c0_i32, %c0_i32_0 : i32, i32
  }
  func.func @transform_4(%arg0: i32) -> (i32, i32) {
    %c0_i32 = arith.constant 0 : i32
    %c0_i32_0 = arith.constant 0 : i32
    %c0_i32_1 = arith.constant 0 : i32
    return %c0_i32, %c0_i32_0 : i32, i32
  }
  func.func @transform_5(%arg0: i32) -> (i32, i32) {
    %c0_i32 = arith.constant 0 : i32
    %c0_i32_0 = arith.constant 0 : i32
    %c0_i32_1 = arith.constant 0 : i32
    return %c0_i32, %c0_i32_0 : i32, i32
  }
  func.func @transform_6(%arg0: i32) -> (i32, i32) {
    %c0_i32 = arith.constant 0 : i32
    %c0_i32_0 = arith.constant 0 : i32
    %c0_i32_1 = arith.constant 0 : i32
    return %c0_i32, %c0_i32_0 : i32, i32
  }
  func.func @transform_7(%arg0: i32) -> (i32, i32) {
    %c0_i32 = arith.constant 0 : i32
    %c0_i32_0 = arith.constant 0 : i32
    return %arg0, %c0_i32 : i32, i32
  }
  func.func @transform_8(%arg0: i32) -> (i32, i32) {
    %c0_i32 = arith.constant 0 : i32
    %c0_i32_0 = arith.constant 0 : i32
    %c0_i32_1 = arith.constant 0 : i32
    return %c0_i32, %c0_i32_0 : i32, i32
  }
  func.func @transform_9(%arg0: i32) -> (i32, i32) {
    %c0_i32 = arith.constant 0 : i32
    %c0_i32_0 = arith.constant 0 : i32
    %c0_i32_1 = arith.constant 0 : i32
    return %c0_i32, %c0_i32_0 : i32, i32
  }
}

module attributes {stable_mosaic.version = 14 : i64} {
  func.func @_subwt_body(%arg0: i32, %arg1: memref<800x128xf32, #tpu.memory_space<vmem>>, %arg2: memref<800x1xi32, #tpu.memory_space<vmem>>, %arg3: memref<128x128xf32, #tpu.memory_space<vmem>>, %arg4: memref<128x1xf32, #tpu.memory_space<vmem>>, %arg5: memref<128x128xf32, #tpu.memory_space<vmem>>, %arg6: memref<800x128xf32, #tpu.memory_space<vmem>>, %arg7: memref<1x128xf32, #tpu.memory_space<vmem>>) attributes {dimension_semantics = [#tpu.dimension_semantics<arbitrary>], iteration_bounds = array<i64: 25>, scalar_prefetch = 0 : i64, scratch_operands = 0 : i64, tpu.core_type = #tpu.core_type<tc>, window_params = [{transform_indices = @transform_0, window_bounds = array<i64: 800, 128>}, {transform_indices = @transform_1, window_bounds = array<i64: 800, 1>}, {pipeline_mode = #tpu.pipeline_mode<synchronous>, transform_indices = @transform_2, window_bounds = array<i64: 128, 128>}, {pipeline_mode = #tpu.pipeline_mode<synchronous>, transform_indices = @transform_3, window_bounds = array<i64: 128, 1>}, {pipeline_mode = #tpu.pipeline_mode<synchronous>, transform_indices = @transform_4, window_bounds = array<i64: 128, 128>}, {transform_indices = @transform_5, window_bounds = array<i64: 800, 128>}, {pipeline_mode = #tpu.pipeline_mode<synchronous>, transform_indices = @transform_6, window_bounds = array<i64: 1, 128>}]} {
    %eq3A = arith.constant 0 : i32
    %eq3A_0 = arith.cmpi eq, %arg0, %eq3A : i32
    %convert_element_type3A = arith.extui %eq3A_0 : i1 to i32
    %cond3A = arith.constant 0 : i32
    %cond3A_1 = arith.cmpi ne, %convert_element_type3A, %cond3A : i32
    scf.if %cond3A_1 {
      %broadcast_in_dim3A_36 = arith.constant 0xFF800000 : f32
      %broadcast_in_dim3A_37 = vector.broadcast %broadcast_in_dim3A_36 : f32 to vector<1x128xf32>
      %swap3A_38 = arith.constant 0 : index
      %swap3A_39 = arith.constant 0 : index
      %swap3A_40 = vector.load %arg7[%swap3A_38, %swap3A_39] : memref<1x128xf32, #tpu.memory_space<vmem>>, vector<1x128xf32>
      tpu.vector_store %arg7[%swap3A_38, %swap3A_39], %broadcast_in_dim3A_37 {strides = array<i32>} : memref<1x128xf32, #tpu.memory_space<vmem>>, vector<1x128xf32>,
    } else {
    }
    %get3A = arith.constant 0 : index
    %get3A_2 = arith.constant 0 : index
    %get3A_3 = vector.load %arg3[%get3A, %get3A_2] : memref<128x128xf32, #tpu.memory_space<vmem>>, vector<128x128xf32>
    %get3A_4 = arith.constant 0 : index
    %get3A_5 = arith.constant 0 : index
    %get3A_6 = vector.load %arg4[%get3A_4, %get3A_5] : memref<128x1xf32, #tpu.memory_space<vmem>>, vector<128x1xf32>
    %max3A = arith.constant 1.000000e+00 : f32
    %max3A_7 = vector.broadcast %max3A : f32 to vector<128x1xf32>
    %max3A_8 = arith.maximumf %get3A_6, %max3A_7 : vector<128x1xf32>
    %div3A = vector.broadcast %max3A_8 : vector<128x1xf32> to vector<128x128xf32>
    %div3A_9 = arith.divf %get3A_3, %div3A : vector<128x128xf32>
    %get3A_10 = arith.constant 0 : index
    %get3A_11 = arith.constant 0 : index
    %get3A_12 = vector.load %arg2[%get3A_10, %get3A_11] : memref<800x1xi32, #tpu.memory_space<vmem>>, vector<800x1xi32>
    %iota3A = tpu.iota {dimensions = array<i32: 1>} : vector<800x128xi32>
    %eq3A_13 = vector.broadcast %get3A_12 : vector<800x1xi32> to vector<800x128xi32>
    %eq3A_14 = arith.cmpi eq, %iota3A, %eq3A_13 : vector<800x128xi32>
    %convert_element_type3A_15 = arith.extui %eq3A_14 : vector<800x128xi1> to vector<800x128xi32>
    %convert_element_type3A_16 = arith.sitofp %convert_element_type3A_15 : vector<800x128xi32> to vector<800x128xf32>
    %get3A_17 = arith.constant 0 : index
    %get3A_18 = arith.constant 0 : index
    %get3A_19 = vector.load %arg1[%get3A_17, %get3A_18] : memref<800x128xf32, #tpu.memory_space<vmem>>, vector<800x128xf32>
    %dot_general3A = arith.constant dense<0.000000e+00> : vector<800x128xf32>
    %dot_general3A_20 = tpu.matmul %convert_element_type3A_16, %div3A_9, %dot_general3A {dimension_numbers = #tpu.dot_dimension_numbers<[1], [0], [0], [1], [0, 0, 1, 1], [], []>, transpose_lhs_hint = false} : vector<800x128xf32>, vector<128x128xf32>, vector<800x128xf32> -> vector<800x128xf32>
    %sub3A = arith.subf %get3A_19, %dot_general3A_20 : vector<800x128xf32>
    %get3A_21 = arith.constant 0 : index
    %get3A_22 = arith.constant 0 : index
    %get3A_23 = vector.load %arg5[%get3A_21, %get3A_22] : memref<128x128xf32, #tpu.memory_space<vmem>>, vector<128x128xf32>
    %dot_general3A_24 = arith.constant dense<0.000000e+00> : vector<800x128xf32>
    %dot_general3A_25 = tpu.matmul %sub3A, %get3A_23, %dot_general3A_24 {dimension_numbers = #tpu.dot_dimension_numbers<[1], [0], [0], [1], [0, 0, 1, 1], [], []>, transpose_lhs_hint = false} : vector<800x128xf32>, vector<128x128xf32>, vector<800x128xf32> -> vector<800x128xf32>
    %swap3A = arith.constant 0 : index
    %swap3A_26 = arith.constant 0 : index
    %swap3A_27 = vector.load %arg6[%swap3A, %swap3A_26] : memref<800x128xf32, #tpu.memory_space<vmem>>, vector<800x128xf32>
    tpu.vector_store %arg6[%swap3A, %swap3A_26], %dot_general3A_25 {strides = array<i32>} : memref<800x128xf32, #tpu.memory_space<vmem>>, vector<800x128xf32>,
    %get3A_28 = arith.constant 0 : index
    %get3A_29 = arith.constant 0 : index
    %get3A_30 = vector.load %arg7[%get3A_28, %get3A_29] : memref<1x128xf32, #tpu.memory_space<vmem>>, vector<1x128xf32>
    %reduce_max3A = arith.constant dense<0xFF800000> : vector<128xf32>
    %reduce_max3A_31 = vector.multi_reduction <maximumf>, %dot_general3A_25, %reduce_max3A [0] : vector<800x128xf32> to vector<128xf32>
    %broadcast_in_dim3A = vector.shape_cast %reduce_max3A_31 : vector<128xf32> to vector<1x128xf32>
    %max3A_32 = arith.maximumf %get3A_30, %broadcast_in_dim3A : vector<1x128xf32>
    %swap3A_33 = arith.constant 0 : index
    %swap3A_34 = arith.constant 0 : index
    %swap3A_35 = vector.load %arg7[%swap3A_33, %swap3A_34] : memref<1x128xf32, #tpu.memory_space<vmem>>, vector<1x128xf32>
    tpu.vector_store %arg7[%swap3A_33, %swap3A_34], %max3A_32 {strides = array<i32>} : memref<1x128xf32, #tpu.memory_space<vmem>>, vector<1x128xf32>,
    return
  }
  func.func @transform_0(%arg0: i32) -> (i32, i32) {
    %c0_i32 = arith.constant 0 : i32
    %c0_i32_0 = arith.constant 0 : i32
    return %arg0, %c0_i32 : i32, i32
  }
  func.func @transform_1(%arg0: i32) -> (i32, i32) {
    %c0_i32 = arith.constant 0 : i32
    %c0_i32_0 = arith.constant 0 : i32
    return %arg0, %c0_i32 : i32, i32
  }
  func.func @transform_2(%arg0: i32) -> (i32, i32) {
    %c0_i32 = arith.constant 0 : i32
    %c0_i32_0 = arith.constant 0 : i32
    %c0_i32_1 = arith.constant 0 : i32
    return %c0_i32, %c0_i32_0 : i32, i32
  }
  func.func @transform_3(%arg0: i32) -> (i32, i32) {
    %c0_i32 = arith.constant 0 : i32
    %c0_i32_0 = arith.constant 0 : i32
    %c0_i32_1 = arith.constant 0 : i32
    return %c0_i32, %c0_i32_0 : i32, i32
  }
  func.func @transform_4(%arg0: i32) -> (i32, i32) {
    %c0_i32 = arith.constant 0 : i32
    %c0_i32_0 = arith.constant 0 : i32
    %c0_i32_1 = arith.constant 0 : i32
    return %c0_i32, %c0_i32_0 : i32, i32
  }
  func.func @transform_5(%arg0: i32) -> (i32, i32) {
    %c0_i32 = arith.constant 0 : i32
    %c0_i32_0 = arith.constant 0 : i32
    return %arg0, %c0_i32 : i32, i32
  }
  func.func @transform_6(%arg0: i32) -> (i32, i32) {
    %c0_i32 = arith.constant 0 : i32
    %c0_i32_0 = arith.constant 0 : i32
    %c0_i32_1 = arith.constant 0 : i32
    return %c0_i32, %c0_i32_0 : i32, i32
  }
}

module attributes {stable_mosaic.version = 14 : i64} {
  func.func @_exp_body(%arg0: i32, %arg1: memref<800x128xf32, #tpu.memory_space<vmem>>, %arg2: memref<1x128xf32, #tpu.memory_space<vmem>>, %arg3: memref<1x1x800xi32, #tpu.memory_space<vmem>>, %arg4: memref<800x128xf32, #tpu.memory_space<vmem>>, %arg5: memref<128x128xf32, #tpu.memory_space<vmem>>) attributes {dimension_semantics = [#tpu.dimension_semantics<arbitrary>], iteration_bounds = array<i64: 25>, scalar_prefetch = 0 : i64, scratch_operands = 0 : i64, tpu.core_type = #tpu.core_type<tc>, window_params = [{transform_indices = @transform_0, window_bounds = array<i64: 800, 128>}, {pipeline_mode = #tpu.pipeline_mode<synchronous>, transform_indices = @transform_1, window_bounds = array<i64: 1, 128>}, {transform_indices = @transform_2, window_bounds = array<i64: 1, 1, 800>}, {transform_indices = @transform_3, window_bounds = array<i64: 800, 128>}, {pipeline_mode = #tpu.pipeline_mode<synchronous>, transform_indices = @transform_4, window_bounds = array<i64: 128, 128>}]} {
    %eq3A = arith.constant 0 : i32
    %eq3A_0 = arith.cmpi eq, %arg0, %eq3A : i32
    %convert_element_type3A = arith.extui %eq3A_0 : i1 to i32
    %cond3A = arith.constant 0 : i32
    %cond3A_1 = arith.cmpi ne, %convert_element_type3A, %cond3A : i32
    scf.if %cond3A_1 {
      %broadcast_in_dim3A = arith.constant 0.000000e+00 : f32
      %broadcast_in_dim3A_30 = vector.broadcast %broadcast_in_dim3A : f32 to vector<128x128xf32>
      %swap3A_31 = arith.constant 0 : index
      %swap3A_32 = arith.constant 0 : index
      %swap3A_33 = vector.load %arg5[%swap3A_31, %swap3A_32] : memref<128x128xf32, #tpu.memory_space<vmem>>, vector<128x128xf32>
      tpu.vector_store %arg5[%swap3A_31, %swap3A_32], %broadcast_in_dim3A_30 {strides = array<i32>} : memref<128x128xf32, #tpu.memory_space<vmem>>, vector<128x128xf32>,
    } else {
    }
    %get3A = arith.constant 0 : index
    %get3A_2 = arith.constant 0 : index
    %get3A_3 = vector.load %arg2[%get3A, %get3A_2] : memref<1x128xf32, #tpu.memory_space<vmem>>, vector<1x128xf32>
    %reduce_max3A = vector.shape_cast %get3A_3 : vector<1x128xf32> to vector<1x1x128xf32>
    %reduce_max3A_4 = arith.constant dense<0xFF800000> : vector<1xf32>
    %reduce_max3A_5 = vector.multi_reduction <maximumf>, %reduce_max3A, %reduce_max3A_4 [1, 2] : vector<1x1x128xf32> to vector<1xf32>
    %reduce_max3A_6 = vector.shape_cast %reduce_max3A_5 : vector<1xf32> to vector<1x1x1xf32>
    %reduce_max3A_7 = vector.extract %reduce_max3A_6[0, 0, 0] : f32 from vector<1x1x1xf32>
    %get3A_8 = arith.constant 0 : index
    %get3A_9 = arith.constant 0 : index
    %get3A_10 = vector.load %arg1[%get3A_8, %get3A_9] : memref<800x128xf32, #tpu.memory_space<vmem>>, vector<800x128xf32>
    %sub3A = vector.broadcast %reduce_max3A_7 : f32 to vector<800x128xf32>
    %sub3A_11 = arith.subf %get3A_10, %sub3A : vector<800x128xf32>
    %exp3A = math.exp %sub3A_11 : vector<800x128xf32>
    %swap3A = arith.constant 0 : index
    %swap3A_12 = arith.constant 0 : index
    %swap3A_13 = vector.load %arg4[%swap3A, %swap3A_12] : memref<800x128xf32, #tpu.memory_space<vmem>>, vector<800x128xf32>
    tpu.vector_store %arg4[%swap3A, %swap3A_12], %exp3A {strides = array<i32>} : memref<800x128xf32, #tpu.memory_space<vmem>>, vector<800x128xf32>,
    %get3A_14 = arith.constant 0 : index
    %get3A_15 = arith.constant 0 : index
    %get3A_16 = arith.constant 0 : index
    %get3A_17 = vector.load %arg3[%get3A_14, %get3A_15, %get3A_16] : memref<1x1x800xi32, #tpu.memory_space<vmem>>, vector<1x1x800xi32>
    %get3A_18 = vector.shape_cast %get3A_17 : vector<1x1x800xi32> to vector<1x800xi32>
    %iota3A = tpu.iota {dimensions = array<i32: 0>} : vector<128x800xi32>
    %eq3A_19 = vector.broadcast %get3A_18 : vector<1x800xi32> to vector<128x800xi32>
    %eq3A_20 = arith.cmpi eq, %iota3A, %eq3A_19 : vector<128x800xi32>
    %convert_element_type3A_21 = arith.extui %eq3A_20 : vector<128x800xi1> to vector<128x800xi32>
    %convert_element_type3A_22 = arith.sitofp %convert_element_type3A_21 : vector<128x800xi32> to vector<128x800xf32>
    %get3A_23 = arith.constant 0 : index
    %get3A_24 = arith.constant 0 : index
    %get3A_25 = vector.load %arg5[%get3A_23, %get3A_24] : memref<128x128xf32, #tpu.memory_space<vmem>>, vector<128x128xf32>
    %dot_general3A = arith.constant dense<0.000000e+00> : vector<128x128xf32>
    %dot_general3A_26 = tpu.matmul %convert_element_type3A_22, %exp3A, %dot_general3A {dimension_numbers = #tpu.dot_dimension_numbers<[1], [0], [0], [1], [0, 0, 1, 1], [], []>, transpose_lhs_hint = false} : vector<128x800xf32>, vector<800x128xf32>, vector<128x128xf32> -> vector<128x128xf32>
    %add3A = arith.addf %get3A_25, %dot_general3A_26 : vector<128x128xf32>
    %swap3A_27 = arith.constant 0 : index
    %swap3A_28 = arith.constant 0 : index
    %swap3A_29 = vector.load %arg5[%swap3A_27, %swap3A_28] : memref<128x128xf32, #tpu.memory_space<vmem>>, vector<128x128xf32>
    tpu.vector_store %arg5[%swap3A_27, %swap3A_28], %add3A {strides = array<i32>} : memref<128x128xf32, #tpu.memory_space<vmem>>, vector<128x128xf32>,
    return
  }
  func.func @transform_0(%arg0: i32) -> (i32, i32) {
    %c0_i32 = arith.constant 0 : i32
    %c0_i32_0 = arith.constant 0 : i32
    return %arg0, %c0_i32 : i32, i32
  }
  func.func @transform_1(%arg0: i32) -> (i32, i32) {
    %c0_i32 = arith.constant 0 : i32
    %c0_i32_0 = arith.constant 0 : i32
    %c0_i32_1 = arith.constant 0 : i32
    return %c0_i32, %c0_i32_0 : i32, i32
  }
  func.func @transform_2(%arg0: i32) -> (i32, i32, i32) {
    %c0_i32 = arith.constant 0 : i32
    %c0_i32_0 = arith.constant 0 : i32
    %c0_i32_1 = arith.constant 0 : i32
    return %arg0, %c0_i32, %c0_i32_0 : i32, i32, i32
  }
  func.func @transform_3(%arg0: i32) -> (i32, i32) {
    %c0_i32 = arith.constant 0 : i32
    %c0_i32_0 = arith.constant 0 : i32
    return %arg0, %c0_i32 : i32, i32
  }
  func.func @transform_4(%arg0: i32) -> (i32, i32) {
    %c0_i32 = arith.constant 0 : i32
    %c0_i32_0 = arith.constant 0 : i32
    %c0_i32_1 = arith.constant 0 : i32
    return %c0_i32, %c0_i32_0 : i32, i32
  }
}

module attributes {stable_mosaic.version = 14 : i64} {
  func.func @_lw_body(%arg0: i32, %arg1: memref<800x128xf32, #tpu.memory_space<vmem>>, %arg2: memref<1x1x800xi32, #tpu.memory_space<vmem>>, %arg3: memref<128x128xf32, #tpu.memory_space<vmem>>, %arg4: memref<1x128xf32, #tpu.memory_space<vmem>>, %arg5: memref<128x128xf32, #tpu.memory_space<vmem>>, %arg6: memref<1x128xf32, #tpu.memory_space<vmem>>, %arg7: memref<1x128xf32, #tpu.memory_space<vmem>>, %arg8: memref<800x128xf32, #tpu.memory_space<vmem>>, %arg9: memref<512x128xf32, #tpu.memory_space<vmem>>, %arg10: memref<512x1xf32, #tpu.memory_space<vmem>>) attributes {dimension_semantics = [#tpu.dimension_semantics<arbitrary>], iteration_bounds = array<i64: 25>, scalar_prefetch = 0 : i64, scratch_operands = 0 : i64, tpu.core_type = #tpu.core_type<tc>, window_params = [{transform_indices = @transform_0, window_bounds = array<i64: 800, 128>}, {transform_indices = @transform_1, window_bounds = array<i64: 1, 1, 800>}, {pipeline_mode = #tpu.pipeline_mode<synchronous>, transform_indices = @transform_2, window_bounds = array<i64: 128, 128>}, {pipeline_mode = #tpu.pipeline_mode<synchronous>, transform_indices = @transform_3, window_bounds = array<i64: 1, 128>}, {pipeline_mode = #tpu.pipeline_mode<synchronous>, transform_indices = @transform_4, window_bounds = array<i64: 128, 128>}, {pipeline_mode = #tpu.pipeline_mode<synchronous>, transform_indices = @transform_5, window_bounds = array<i64: 1, 128>}, {pipeline_mode = #tpu.pipeline_mode<synchronous>, transform_indices = @transform_6, window_bounds = array<i64: 1, 128>}, {transform_indices = @transform_7, window_bounds = array<i64: 800, 128>}, {pipeline_mode = #tpu.pipeline_mode<synchronous>, transform_indices = @transform_8, window_bounds = array<i64: 512, 128>}, {pipeline_mode = #tpu.pipeline_mode<synchronous>, transform_indices = @transform_9, window_bounds = array<i64: 512, 1>}]} {
    %eq3A = arith.constant 0 : i32
    %eq3A_0 = arith.cmpi eq, %arg0, %eq3A : i32
    %convert_element_type3A = arith.extui %eq3A_0 : i1 to i32
    %cond3A = arith.constant 0 : i32
    %cond3A_1 = arith.cmpi ne, %convert_element_type3A, %cond3A : i32
    scf.if %cond3A_1 {
      %broadcast_in_dim3A_72 = arith.constant 0.000000e+00 : f32
      %broadcast_in_dim3A_73 = vector.broadcast %broadcast_in_dim3A_72 : f32 to vector<512x128xf32>
      %swap3A_74 = arith.constant 0 : index
      %swap3A_75 = arith.constant 0 : index
      %swap3A_76 = vector.load %arg9[%swap3A_74, %swap3A_75] : memref<512x128xf32, #tpu.memory_space<vmem>>, vector<512x128xf32>
      tpu.vector_store %arg9[%swap3A_74, %swap3A_75], %broadcast_in_dim3A_73 {strides = array<i32>} : memref<512x128xf32, #tpu.memory_space<vmem>>, vector<512x128xf32>,
      %broadcast_in_dim3A_77 = arith.constant 0.000000e+00 : f32
      %broadcast_in_dim3A_78 = vector.broadcast %broadcast_in_dim3A_77 : f32 to vector<512x1xf32>
      %swap3A_79 = arith.constant 0 : index
      %swap3A_80 = arith.constant 0 : index
      %swap3A_81 = vector.load %arg10[%swap3A_79, %swap3A_80] : memref<512x1xf32, #tpu.memory_space<vmem>>, vector<512x1xf32>
      tpu.vector_store %arg10[%swap3A_79, %swap3A_80], %broadcast_in_dim3A_78 {strides = array<i32>} : memref<512x1xf32, #tpu.memory_space<vmem>>, vector<512x1xf32>,
    } else {
    }
    %get3A = arith.constant 0 : index
    %get3A_2 = arith.constant 0 : index
    %get3A_3 = vector.load %arg3[%get3A, %get3A_2] : memref<128x128xf32, #tpu.memory_space<vmem>>, vector<128x128xf32>
    %get3A_4 = arith.constant 0 : index
    %get3A_5 = arith.constant 0 : index
    %get3A_6 = vector.load %arg4[%get3A_4, %get3A_5] : memref<1x128xf32, #tpu.memory_space<vmem>>, vector<1x128xf32>
    %get3A_7 = arith.constant 0 : index
    %get3A_8 = arith.constant 0 : index
    %get3A_9 = vector.load %arg5[%get3A_7, %get3A_8] : memref<128x128xf32, #tpu.memory_space<vmem>>, vector<128x128xf32>
    %get3A_10 = arith.constant 0 : index
    %get3A_11 = arith.constant 0 : index
    %get3A_12 = vector.load %arg6[%get3A_10, %get3A_11] : memref<1x128xf32, #tpu.memory_space<vmem>>, vector<1x128xf32>
    %get3A_13 = arith.constant 0 : index
    %get3A_14 = arith.constant 0 : index
    %get3A_15 = vector.load %arg7[%get3A_13, %get3A_14] : memref<1x128xf32, #tpu.memory_space<vmem>>, vector<1x128xf32>
    %div3A = arith.constant 2.000000e+04 : f32
    %div3A_16 = vector.broadcast %div3A : f32 to vector<1x128xf32>
    %div3A_17 = arith.divf %get3A_6, %div3A_16 : vector<1x128xf32>
    %dot_general3A = arith.constant dense<0.000000e+00> : vector<1x128xf32>
    %dot_general3A_18 = tpu.matmul %div3A_17, %get3A_9, %dot_general3A {dimension_numbers = #tpu.dot_dimension_numbers<[1], [0], [0], [1], [0, 0, 1, 1], [], []>, transpose_lhs_hint = false} : vector<1x128xf32>, vector<128x128xf32>, vector<1x128xf32> -> vector<1x128xf32>
    %dot_general3A_19 = arith.constant dense<0.000000e+00> : vector<128x128xf32>
    %dot_general3A_20 = tpu.matmul %get3A_3, %get3A_9, %dot_general3A_19 {dimension_numbers = #tpu.dot_dimension_numbers<[1], [0], [0], [1], [0, 0, 1, 1], [], []>, transpose_lhs_hint = false} : vector<128x128xf32>, vector<128x128xf32>, vector<128x128xf32> -> vector<128x128xf32>
    %mul3A = arith.mulf %get3A_9, %dot_general3A_20 : vector<128x128xf32>
    %reduce_sum3A = arith.constant dense<0.000000e+00> : vector<128xf32>
    %reduce_sum3A_21 = vector.multi_reduction <add>, %mul3A, %reduce_sum3A [0] : vector<128x128xf32> to vector<128xf32>
    %broadcast_in_dim3A = vector.shape_cast %reduce_sum3A_21 : vector<128xf32> to vector<1x128xf32>
    %div3A_22 = arith.constant 2.000000e+04 : f32
    %div3A_23 = vector.broadcast %div3A_22 : f32 to vector<1x128xf32>
    %div3A_24 = arith.divf %broadcast_in_dim3A, %div3A_23 : vector<1x128xf32>
    %mul3A_25 = arith.mulf %dot_general3A_18, %dot_general3A_18 : vector<1x128xf32>
    %sub3A = arith.subf %div3A_24, %mul3A_25 : vector<1x128xf32>
    %add3A = arith.constant 9.99999974E-6 : f32
    %add3A_26 = vector.broadcast %add3A : f32 to vector<1x128xf32>
    %add3A_27 = arith.addf %sub3A, %add3A_26 : vector<1x128xf32>
    %rsqrt3A = math.rsqrt %add3A_27 : vector<1x128xf32>
    %mul3A_28 = arith.mulf %get3A_12, %rsqrt3A : vector<1x128xf32>
    %mul3A_29 = vector.broadcast %mul3A_28 : vector<1x128xf32> to vector<128x128xf32>
    %mul3A_30 = arith.mulf %get3A_9, %mul3A_29 : vector<128x128xf32>
    %mul3A_31 = arith.mulf %dot_general3A_18, %mul3A_28 : vector<1x128xf32>
    %sub3A_32 = arith.subf %get3A_15, %mul3A_31 : vector<1x128xf32>
    %get3A_33 = arith.constant 0 : index
    %get3A_34 = arith.constant 0 : index
    %get3A_35 = vector.load %arg1[%get3A_33, %get3A_34] : memref<800x128xf32, #tpu.memory_space<vmem>>, vector<800x128xf32>
    %dot_general3A_36 = arith.constant dense<0.000000e+00> : vector<800x128xf32>
    %dot_general3A_37 = tpu.matmul %get3A_35, %mul3A_30, %dot_general3A_36 {dimension_numbers = #tpu.dot_dimension_numbers<[1], [0], [0], [1], [0, 0, 1, 1], [], []>, transpose_lhs_hint = false} : vector<800x128xf32>, vector<128x128xf32>, vector<800x128xf32> -> vector<800x128xf32>
    %add3A_38 = vector.broadcast %sub3A_32 : vector<1x128xf32> to vector<800x128xf32>
    %add3A_39 = arith.addf %dot_general3A_37, %add3A_38 : vector<800x128xf32>
    %max3A = arith.constant 0.000000e+00 : f32
    %max3A_40 = vector.broadcast %max3A : f32 to vector<800x128xf32>
    %max3A_41 = arith.maximumf %add3A_39, %max3A_40 : vector<800x128xf32>
    %swap3A = arith.constant 0 : index
    %swap3A_42 = arith.constant 0 : index
    %swap3A_43 = vector.load %arg8[%swap3A, %swap3A_42] : memref<800x128xf32, #tpu.memory_space<vmem>>, vector<800x128xf32>
    tpu.vector_store %arg8[%swap3A, %swap3A_42], %max3A_41 {strides = array<i32>} : memref<800x128xf32, #tpu.memory_space<vmem>>, vector<800x128xf32>,
    %get3A_44 = arith.constant 0 : index
    %get3A_45 = arith.constant 0 : index
    %get3A_46 = arith.constant 0 : index
    %get3A_47 = vector.load %arg2[%get3A_44, %get3A_45, %get3A_46] : memref<1x1x800xi32, #tpu.memory_space<vmem>>, vector<1x1x800xi32>
    %get3A_48 = vector.shape_cast %get3A_47 : vector<1x1x800xi32> to vector<1x800xi32>
    %iota3A = tpu.iota {dimensions = array<i32: 0>} : vector<512x800xi32>
    %eq3A_49 = vector.broadcast %get3A_48 : vector<1x800xi32> to vector<512x800xi32>
    %eq3A_50 = arith.cmpi eq, %iota3A, %eq3A_49 : vector<512x800xi32>
    %convert_element_type3A_51 = arith.extui %eq3A_50 : vector<512x800xi1> to vector<512x800xi32>
    %convert_element_type3A_52 = arith.sitofp %convert_element_type3A_51 : vector<512x800xi32> to vector<512x800xf32>
    %get3A_53 = arith.constant 0 : index
    %get3A_54 = arith.constant 0 : index
    %get3A_55 = vector.load %arg9[%get3A_53, %get3A_54] : memref<512x128xf32, #tpu.memory_space<vmem>>, vector<512x128xf32>
    %dot_general3A_56 = arith.constant dense<0.000000e+00> : vector<512x128xf32>
    %dot_general3A_57 = tpu.matmul %convert_element_type3A_52, %max3A_41, %dot_general3A_56 {dimension_numbers = #tpu.dot_dimension_numbers<[1], [0], [0], [1], [0, 0, 1, 1], [], []>, transpose_lhs_hint = false} : vector<512x800xf32>, vector<800x128xf32>, vector<512x128xf32> -> vector<512x128xf32>
    %add3A_58 = arith.addf %get3A_55, %dot_general3A_57 : vector<512x128xf32>
    %swap3A_59 = arith.constant 0 : index
    %swap3A_60 = arith.constant 0 : index
    %swap3A_61 = vector.load %arg9[%swap3A_59, %swap3A_60] : memref<512x128xf32, #tpu.memory_space<vmem>>, vector<512x128xf32>
    tpu.vector_store %arg9[%swap3A_59, %swap3A_60], %add3A_58 {strides = array<i32>} : memref<512x128xf32, #tpu.memory_space<vmem>>, vector<512x128xf32>,
    %get3A_62 = arith.constant 0 : index
    %get3A_63 = arith.constant 0 : index
    %get3A_64 = vector.load %arg10[%get3A_62, %get3A_63] : memref<512x1xf32, #tpu.memory_space<vmem>>, vector<512x1xf32>
    %reduce_sum3A_65 = arith.constant dense<0.000000e+00> : vector<512xf32>
    %reduce_sum3A_66 = vector.multi_reduction <add>, %convert_element_type3A_52, %reduce_sum3A_65 [1] : vector<512x800xf32> to vector<512xf32>
    %broadcast_in_dim3A_67 = vector.shape_cast %reduce_sum3A_66 : vector<512xf32> to vector<512x1xf32>
    %add3A_68 = arith.addf %get3A_64, %broadcast_in_dim3A_67 : vector<512x1xf32>
    %swap3A_69 = arith.constant 0 : index
    %swap3A_70 = arith.constant 0 : index
    %swap3A_71 = vector.load %arg10[%swap3A_69, %swap3A_70] : memref<512x1xf32, #tpu.memory_space<vmem>>, vector<512x1xf32>
    tpu.vector_store %arg10[%swap3A_69, %swap3A_70], %add3A_68 {strides = array<i32>} : memref<512x1xf32, #tpu.memory_space<vmem>>, vector<512x1xf32>,
    return
  }
  func.func @transform_0(%arg0: i32) -> (i32, i32) {
    %c0_i32 = arith.constant 0 : i32
    %c0_i32_0 = arith.constant 0 : i32
    return %arg0, %c0_i32 : i32, i32
  }
  func.func @transform_1(%arg0: i32) -> (i32, i32, i32) {
    %c0_i32 = arith.constant 0 : i32
    %c0_i32_0 = arith.constant 0 : i32
    %c0_i32_1 = arith.constant 0 : i32
    return %arg0, %c0_i32, %c0_i32_0 : i32, i32, i32
  }
  func.func @transform_2(%arg0: i32) -> (i32, i32) {
    %c0_i32 = arith.constant 0 : i32
    %c0_i32_0 = arith.constant 0 : i32
    %c0_i32_1 = arith.constant 0 : i32
    return %c0_i32, %c0_i32_0 : i32, i32
  }
  func.func @transform_3(%arg0: i32) -> (i32, i32) {
    %c0_i32 = arith.constant 0 : i32
    %c0_i32_0 = arith.constant 0 : i32
    %c0_i32_1 = arith.constant 0 : i32
    return %c0_i32, %c0_i32_0 : i32, i32
  }
  func.func @transform_4(%arg0: i32) -> (i32, i32) {
    %c0_i32 = arith.constant 0 : i32
    %c0_i32_0 = arith.constant 0 : i32
    %c0_i32_1 = arith.constant 0 : i32
    return %c0_i32, %c0_i32_0 : i32, i32
  }
  func.func @transform_5(%arg0: i32) -> (i32, i32) {
    %c0_i32 = arith.constant 0 : i32
    %c0_i32_0 = arith.constant 0 : i32
    %c0_i32_1 = arith.constant 0 : i32
    return %c0_i32, %c0_i32_0 : i32, i32
  }
  func.func @transform_6(%arg0: i32) -> (i32, i32) {
    %c0_i32 = arith.constant 0 : i32
    %c0_i32_0 = arith.constant 0 : i32
    %c0_i32_1 = arith.constant 0 : i32
    return %c0_i32, %c0_i32_0 : i32, i32
  }
  func.func @transform_7(%arg0: i32) -> (i32, i32) {
    %c0_i32 = arith.constant 0 : i32
    %c0_i32_0 = arith.constant 0 : i32
    return %arg0, %c0_i32 : i32, i32
  }
  func.func @transform_8(%arg0: i32) -> (i32, i32) {
    %c0_i32 = arith.constant 0 : i32
    %c0_i32_0 = arith.constant 0 : i32
    %c0_i32_1 = arith.constant 0 : i32
    return %c0_i32, %c0_i32_0 : i32, i32
  }
  func.func @transform_9(%arg0: i32) -> (i32, i32) {
    %c0_i32 = arith.constant 0 : i32
    %c0_i32_0 = arith.constant 0 : i32
    %c0_i32_1 = arith.constant 0 : i32
    return %c0_i32, %c0_i32_0 : i32, i32
  }
}

module attributes {stable_mosaic.version = 14 : i64} {
  func.func @_exp_body(%arg0: i32, %arg1: memref<800x128xf32, #tpu.memory_space<vmem>>, %arg2: memref<1x128xf32, #tpu.memory_space<vmem>>, %arg3: memref<1x1x800xi32, #tpu.memory_space<vmem>>, %arg4: memref<800x128xf32, #tpu.memory_space<vmem>>, %arg5: memref<512x128xf32, #tpu.memory_space<vmem>>) attributes {dimension_semantics = [#tpu.dimension_semantics<arbitrary>], iteration_bounds = array<i64: 25>, scalar_prefetch = 0 : i64, scratch_operands = 0 : i64, tpu.core_type = #tpu.core_type<tc>, window_params = [{transform_indices = @transform_0, window_bounds = array<i64: 800, 128>}, {pipeline_mode = #tpu.pipeline_mode<synchronous>, transform_indices = @transform_1, window_bounds = array<i64: 1, 128>}, {transform_indices = @transform_2, window_bounds = array<i64: 1, 1, 800>}, {transform_indices = @transform_3, window_bounds = array<i64: 800, 128>}, {pipeline_mode = #tpu.pipeline_mode<synchronous>, transform_indices = @transform_4, window_bounds = array<i64: 512, 128>}]} {
    %eq3A = arith.constant 0 : i32
    %eq3A_0 = arith.cmpi eq, %arg0, %eq3A : i32
    %convert_element_type3A = arith.extui %eq3A_0 : i1 to i32
    %cond3A = arith.constant 0 : i32
    %cond3A_1 = arith.cmpi ne, %convert_element_type3A, %cond3A : i32
    scf.if %cond3A_1 {
      %broadcast_in_dim3A = arith.constant 0.000000e+00 : f32
      %broadcast_in_dim3A_30 = vector.broadcast %broadcast_in_dim3A : f32 to vector<512x128xf32>
      %swap3A_31 = arith.constant 0 : index
      %swap3A_32 = arith.constant 0 : index
      %swap3A_33 = vector.load %arg5[%swap3A_31, %swap3A_32] : memref<512x128xf32, #tpu.memory_space<vmem>>, vector<512x128xf32>
      tpu.vector_store %arg5[%swap3A_31, %swap3A_32], %broadcast_in_dim3A_30 {strides = array<i32>} : memref<512x128xf32, #tpu.memory_space<vmem>>, vector<512x128xf32>,
    } else {
    }
    %get3A = arith.constant 0 : index
    %get3A_2 = arith.constant 0 : index
    %get3A_3 = vector.load %arg2[%get3A, %get3A_2] : memref<1x128xf32, #tpu.memory_space<vmem>>, vector<1x128xf32>
    %reduce_max3A = vector.shape_cast %get3A_3 : vector<1x128xf32> to vector<1x1x128xf32>
    %reduce_max3A_4 = arith.constant dense<0xFF800000> : vector<1xf32>
    %reduce_max3A_5 = vector.multi_reduction <maximumf>, %reduce_max3A, %reduce_max3A_4 [1, 2] : vector<1x1x128xf32> to vector<1xf32>
    %reduce_max3A_6 = vector.shape_cast %reduce_max3A_5 : vector<1xf32> to vector<1x1x1xf32>
    %reduce_max3A_7 = vector.extract %reduce_max3A_6[0, 0, 0] : f32 from vector<1x1x1xf32>
    %get3A_8 = arith.constant 0 : index
    %get3A_9 = arith.constant 0 : index
    %get3A_10 = vector.load %arg1[%get3A_8, %get3A_9] : memref<800x128xf32, #tpu.memory_space<vmem>>, vector<800x128xf32>
    %sub3A = vector.broadcast %reduce_max3A_7 : f32 to vector<800x128xf32>
    %sub3A_11 = arith.subf %get3A_10, %sub3A : vector<800x128xf32>
    %exp3A = math.exp %sub3A_11 : vector<800x128xf32>
    %swap3A = arith.constant 0 : index
    %swap3A_12 = arith.constant 0 : index
    %swap3A_13 = vector.load %arg4[%swap3A, %swap3A_12] : memref<800x128xf32, #tpu.memory_space<vmem>>, vector<800x128xf32>
    tpu.vector_store %arg4[%swap3A, %swap3A_12], %exp3A {strides = array<i32>} : memref<800x128xf32, #tpu.memory_space<vmem>>, vector<800x128xf32>,
    %get3A_14 = arith.constant 0 : index
    %get3A_15 = arith.constant 0 : index
    %get3A_16 = arith.constant 0 : index
    %get3A_17 = vector.load %arg3[%get3A_14, %get3A_15, %get3A_16] : memref<1x1x800xi32, #tpu.memory_space<vmem>>, vector<1x1x800xi32>
    %get3A_18 = vector.shape_cast %get3A_17 : vector<1x1x800xi32> to vector<1x800xi32>
    %iota3A = tpu.iota {dimensions = array<i32: 0>} : vector<512x800xi32>
    %eq3A_19 = vector.broadcast %get3A_18 : vector<1x800xi32> to vector<512x800xi32>
    %eq3A_20 = arith.cmpi eq, %iota3A, %eq3A_19 : vector<512x800xi32>
    %convert_element_type3A_21 = arith.extui %eq3A_20 : vector<512x800xi1> to vector<512x800xi32>
    %convert_element_type3A_22 = arith.sitofp %convert_element_type3A_21 : vector<512x800xi32> to vector<512x800xf32>
    %get3A_23 = arith.constant 0 : index
    %get3A_24 = arith.constant 0 : index
    %get3A_25 = vector.load %arg5[%get3A_23, %get3A_24] : memref<512x128xf32, #tpu.memory_space<vmem>>, vector<512x128xf32>
    %dot_general3A = arith.constant dense<0.000000e+00> : vector<512x128xf32>
    %dot_general3A_26 = tpu.matmul %convert_element_type3A_22, %exp3A, %dot_general3A {dimension_numbers = #tpu.dot_dimension_numbers<[1], [0], [0], [1], [0, 0, 1, 1], [], []>, transpose_lhs_hint = false} : vector<512x800xf32>, vector<800x128xf32>, vector<512x128xf32> -> vector<512x128xf32>
    %add3A = arith.addf %get3A_25, %dot_general3A_26 : vector<512x128xf32>
    %swap3A_27 = arith.constant 0 : index
    %swap3A_28 = arith.constant 0 : index
    %swap3A_29 = vector.load %arg5[%swap3A_27, %swap3A_28] : memref<512x128xf32, #tpu.memory_space<vmem>>, vector<512x128xf32>
    tpu.vector_store %arg5[%swap3A_27, %swap3A_28], %add3A {strides = array<i32>} : memref<512x128xf32, #tpu.memory_space<vmem>>, vector<512x128xf32>,
    return
  }
  func.func @transform_0(%arg0: i32) -> (i32, i32) {
    %c0_i32 = arith.constant 0 : i32
    %c0_i32_0 = arith.constant 0 : i32
    return %arg0, %c0_i32 : i32, i32
  }
  func.func @transform_1(%arg0: i32) -> (i32, i32) {
    %c0_i32 = arith.constant 0 : i32
    %c0_i32_0 = arith.constant 0 : i32
    %c0_i32_1 = arith.constant 0 : i32
    return %c0_i32, %c0_i32_0 : i32, i32
  }
  func.func @transform_2(%arg0: i32) -> (i32, i32, i32) {
    %c0_i32 = arith.constant 0 : i32
    %c0_i32_0 = arith.constant 0 : i32
    %c0_i32_1 = arith.constant 0 : i32
    return %arg0, %c0_i32, %c0_i32_0 : i32, i32, i32
  }
  func.func @transform_3(%arg0: i32) -> (i32, i32) {
    %c0_i32 = arith.constant 0 : i32
    %c0_i32_0 = arith.constant 0 : i32
    return %arg0, %c0_i32 : i32, i32
  }
  func.func @transform_4(%arg0: i32) -> (i32, i32) {
    %c0_i32 = arith.constant 0 : i32
    %c0_i32_0 = arith.constant 0 : i32
    %c0_i32_1 = arith.constant 0 : i32
    return %c0_i32, %c0_i32_0 : i32, i32
  }
}

module attributes {stable_mosaic.version = 14 : i64} {
  func.func @_subwt_body(%arg0: i32, %arg1: memref<800x128xf32, #tpu.memory_space<vmem>>, %arg2: memref<800x1xi32, #tpu.memory_space<vmem>>, %arg3: memref<512x128xf32, #tpu.memory_space<vmem>>, %arg4: memref<512x1xf32, #tpu.memory_space<vmem>>, %arg5: memref<128x128xf32, #tpu.memory_space<vmem>>, %arg6: memref<800x128xf32, #tpu.memory_space<vmem>>, %arg7: memref<1x128xf32, #tpu.memory_space<vmem>>) attributes {dimension_semantics = [#tpu.dimension_semantics<arbitrary>], iteration_bounds = array<i64: 25>, scalar_prefetch = 0 : i64, scratch_operands = 0 : i64, tpu.core_type = #tpu.core_type<tc>, window_params = [{transform_indices = @transform_0, window_bounds = array<i64: 800, 128>}, {transform_indices = @transform_1, window_bounds = array<i64: 800, 1>}, {pipeline_mode = #tpu.pipeline_mode<synchronous>, transform_indices = @transform_2, window_bounds = array<i64: 512, 128>}, {pipeline_mode = #tpu.pipeline_mode<synchronous>, transform_indices = @transform_3, window_bounds = array<i64: 512, 1>}, {pipeline_mode = #tpu.pipeline_mode<synchronous>, transform_indices = @transform_4, window_bounds = array<i64: 128, 128>}, {transform_indices = @transform_5, window_bounds = array<i64: 800, 128>}, {pipeline_mode = #tpu.pipeline_mode<synchronous>, transform_indices = @transform_6, window_bounds = array<i64: 1, 128>}]} {
    %eq3A = arith.constant 0 : i32
    %eq3A_0 = arith.cmpi eq, %arg0, %eq3A : i32
    %convert_element_type3A = arith.extui %eq3A_0 : i1 to i32
    %cond3A = arith.constant 0 : i32
    %cond3A_1 = arith.cmpi ne, %convert_element_type3A, %cond3A : i32
    scf.if %cond3A_1 {
      %broadcast_in_dim3A_36 = arith.constant 0xFF800000 : f32
      %broadcast_in_dim3A_37 = vector.broadcast %broadcast_in_dim3A_36 : f32 to vector<1x128xf32>
      %swap3A_38 = arith.constant 0 : index
      %swap3A_39 = arith.constant 0 : index
      %swap3A_40 = vector.load %arg7[%swap3A_38, %swap3A_39] : memref<1x128xf32, #tpu.memory_space<vmem>>, vector<1x128xf32>
      tpu.vector_store %arg7[%swap3A_38, %swap3A_39], %broadcast_in_dim3A_37 {strides = array<i32>} : memref<1x128xf32, #tpu.memory_space<vmem>>, vector<1x128xf32>,
    } else {
    }
    %get3A = arith.constant 0 : index
    %get3A_2 = arith.constant 0 : index
    %get3A_3 = vector.load %arg3[%get3A, %get3A_2] : memref<512x128xf32, #tpu.memory_space<vmem>>, vector<512x128xf32>
    %get3A_4 = arith.constant 0 : index
    %get3A_5 = arith.constant 0 : index
    %get3A_6 = vector.load %arg4[%get3A_4, %get3A_5] : memref<512x1xf32, #tpu.memory_space<vmem>>, vector<512x1xf32>
    %max3A = arith.constant 1.000000e+00 : f32
    %max3A_7 = vector.broadcast %max3A : f32 to vector<512x1xf32>
    %max3A_8 = arith.maximumf %get3A_6, %max3A_7 : vector<512x1xf32>
    %div3A = vector.broadcast %max3A_8 : vector<512x1xf32> to vector<512x128xf32>
    %div3A_9 = arith.divf %get3A_3, %div3A : vector<512x128xf32>
    %get3A_10 = arith.constant 0 : index
    %get3A_11 = arith.constant 0 : index
    %get3A_12 = vector.load %arg2[%get3A_10, %get3A_11] : memref<800x1xi32, #tpu.memory_space<vmem>>, vector<800x1xi32>
    %iota3A = tpu.iota {dimensions = array<i32: 1>} : vector<800x512xi32>
    %eq3A_13 = vector.broadcast %get3A_12 : vector<800x1xi32> to vector<800x512xi32>
    %eq3A_14 = arith.cmpi eq, %iota3A, %eq3A_13 : vector<800x512xi32>
    %convert_element_type3A_15 = arith.extui %eq3A_14 : vector<800x512xi1> to vector<800x512xi32>
    %convert_element_type3A_16 = arith.sitofp %convert_element_type3A_15 : vector<800x512xi32> to vector<800x512xf32>
    %get3A_17 = arith.constant 0 : index
    %get3A_18 = arith.constant 0 : index
    %get3A_19 = vector.load %arg1[%get3A_17, %get3A_18] : memref<800x128xf32, #tpu.memory_space<vmem>>, vector<800x128xf32>
    %dot_general3A = arith.constant dense<0.000000e+00> : vector<800x128xf32>
    %dot_general3A_20 = tpu.matmul %convert_element_type3A_16, %div3A_9, %dot_general3A {dimension_numbers = #tpu.dot_dimension_numbers<[1], [0], [0], [1], [0, 0, 1, 1], [], []>, transpose_lhs_hint = false} : vector<800x512xf32>, vector<512x128xf32>, vector<800x128xf32> -> vector<800x128xf32>
    %sub3A = arith.subf %get3A_19, %dot_general3A_20 : vector<800x128xf32>
    %get3A_21 = arith.constant 0 : index
    %get3A_22 = arith.constant 0 : index
    %get3A_23 = vector.load %arg5[%get3A_21, %get3A_22] : memref<128x128xf32, #tpu.memory_space<vmem>>, vector<128x128xf32>
    %dot_general3A_24 = arith.constant dense<0.000000e+00> : vector<800x128xf32>
    %dot_general3A_25 = tpu.matmul %sub3A, %get3A_23, %dot_general3A_24 {dimension_numbers = #tpu.dot_dimension_numbers<[1], [0], [0], [1], [0, 0, 1, 1], [], []>, transpose_lhs_hint = false} : vector<800x128xf32>, vector<128x128xf32>, vector<800x128xf32> -> vector<800x128xf32>
    %swap3A = arith.constant 0 : index
    %swap3A_26 = arith.constant 0 : index
    %swap3A_27 = vector.load %arg6[%swap3A, %swap3A_26] : memref<800x128xf32, #tpu.memory_space<vmem>>, vector<800x128xf32>
    tpu.vector_store %arg6[%swap3A, %swap3A_26], %dot_general3A_25 {strides = array<i32>} : memref<800x128xf32, #tpu.memory_space<vmem>>, vector<800x128xf32>,
    %get3A_28 = arith.constant 0 : index
    %get3A_29 = arith.constant 0 : index
    %get3A_30 = vector.load %arg7[%get3A_28, %get3A_29] : memref<1x128xf32, #tpu.memory_space<vmem>>, vector<1x128xf32>
    %reduce_max3A = arith.constant dense<0xFF800000> : vector<128xf32>
    %reduce_max3A_31 = vector.multi_reduction <maximumf>, %dot_general3A_25, %reduce_max3A [0] : vector<800x128xf32> to vector<128xf32>
    %broadcast_in_dim3A = vector.shape_cast %reduce_max3A_31 : vector<128xf32> to vector<1x128xf32>
    %max3A_32 = arith.maximumf %get3A_30, %broadcast_in_dim3A : vector<1x128xf32>
    %swap3A_33 = arith.constant 0 : index
    %swap3A_34 = arith.constant 0 : index
    %swap3A_35 = vector.load %arg7[%swap3A_33, %swap3A_34] : memref<1x128xf32, #tpu.memory_space<vmem>>, vector<1x128xf32>
    tpu.vector_store %arg7[%swap3A_33, %swap3A_34], %max3A_32 {strides = array<i32>} : memref<1x128xf32, #tpu.memory_space<vmem>>, vector<1x128xf32>,
    return
  }
  func.func @transform_0(%arg0: i32) -> (i32, i32) {
    %c0_i32 = arith.constant 0 : i32
    %c0_i32_0 = arith.constant 0 : i32
    return %arg0, %c0_i32 : i32, i32
  }
  func.func @transform_1(%arg0: i32) -> (i32, i32) {
    %c0_i32 = arith.constant 0 : i32
    %c0_i32_0 = arith.constant 0 : i32
    return %arg0, %c0_i32 : i32, i32
  }
  func.func @transform_2(%arg0: i32) -> (i32, i32) {
    %c0_i32 = arith.constant 0 : i32
    %c0_i32_0 = arith.constant 0 : i32
    %c0_i32_1 = arith.constant 0 : i32
    return %c0_i32, %c0_i32_0 : i32, i32
  }
  func.func @transform_3(%arg0: i32) -> (i32, i32) {
    %c0_i32 = arith.constant 0 : i32
    %c0_i32_0 = arith.constant 0 : i32
    %c0_i32_1 = arith.constant 0 : i32
    return %c0_i32, %c0_i32_0 : i32, i32
  }
  func.func @transform_4(%arg0: i32) -> (i32, i32) {
    %c0_i32 = arith.constant 0 : i32
    %c0_i32_0 = arith.constant 0 : i32
    %c0_i32_1 = arith.constant 0 : i32
    return %c0_i32, %c0_i32_0 : i32, i32
  }
  func.func @transform_5(%arg0: i32) -> (i32, i32) {
    %c0_i32 = arith.constant 0 : i32
    %c0_i32_0 = arith.constant 0 : i32
    return %arg0, %c0_i32 : i32, i32
  }
  func.func @transform_6(%arg0: i32) -> (i32, i32) {
    %c0_i32 = arith.constant 0 : i32
    %c0_i32_0 = arith.constant 0 : i32
    %c0_i32_1 = arith.constant 0 : i32
    return %c0_i32, %c0_i32_0 : i32, i32
  }
}

module attributes {stable_mosaic.version = 14 : i64} {
  func.func @_lw_body(%arg0: i32, %arg1: memref<800x128xf32, #tpu.memory_space<vmem>>, %arg2: memref<1x1x800xi32, #tpu.memory_space<vmem>>, %arg3: memref<128x128xf32, #tpu.memory_space<vmem>>, %arg4: memref<1x128xf32, #tpu.memory_space<vmem>>, %arg5: memref<128x128xf32, #tpu.memory_space<vmem>>, %arg6: memref<1x128xf32, #tpu.memory_space<vmem>>, %arg7: memref<1x128xf32, #tpu.memory_space<vmem>>, %arg8: memref<800x128xf32, #tpu.memory_space<vmem>>, %arg9: memref<2048x128xf32, #tpu.memory_space<vmem>>, %arg10: memref<2048x1xf32, #tpu.memory_space<vmem>>) attributes {dimension_semantics = [#tpu.dimension_semantics<arbitrary>], iteration_bounds = array<i64: 25>, scalar_prefetch = 0 : i64, scratch_operands = 0 : i64, tpu.core_type = #tpu.core_type<tc>, window_params = [{transform_indices = @transform_0, window_bounds = array<i64: 800, 128>}, {transform_indices = @transform_1, window_bounds = array<i64: 1, 1, 800>}, {pipeline_mode = #tpu.pipeline_mode<synchronous>, transform_indices = @transform_2, window_bounds = array<i64: 128, 128>}, {pipeline_mode = #tpu.pipeline_mode<synchronous>, transform_indices = @transform_3, window_bounds = array<i64: 1, 128>}, {pipeline_mode = #tpu.pipeline_mode<synchronous>, transform_indices = @transform_4, window_bounds = array<i64: 128, 128>}, {pipeline_mode = #tpu.pipeline_mode<synchronous>, transform_indices = @transform_5, window_bounds = array<i64: 1, 128>}, {pipeline_mode = #tpu.pipeline_mode<synchronous>, transform_indices = @transform_6, window_bounds = array<i64: 1, 128>}, {transform_indices = @transform_7, window_bounds = array<i64: 800, 128>}, {pipeline_mode = #tpu.pipeline_mode<synchronous>, transform_indices = @transform_8, window_bounds = array<i64: 2048, 128>}, {pipeline_mode = #tpu.pipeline_mode<synchronous>, transform_indices = @transform_9, window_bounds = array<i64: 2048, 1>}]} {
    %eq3A = arith.constant 0 : i32
    %eq3A_0 = arith.cmpi eq, %arg0, %eq3A : i32
    %convert_element_type3A = arith.extui %eq3A_0 : i1 to i32
    %cond3A = arith.constant 0 : i32
    %cond3A_1 = arith.cmpi ne, %convert_element_type3A, %cond3A : i32
    scf.if %cond3A_1 {
      %broadcast_in_dim3A_72 = arith.constant 0.000000e+00 : f32
      %broadcast_in_dim3A_73 = vector.broadcast %broadcast_in_dim3A_72 : f32 to vector<2048x128xf32>
      %swap3A_74 = arith.constant 0 : index
      %swap3A_75 = arith.constant 0 : index
      %swap3A_76 = vector.load %arg9[%swap3A_74, %swap3A_75] : memref<2048x128xf32, #tpu.memory_space<vmem>>, vector<2048x128xf32>
      tpu.vector_store %arg9[%swap3A_74, %swap3A_75], %broadcast_in_dim3A_73 {strides = array<i32>} : memref<2048x128xf32, #tpu.memory_space<vmem>>, vector<2048x128xf32>,
      %broadcast_in_dim3A_77 = arith.constant 0.000000e+00 : f32
      %broadcast_in_dim3A_78 = vector.broadcast %broadcast_in_dim3A_77 : f32 to vector<2048x1xf32>
      %swap3A_79 = arith.constant 0 : index
      %swap3A_80 = arith.constant 0 : index
      %swap3A_81 = vector.load %arg10[%swap3A_79, %swap3A_80] : memref<2048x1xf32, #tpu.memory_space<vmem>>, vector<2048x1xf32>
      tpu.vector_store %arg10[%swap3A_79, %swap3A_80], %broadcast_in_dim3A_78 {strides = array<i32>} : memref<2048x1xf32, #tpu.memory_space<vmem>>, vector<2048x1xf32>,
    } else {
    }
    %get3A = arith.constant 0 : index
    %get3A_2 = arith.constant 0 : index
    %get3A_3 = vector.load %arg3[%get3A, %get3A_2] : memref<128x128xf32, #tpu.memory_space<vmem>>, vector<128x128xf32>
    %get3A_4 = arith.constant 0 : index
    %get3A_5 = arith.constant 0 : index
    %get3A_6 = vector.load %arg4[%get3A_4, %get3A_5] : memref<1x128xf32, #tpu.memory_space<vmem>>, vector<1x128xf32>
    %get3A_7 = arith.constant 0 : index
    %get3A_8 = arith.constant 0 : index
    %get3A_9 = vector.load %arg5[%get3A_7, %get3A_8] : memref<128x128xf32, #tpu.memory_space<vmem>>, vector<128x128xf32>
    %get3A_10 = arith.constant 0 : index
    %get3A_11 = arith.constant 0 : index
    %get3A_12 = vector.load %arg6[%get3A_10, %get3A_11] : memref<1x128xf32, #tpu.memory_space<vmem>>, vector<1x128xf32>
    %get3A_13 = arith.constant 0 : index
    %get3A_14 = arith.constant 0 : index
    %get3A_15 = vector.load %arg7[%get3A_13, %get3A_14] : memref<1x128xf32, #tpu.memory_space<vmem>>, vector<1x128xf32>
    %div3A = arith.constant 2.000000e+04 : f32
    %div3A_16 = vector.broadcast %div3A : f32 to vector<1x128xf32>
    %div3A_17 = arith.divf %get3A_6, %div3A_16 : vector<1x128xf32>
    %dot_general3A = arith.constant dense<0.000000e+00> : vector<1x128xf32>
    %dot_general3A_18 = tpu.matmul %div3A_17, %get3A_9, %dot_general3A {dimension_numbers = #tpu.dot_dimension_numbers<[1], [0], [0], [1], [0, 0, 1, 1], [], []>, transpose_lhs_hint = false} : vector<1x128xf32>, vector<128x128xf32>, vector<1x128xf32> -> vector<1x128xf32>
    %dot_general3A_19 = arith.constant dense<0.000000e+00> : vector<128x128xf32>
    %dot_general3A_20 = tpu.matmul %get3A_3, %get3A_9, %dot_general3A_19 {dimension_numbers = #tpu.dot_dimension_numbers<[1], [0], [0], [1], [0, 0, 1, 1], [], []>, transpose_lhs_hint = false} : vector<128x128xf32>, vector<128x128xf32>, vector<128x128xf32> -> vector<128x128xf32>
    %mul3A = arith.mulf %get3A_9, %dot_general3A_20 : vector<128x128xf32>
    %reduce_sum3A = arith.constant dense<0.000000e+00> : vector<128xf32>
    %reduce_sum3A_21 = vector.multi_reduction <add>, %mul3A, %reduce_sum3A [0] : vector<128x128xf32> to vector<128xf32>
    %broadcast_in_dim3A = vector.shape_cast %reduce_sum3A_21 : vector<128xf32> to vector<1x128xf32>
    %div3A_22 = arith.constant 2.000000e+04 : f32
    %div3A_23 = vector.broadcast %div3A_22 : f32 to vector<1x128xf32>
    %div3A_24 = arith.divf %broadcast_in_dim3A, %div3A_23 : vector<1x128xf32>
    %mul3A_25 = arith.mulf %dot_general3A_18, %dot_general3A_18 : vector<1x128xf32>
    %sub3A = arith.subf %div3A_24, %mul3A_25 : vector<1x128xf32>
    %add3A = arith.constant 9.99999974E-6 : f32
    %add3A_26 = vector.broadcast %add3A : f32 to vector<1x128xf32>
    %add3A_27 = arith.addf %sub3A, %add3A_26 : vector<1x128xf32>
    %rsqrt3A = math.rsqrt %add3A_27 : vector<1x128xf32>
    %mul3A_28 = arith.mulf %get3A_12, %rsqrt3A : vector<1x128xf32>
    %mul3A_29 = vector.broadcast %mul3A_28 : vector<1x128xf32> to vector<128x128xf32>
    %mul3A_30 = arith.mulf %get3A_9, %mul3A_29 : vector<128x128xf32>
    %mul3A_31 = arith.mulf %dot_general3A_18, %mul3A_28 : vector<1x128xf32>
    %sub3A_32 = arith.subf %get3A_15, %mul3A_31 : vector<1x128xf32>
    %get3A_33 = arith.constant 0 : index
    %get3A_34 = arith.constant 0 : index
    %get3A_35 = vector.load %arg1[%get3A_33, %get3A_34] : memref<800x128xf32, #tpu.memory_space<vmem>>, vector<800x128xf32>
    %dot_general3A_36 = arith.constant dense<0.000000e+00> : vector<800x128xf32>
    %dot_general3A_37 = tpu.matmul %get3A_35, %mul3A_30, %dot_general3A_36 {dimension_numbers = #tpu.dot_dimension_numbers<[1], [0], [0], [1], [0, 0, 1, 1], [], []>, transpose_lhs_hint = false} : vector<800x128xf32>, vector<128x128xf32>, vector<800x128xf32> -> vector<800x128xf32>
    %add3A_38 = vector.broadcast %sub3A_32 : vector<1x128xf32> to vector<800x128xf32>
    %add3A_39 = arith.addf %dot_general3A_37, %add3A_38 : vector<800x128xf32>
    %max3A = arith.constant 0.000000e+00 : f32
    %max3A_40 = vector.broadcast %max3A : f32 to vector<800x128xf32>
    %max3A_41 = arith.maximumf %add3A_39, %max3A_40 : vector<800x128xf32>
    %swap3A = arith.constant 0 : index
    %swap3A_42 = arith.constant 0 : index
    %swap3A_43 = vector.load %arg8[%swap3A, %swap3A_42] : memref<800x128xf32, #tpu.memory_space<vmem>>, vector<800x128xf32>
    tpu.vector_store %arg8[%swap3A, %swap3A_42], %max3A_41 {strides = array<i32>} : memref<800x128xf32, #tpu.memory_space<vmem>>, vector<800x128xf32>,
    %get3A_44 = arith.constant 0 : index
    %get3A_45 = arith.constant 0 : index
    %get3A_46 = arith.constant 0 : index
    %get3A_47 = vector.load %arg2[%get3A_44, %get3A_45, %get3A_46] : memref<1x1x800xi32, #tpu.memory_space<vmem>>, vector<1x1x800xi32>
    %get3A_48 = vector.shape_cast %get3A_47 : vector<1x1x800xi32> to vector<1x800xi32>
    %iota3A = tpu.iota {dimensions = array<i32: 0>} : vector<2048x800xi32>
    %eq3A_49 = vector.broadcast %get3A_48 : vector<1x800xi32> to vector<2048x800xi32>
    %eq3A_50 = arith.cmpi eq, %iota3A, %eq3A_49 : vector<2048x800xi32>
    %convert_element_type3A_51 = arith.extui %eq3A_50 : vector<2048x800xi1> to vector<2048x800xi32>
    %convert_element_type3A_52 = arith.sitofp %convert_element_type3A_51 : vector<2048x800xi32> to vector<2048x800xf32>
    %get3A_53 = arith.constant 0 : index
    %get3A_54 = arith.constant 0 : index
    %get3A_55 = vector.load %arg9[%get3A_53, %get3A_54] : memref<2048x128xf32, #tpu.memory_space<vmem>>, vector<2048x128xf32>
    %dot_general3A_56 = arith.constant dense<0.000000e+00> : vector<2048x128xf32>
    %dot_general3A_57 = tpu.matmul %convert_element_type3A_52, %max3A_41, %dot_general3A_56 {dimension_numbers = #tpu.dot_dimension_numbers<[1], [0], [0], [1], [0, 0, 1, 1], [], []>, transpose_lhs_hint = false} : vector<2048x800xf32>, vector<800x128xf32>, vector<2048x128xf32> -> vector<2048x128xf32>
    %add3A_58 = arith.addf %get3A_55, %dot_general3A_57 : vector<2048x128xf32>
    %swap3A_59 = arith.constant 0 : index
    %swap3A_60 = arith.constant 0 : index
    %swap3A_61 = vector.load %arg9[%swap3A_59, %swap3A_60] : memref<2048x128xf32, #tpu.memory_space<vmem>>, vector<2048x128xf32>
    tpu.vector_store %arg9[%swap3A_59, %swap3A_60], %add3A_58 {strides = array<i32>} : memref<2048x128xf32, #tpu.memory_space<vmem>>, vector<2048x128xf32>,
    %get3A_62 = arith.constant 0 : index
    %get3A_63 = arith.constant 0 : index
    %get3A_64 = vector.load %arg10[%get3A_62, %get3A_63] : memref<2048x1xf32, #tpu.memory_space<vmem>>, vector<2048x1xf32>
    %reduce_sum3A_65 = arith.constant dense<0.000000e+00> : vector<2048xf32>
    %reduce_sum3A_66 = vector.multi_reduction <add>, %convert_element_type3A_52, %reduce_sum3A_65 [1] : vector<2048x800xf32> to vector<2048xf32>
    %broadcast_in_dim3A_67 = vector.shape_cast %reduce_sum3A_66 : vector<2048xf32> to vector<2048x1xf32>
    %add3A_68 = arith.addf %get3A_64, %broadcast_in_dim3A_67 : vector<2048x1xf32>
    %swap3A_69 = arith.constant 0 : index
    %swap3A_70 = arith.constant 0 : index
    %swap3A_71 = vector.load %arg10[%swap3A_69, %swap3A_70] : memref<2048x1xf32, #tpu.memory_space<vmem>>, vector<2048x1xf32>
    tpu.vector_store %arg10[%swap3A_69, %swap3A_70], %add3A_68 {strides = array<i32>} : memref<2048x1xf32, #tpu.memory_space<vmem>>, vector<2048x1xf32>,
    return
  }
  func.func @transform_0(%arg0: i32) -> (i32, i32) {
    %c0_i32 = arith.constant 0 : i32
    %c0_i32_0 = arith.constant 0 : i32
    return %arg0, %c0_i32 : i32, i32
  }
  func.func @transform_1(%arg0: i32) -> (i32, i32, i32) {
    %c0_i32 = arith.constant 0 : i32
    %c0_i32_0 = arith.constant 0 : i32
    %c0_i32_1 = arith.constant 0 : i32
    return %arg0, %c0_i32, %c0_i32_0 : i32, i32, i32
  }
  func.func @transform_2(%arg0: i32) -> (i32, i32) {
    %c0_i32 = arith.constant 0 : i32
    %c0_i32_0 = arith.constant 0 : i32
    %c0_i32_1 = arith.constant 0 : i32
    return %c0_i32, %c0_i32_0 : i32, i32
  }
  func.func @transform_3(%arg0: i32) -> (i32, i32) {
    %c0_i32 = arith.constant 0 : i32
    %c0_i32_0 = arith.constant 0 : i32
    %c0_i32_1 = arith.constant 0 : i32
    return %c0_i32, %c0_i32_0 : i32, i32
  }
  func.func @transform_4(%arg0: i32) -> (i32, i32) {
    %c0_i32 = arith.constant 0 : i32
    %c0_i32_0 = arith.constant 0 : i32
    %c0_i32_1 = arith.constant 0 : i32
    return %c0_i32, %c0_i32_0 : i32, i32
  }
  func.func @transform_5(%arg0: i32) -> (i32, i32) {
    %c0_i32 = arith.constant 0 : i32
    %c0_i32_0 = arith.constant 0 : i32
    %c0_i32_1 = arith.constant 0 : i32
    return %c0_i32, %c0_i32_0 : i32, i32
  }
  func.func @transform_6(%arg0: i32) -> (i32, i32) {
    %c0_i32 = arith.constant 0 : i32
    %c0_i32_0 = arith.constant 0 : i32
    %c0_i32_1 = arith.constant 0 : i32
    return %c0_i32, %c0_i32_0 : i32, i32
  }
  func.func @transform_7(%arg0: i32) -> (i32, i32) {
    %c0_i32 = arith.constant 0 : i32
    %c0_i32_0 = arith.constant 0 : i32
    return %arg0, %c0_i32 : i32, i32
  }
  func.func @transform_8(%arg0: i32) -> (i32, i32) {
    %c0_i32 = arith.constant 0 : i32
    %c0_i32_0 = arith.constant 0 : i32
    %c0_i32_1 = arith.constant 0 : i32
    return %c0_i32, %c0_i32_0 : i32, i32
  }
  func.func @transform_9(%arg0: i32) -> (i32, i32) {
    %c0_i32 = arith.constant 0 : i32
    %c0_i32_0 = arith.constant 0 : i32
    %c0_i32_1 = arith.constant 0 : i32
    return %c0_i32, %c0_i32_0 : i32, i32
  }
}

module attributes {stable_mosaic.version = 14 : i64} {
  func.func @_subwt_body(%arg0: i32, %arg1: memref<800x128xf32, #tpu.memory_space<vmem>>, %arg2: memref<800x1xi32, #tpu.memory_space<vmem>>, %arg3: memref<2048x128xf32, #tpu.memory_space<vmem>>, %arg4: memref<2048x1xf32, #tpu.memory_space<vmem>>, %arg5: memref<128x128xf32, #tpu.memory_space<vmem>>, %arg6: memref<800x128xf32, #tpu.memory_space<vmem>>, %arg7: memref<1x128xf32, #tpu.memory_space<vmem>>) attributes {dimension_semantics = [#tpu.dimension_semantics<arbitrary>], iteration_bounds = array<i64: 25>, scalar_prefetch = 0 : i64, scratch_operands = 0 : i64, tpu.core_type = #tpu.core_type<tc>, window_params = [{transform_indices = @transform_0, window_bounds = array<i64: 800, 128>}, {transform_indices = @transform_1, window_bounds = array<i64: 800, 1>}, {pipeline_mode = #tpu.pipeline_mode<synchronous>, transform_indices = @transform_2, window_bounds = array<i64: 2048, 128>}, {pipeline_mode = #tpu.pipeline_mode<synchronous>, transform_indices = @transform_3, window_bounds = array<i64: 2048, 1>}, {pipeline_mode = #tpu.pipeline_mode<synchronous>, transform_indices = @transform_4, window_bounds = array<i64: 128, 128>}, {transform_indices = @transform_5, window_bounds = array<i64: 800, 128>}, {pipeline_mode = #tpu.pipeline_mode<synchronous>, transform_indices = @transform_6, window_bounds = array<i64: 1, 128>}]} {
    %eq3A = arith.constant 0 : i32
    %eq3A_0 = arith.cmpi eq, %arg0, %eq3A : i32
    %convert_element_type3A = arith.extui %eq3A_0 : i1 to i32
    %cond3A = arith.constant 0 : i32
    %cond3A_1 = arith.cmpi ne, %convert_element_type3A, %cond3A : i32
    scf.if %cond3A_1 {
      %broadcast_in_dim3A_36 = arith.constant 0xFF800000 : f32
      %broadcast_in_dim3A_37 = vector.broadcast %broadcast_in_dim3A_36 : f32 to vector<1x128xf32>
      %swap3A_38 = arith.constant 0 : index
      %swap3A_39 = arith.constant 0 : index
      %swap3A_40 = vector.load %arg7[%swap3A_38, %swap3A_39] : memref<1x128xf32, #tpu.memory_space<vmem>>, vector<1x128xf32>
      tpu.vector_store %arg7[%swap3A_38, %swap3A_39], %broadcast_in_dim3A_37 {strides = array<i32>} : memref<1x128xf32, #tpu.memory_space<vmem>>, vector<1x128xf32>,
    } else {
    }
    %get3A = arith.constant 0 : index
    %get3A_2 = arith.constant 0 : index
    %get3A_3 = vector.load %arg3[%get3A, %get3A_2] : memref<2048x128xf32, #tpu.memory_space<vmem>>, vector<2048x128xf32>
    %get3A_4 = arith.constant 0 : index
    %get3A_5 = arith.constant 0 : index
    %get3A_6 = vector.load %arg4[%get3A_4, %get3A_5] : memref<2048x1xf32, #tpu.memory_space<vmem>>, vector<2048x1xf32>
    %max3A = arith.constant 1.000000e+00 : f32
    %max3A_7 = vector.broadcast %max3A : f32 to vector<2048x1xf32>
    %max3A_8 = arith.maximumf %get3A_6, %max3A_7 : vector<2048x1xf32>
    %div3A = vector.broadcast %max3A_8 : vector<2048x1xf32> to vector<2048x128xf32>
    %div3A_9 = arith.divf %get3A_3, %div3A : vector<2048x128xf32>
    %get3A_10 = arith.constant 0 : index
    %get3A_11 = arith.constant 0 : index
    %get3A_12 = vector.load %arg2[%get3A_10, %get3A_11] : memref<800x1xi32, #tpu.memory_space<vmem>>, vector<800x1xi32>
    %iota3A = tpu.iota {dimensions = array<i32: 1>} : vector<800x2048xi32>
    %eq3A_13 = vector.broadcast %get3A_12 : vector<800x1xi32> to vector<800x2048xi32>
    %eq3A_14 = arith.cmpi eq, %iota3A, %eq3A_13 : vector<800x2048xi32>
    %convert_element_type3A_15 = arith.extui %eq3A_14 : vector<800x2048xi1> to vector<800x2048xi32>
    %convert_element_type3A_16 = arith.sitofp %convert_element_type3A_15 : vector<800x2048xi32> to vector<800x2048xf32>
    %get3A_17 = arith.constant 0 : index
    %get3A_18 = arith.constant 0 : index
    %get3A_19 = vector.load %arg1[%get3A_17, %get3A_18] : memref<800x128xf32, #tpu.memory_space<vmem>>, vector<800x128xf32>
    %dot_general3A = arith.constant dense<0.000000e+00> : vector<800x128xf32>
    %dot_general3A_20 = tpu.matmul %convert_element_type3A_16, %div3A_9, %dot_general3A {dimension_numbers = #tpu.dot_dimension_numbers<[1], [0], [0], [1], [0, 0, 1, 1], [], []>, transpose_lhs_hint = false} : vector<800x2048xf32>, vector<2048x128xf32>, vector<800x128xf32> -> vector<800x128xf32>
    %sub3A = arith.subf %get3A_19, %dot_general3A_20 : vector<800x128xf32>
    %get3A_21 = arith.constant 0 : index
    %get3A_22 = arith.constant 0 : index
    %get3A_23 = vector.load %arg5[%get3A_21, %get3A_22] : memref<128x128xf32, #tpu.memory_space<vmem>>, vector<128x128xf32>
    %dot_general3A_24 = arith.constant dense<0.000000e+00> : vector<800x128xf32>
    %dot_general3A_25 = tpu.matmul %sub3A, %get3A_23, %dot_general3A_24 {dimension_numbers = #tpu.dot_dimension_numbers<[1], [0], [0], [1], [0, 0, 1, 1], [], []>, transpose_lhs_hint = false} : vector<800x128xf32>, vector<128x128xf32>, vector<800x128xf32> -> vector<800x128xf32>
    %swap3A = arith.constant 0 : index
    %swap3A_26 = arith.constant 0 : index
    %swap3A_27 = vector.load %arg6[%swap3A, %swap3A_26] : memref<800x128xf32, #tpu.memory_space<vmem>>, vector<800x128xf32>
    tpu.vector_store %arg6[%swap3A, %swap3A_26], %dot_general3A_25 {strides = array<i32>} : memref<800x128xf32, #tpu.memory_space<vmem>>, vector<800x128xf32>,
    %get3A_28 = arith.constant 0 : index
    %get3A_29 = arith.constant 0 : index
    %get3A_30 = vector.load %arg7[%get3A_28, %get3A_29] : memref<1x128xf32, #tpu.memory_space<vmem>>, vector<1x128xf32>
    %reduce_max3A = arith.constant dense<0xFF800000> : vector<128xf32>
    %reduce_max3A_31 = vector.multi_reduction <maximumf>, %dot_general3A_25, %reduce_max3A [0] : vector<800x128xf32> to vector<128xf32>
    %broadcast_in_dim3A = vector.shape_cast %reduce_max3A_31 : vector<128xf32> to vector<1x128xf32>
    %max3A_32 = arith.maximumf %get3A_30, %broadcast_in_dim3A : vector<1x128xf32>
    %swap3A_33 = arith.constant 0 : index
    %swap3A_34 = arith.constant 0 : index
    %swap3A_35 = vector.load %arg7[%swap3A_33, %swap3A_34] : memref<1x128xf32, #tpu.memory_space<vmem>>, vector<1x128xf32>
    tpu.vector_store %arg7[%swap3A_33, %swap3A_34], %max3A_32 {strides = array<i32>} : memref<1x128xf32, #tpu.memory_space<vmem>>, vector<1x128xf32>,
    return
  }
  func.func @transform_0(%arg0: i32) -> (i32, i32) {
    %c0_i32 = arith.constant 0 : i32
    %c0_i32_0 = arith.constant 0 : i32
    return %arg0, %c0_i32 : i32, i32
  }
  func.func @transform_1(%arg0: i32) -> (i32, i32) {
    %c0_i32 = arith.constant 0 : i32
    %c0_i32_0 = arith.constant 0 : i32
    return %arg0, %c0_i32 : i32, i32
  }
  func.func @transform_2(%arg0: i32) -> (i32, i32) {
    %c0_i32 = arith.constant 0 : i32
    %c0_i32_0 = arith.constant 0 : i32
    %c0_i32_1 = arith.constant 0 : i32
    return %c0_i32, %c0_i32_0 : i32, i32
  }
  func.func @transform_3(%arg0: i32) -> (i32, i32) {
    %c0_i32 = arith.constant 0 : i32
    %c0_i32_0 = arith.constant 0 : i32
    %c0_i32_1 = arith.constant 0 : i32
    return %c0_i32, %c0_i32_0 : i32, i32
  }
  func.func @transform_4(%arg0: i32) -> (i32, i32) {
    %c0_i32 = arith.constant 0 : i32
    %c0_i32_0 = arith.constant 0 : i32
    %c0_i32_1 = arith.constant 0 : i32
    return %c0_i32, %c0_i32_0 : i32, i32
  }
  func.func @transform_5(%arg0: i32) -> (i32, i32) {
    %c0_i32 = arith.constant 0 : i32
    %c0_i32_0 = arith.constant 0 : i32
    return %arg0, %c0_i32 : i32, i32
  }
  func.func @transform_6(%arg0: i32) -> (i32, i32) {
    %c0_i32 = arith.constant 0 : i32
    %c0_i32_0 = arith.constant 0 : i32
    %c0_i32_1 = arith.constant 0 : i32
    return %c0_i32, %c0_i32_0 : i32, i32
  }
}

module attributes {stable_mosaic.version = 14 : i64} {
  func.func @_exp_body(%arg0: i32, %arg1: memref<800x128xf32, #tpu.memory_space<vmem>>, %arg2: memref<1x128xf32, #tpu.memory_space<vmem>>, %arg3: memref<1x1x800xi32, #tpu.memory_space<vmem>>, %arg4: memref<800x128xf32, #tpu.memory_space<vmem>>, %arg5: memref<2048x128xf32, #tpu.memory_space<vmem>>) attributes {dimension_semantics = [#tpu.dimension_semantics<arbitrary>], iteration_bounds = array<i64: 25>, scalar_prefetch = 0 : i64, scratch_operands = 0 : i64, tpu.core_type = #tpu.core_type<tc>, window_params = [{transform_indices = @transform_0, window_bounds = array<i64: 800, 128>}, {pipeline_mode = #tpu.pipeline_mode<synchronous>, transform_indices = @transform_1, window_bounds = array<i64: 1, 128>}, {transform_indices = @transform_2, window_bounds = array<i64: 1, 1, 800>}, {transform_indices = @transform_3, window_bounds = array<i64: 800, 128>}, {pipeline_mode = #tpu.pipeline_mode<synchronous>, transform_indices = @transform_4, window_bounds = array<i64: 2048, 128>}]} {
    %eq3A = arith.constant 0 : i32
    %eq3A_0 = arith.cmpi eq, %arg0, %eq3A : i32
    %convert_element_type3A = arith.extui %eq3A_0 : i1 to i32
    %cond3A = arith.constant 0 : i32
    %cond3A_1 = arith.cmpi ne, %convert_element_type3A, %cond3A : i32
    scf.if %cond3A_1 {
      %broadcast_in_dim3A = arith.constant 0.000000e+00 : f32
      %broadcast_in_dim3A_30 = vector.broadcast %broadcast_in_dim3A : f32 to vector<2048x128xf32>
      %swap3A_31 = arith.constant 0 : index
      %swap3A_32 = arith.constant 0 : index
      %swap3A_33 = vector.load %arg5[%swap3A_31, %swap3A_32] : memref<2048x128xf32, #tpu.memory_space<vmem>>, vector<2048x128xf32>
      tpu.vector_store %arg5[%swap3A_31, %swap3A_32], %broadcast_in_dim3A_30 {strides = array<i32>} : memref<2048x128xf32, #tpu.memory_space<vmem>>, vector<2048x128xf32>,
    } else {
    }
    %get3A = arith.constant 0 : index
    %get3A_2 = arith.constant 0 : index
    %get3A_3 = vector.load %arg2[%get3A, %get3A_2] : memref<1x128xf32, #tpu.memory_space<vmem>>, vector<1x128xf32>
    %reduce_max3A = vector.shape_cast %get3A_3 : vector<1x128xf32> to vector<1x1x128xf32>
    %reduce_max3A_4 = arith.constant dense<0xFF800000> : vector<1xf32>
    %reduce_max3A_5 = vector.multi_reduction <maximumf>, %reduce_max3A, %reduce_max3A_4 [1, 2] : vector<1x1x128xf32> to vector<1xf32>
    %reduce_max3A_6 = vector.shape_cast %reduce_max3A_5 : vector<1xf32> to vector<1x1x1xf32>
    %reduce_max3A_7 = vector.extract %reduce_max3A_6[0, 0, 0] : f32 from vector<1x1x1xf32>
    %get3A_8 = arith.constant 0 : index
    %get3A_9 = arith.constant 0 : index
    %get3A_10 = vector.load %arg1[%get3A_8, %get3A_9] : memref<800x128xf32, #tpu.memory_space<vmem>>, vector<800x128xf32>
    %sub3A = vector.broadcast %reduce_max3A_7 : f32 to vector<800x128xf32>
    %sub3A_11 = arith.subf %get3A_10, %sub3A : vector<800x128xf32>
    %exp3A = math.exp %sub3A_11 : vector<800x128xf32>
    %swap3A = arith.constant 0 : index
    %swap3A_12 = arith.constant 0 : index
    %swap3A_13 = vector.load %arg4[%swap3A, %swap3A_12] : memref<800x128xf32, #tpu.memory_space<vmem>>, vector<800x128xf32>
    tpu.vector_store %arg4[%swap3A, %swap3A_12], %exp3A {strides = array<i32>} : memref<800x128xf32, #tpu.memory_space<vmem>>, vector<800x128xf32>,
    %get3A_14 = arith.constant 0 : index
    %get3A_15 = arith.constant 0 : index
    %get3A_16 = arith.constant 0 : index
    %get3A_17 = vector.load %arg3[%get3A_14, %get3A_15, %get3A_16] : memref<1x1x800xi32, #tpu.memory_space<vmem>>, vector<1x1x800xi32>
    %get3A_18 = vector.shape_cast %get3A_17 : vector<1x1x800xi32> to vector<1x800xi32>
    %iota3A = tpu.iota {dimensions = array<i32: 0>} : vector<2048x800xi32>
    %eq3A_19 = vector.broadcast %get3A_18 : vector<1x800xi32> to vector<2048x800xi32>
    %eq3A_20 = arith.cmpi eq, %iota3A, %eq3A_19 : vector<2048x800xi32>
    %convert_element_type3A_21 = arith.extui %eq3A_20 : vector<2048x800xi1> to vector<2048x800xi32>
    %convert_element_type3A_22 = arith.sitofp %convert_element_type3A_21 : vector<2048x800xi32> to vector<2048x800xf32>
    %get3A_23 = arith.constant 0 : index
    %get3A_24 = arith.constant 0 : index
    %get3A_25 = vector.load %arg5[%get3A_23, %get3A_24] : memref<2048x128xf32, #tpu.memory_space<vmem>>, vector<2048x128xf32>
    %dot_general3A = arith.constant dense<0.000000e+00> : vector<2048x128xf32>
    %dot_general3A_26 = tpu.matmul %convert_element_type3A_22, %exp3A, %dot_general3A {dimension_numbers = #tpu.dot_dimension_numbers<[1], [0], [0], [1], [0, 0, 1, 1], [], []>, transpose_lhs_hint = false} : vector<2048x800xf32>, vector<800x128xf32>, vector<2048x128xf32> -> vector<2048x128xf32>
    %add3A = arith.addf %get3A_25, %dot_general3A_26 : vector<2048x128xf32>
    %swap3A_27 = arith.constant 0 : index
    %swap3A_28 = arith.constant 0 : index
    %swap3A_29 = vector.load %arg5[%swap3A_27, %swap3A_28] : memref<2048x128xf32, #tpu.memory_space<vmem>>, vector<2048x128xf32>
    tpu.vector_store %arg5[%swap3A_27, %swap3A_28], %add3A {strides = array<i32>} : memref<2048x128xf32, #tpu.memory_space<vmem>>, vector<2048x128xf32>,
    return
  }
  func.func @transform_0(%arg0: i32) -> (i32, i32) {
    %c0_i32 = arith.constant 0 : i32
    %c0_i32_0 = arith.constant 0 : i32
    return %arg0, %c0_i32 : i32, i32
  }
  func.func @transform_1(%arg0: i32) -> (i32, i32) {
    %c0_i32 = arith.constant 0 : i32
    %c0_i32_0 = arith.constant 0 : i32
    %c0_i32_1 = arith.constant 0 : i32
    return %c0_i32, %c0_i32_0 : i32, i32
  }
  func.func @transform_2(%arg0: i32) -> (i32, i32, i32) {
    %c0_i32 = arith.constant 0 : i32
    %c0_i32_0 = arith.constant 0 : i32
    %c0_i32_1 = arith.constant 0 : i32
    return %arg0, %c0_i32, %c0_i32_0 : i32, i32, i32
  }
  func.func @transform_3(%arg0: i32) -> (i32, i32) {
    %c0_i32 = arith.constant 0 : i32
    %c0_i32_0 = arith.constant 0 : i32
    return %arg0, %c0_i32 : i32, i32
  }
  func.func @transform_4(%arg0: i32) -> (i32, i32) {
    %c0_i32 = arith.constant 0 : i32
    %c0_i32_0 = arith.constant 0 : i32
    %c0_i32_1 = arith.constant 0 : i32
    return %c0_i32, %c0_i32_0 : i32, i32
  }
}

module attributes {stable_mosaic.version = 14 : i64} {
  func.func @_pf_body(%arg0: i32, %arg1: memref<800x128xf32, #tpu.memory_space<vmem>>, %arg2: memref<128x128xf32, #tpu.memory_space<vmem>>, %arg3: memref<1x1x800xi32, #tpu.memory_space<vmem>>, %arg4: memref<800x1xi32, #tpu.memory_space<vmem>>, %arg5: memref<800x128xf32, #tpu.memory_space<vmem>>, %arg6: memref<128x128xf32, #tpu.memory_space<vmem>>, %arg7: memref<1x128xf32, #tpu.memory_space<vmem>>, %arg8: memref<128x128xf32, #tpu.memory_space<vmem>>, %arg9: memref<1x128xf32, #tpu.memory_space<vmem>>, %arg10: memref<1x128xf32, #tpu.memory_space<vmem>>, %arg11: memref<128x128xf32, #tpu.memory_space<vmem>>) attributes {dimension_semantics = [#tpu.dimension_semantics<arbitrary>], iteration_bounds = array<i64: 25>, scalar_prefetch = 0 : i64, scratch_operands = 0 : i64, tpu.core_type = #tpu.core_type<tc>, window_params = [{transform_indices = @transform_0, window_bounds = array<i64: 800, 128>}, {pipeline_mode = #tpu.pipeline_mode<synchronous>, transform_indices = @transform_1, window_bounds = array<i64: 128, 128>}, {transform_indices = @transform_2, window_bounds = array<i64: 1, 1, 800>}, {transform_indices = @transform_3, window_bounds = array<i64: 800, 1>}, {transform_indices = @transform_4, window_bounds = array<i64: 800, 128>}, {pipeline_mode = #tpu.pipeline_mode<synchronous>, transform_indices = @transform_5, window_bounds = array<i64: 128, 128>}, {pipeline_mode = #tpu.pipeline_mode<synchronous>, transform_indices = @transform_6, window_bounds = array<i64: 1, 128>}, {pipeline_mode = #tpu.pipeline_mode<synchronous>, transform_indices = @transform_7, window_bounds = array<i64: 128, 128>}, {pipeline_mode = #tpu.pipeline_mode<synchronous>, transform_indices = @transform_8, window_bounds = array<i64: 1, 128>}, {pipeline_mode = #tpu.pipeline_mode<synchronous>, transform_indices = @transform_9, window_bounds = array<i64: 1, 128>}, {pipeline_mode = #tpu.pipeline_mode<synchronous>, transform_indices = @transform_10, window_bounds = array<i64: 128, 128>}]} {
    %eq3A = arith.constant 0 : i32
    %eq3A_0 = arith.cmpi eq, %arg0, %eq3A : i32
    %convert_element_type3A = arith.extui %eq3A_0 : i1 to i32
    %cond3A = arith.constant 0 : i32
    %cond3A_1 = arith.cmpi ne, %convert_element_type3A, %cond3A : i32
    scf.if %cond3A_1 {
      %broadcast_in_dim3A_80 = arith.constant 0.000000e+00 : f32
      %broadcast_in_dim3A_81 = vector.broadcast %broadcast_in_dim3A_80 : f32 to vector<128x128xf32>
      %swap3A_82 = arith.constant 0 : index
      %swap3A_83 = arith.constant 0 : index
      %swap3A_84 = vector.load %arg11[%swap3A_82, %swap3A_83] : memref<128x128xf32, #tpu.memory_space<vmem>>, vector<128x128xf32>
      tpu.vector_store %arg11[%swap3A_82, %swap3A_83], %broadcast_in_dim3A_81 {strides = array<i32>} : memref<128x128xf32, #tpu.memory_space<vmem>>, vector<128x128xf32>,
    } else {
    }
    %get3A = arith.constant 0 : index
    %get3A_2 = arith.constant 0 : index
    %get3A_3 = vector.load %arg6[%get3A, %get3A_2] : memref<128x128xf32, #tpu.memory_space<vmem>>, vector<128x128xf32>
    %get3A_4 = arith.constant 0 : index
    %get3A_5 = arith.constant 0 : index
    %get3A_6 = vector.load %arg7[%get3A_4, %get3A_5] : memref<1x128xf32, #tpu.memory_space<vmem>>, vector<1x128xf32>
    %get3A_7 = arith.constant 0 : index
    %get3A_8 = arith.constant 0 : index
    %get3A_9 = vector.load %arg8[%get3A_7, %get3A_8] : memref<128x128xf32, #tpu.memory_space<vmem>>, vector<128x128xf32>
    %get3A_10 = arith.constant 0 : index
    %get3A_11 = arith.constant 0 : index
    %get3A_12 = vector.load %arg9[%get3A_10, %get3A_11] : memref<1x128xf32, #tpu.memory_space<vmem>>, vector<1x128xf32>
    %get3A_13 = arith.constant 0 : index
    %get3A_14 = arith.constant 0 : index
    %get3A_15 = vector.load %arg10[%get3A_13, %get3A_14] : memref<1x128xf32, #tpu.memory_space<vmem>>, vector<1x128xf32>
    %div3A = arith.constant 2.000000e+04 : f32
    %div3A_16 = vector.broadcast %div3A : f32 to vector<1x128xf32>
    %div3A_17 = arith.divf %get3A_6, %div3A_16 : vector<1x128xf32>
    %dot_general3A = arith.constant dense<0.000000e+00> : vector<1x128xf32>
    %dot_general3A_18 = tpu.matmul %div3A_17, %get3A_9, %dot_general3A {dimension_numbers = #tpu.dot_dimension_numbers<[1], [0], [0], [1], [0, 0, 1, 1], [], []>, transpose_lhs_hint = false} : vector<1x128xf32>, vector<128x128xf32>, vector<1x128xf32> -> vector<1x128xf32>
    %dot_general3A_19 = arith.constant dense<0.000000e+00> : vector<128x128xf32>
    %dot_general3A_20 = tpu.matmul %get3A_3, %get3A_9, %dot_general3A_19 {dimension_numbers = #tpu.dot_dimension_numbers<[1], [0], [0], [1], [0, 0, 1, 1], [], []>, transpose_lhs_hint = false} : vector<128x128xf32>, vector<128x128xf32>, vector<128x128xf32> -> vector<128x128xf32>
    %mul3A = arith.mulf %get3A_9, %dot_general3A_20 : vector<128x128xf32>
    %reduce_sum3A = arith.constant dense<0.000000e+00> : vector<128xf32>
    %reduce_sum3A_21 = vector.multi_reduction <add>, %mul3A, %reduce_sum3A [0] : vector<128x128xf32> to vector<128xf32>
    %broadcast_in_dim3A = vector.shape_cast %reduce_sum3A_21 : vector<128xf32> to vector<1x128xf32>
    %div3A_22 = arith.constant 2.000000e+04 : f32
    %div3A_23 = vector.broadcast %div3A_22 : f32 to vector<1x128xf32>
    %div3A_24 = arith.divf %broadcast_in_dim3A, %div3A_23 : vector<1x128xf32>
    %mul3A_25 = arith.mulf %dot_general3A_18, %dot_general3A_18 : vector<1x128xf32>
    %sub3A = arith.subf %div3A_24, %mul3A_25 : vector<1x128xf32>
    %add3A = arith.constant 9.99999974E-6 : f32
    %add3A_26 = vector.broadcast %add3A : f32 to vector<1x128xf32>
    %add3A_27 = arith.addf %sub3A, %add3A_26 : vector<1x128xf32>
    %rsqrt3A = math.rsqrt %add3A_27 : vector<1x128xf32>
    %mul3A_28 = arith.mulf %get3A_12, %rsqrt3A : vector<1x128xf32>
    %mul3A_29 = vector.broadcast %mul3A_28 : vector<1x128xf32> to vector<128x128xf32>
    %mul3A_30 = arith.mulf %get3A_9, %mul3A_29 : vector<128x128xf32>
    %mul3A_31 = arith.mulf %dot_general3A_18, %mul3A_28 : vector<1x128xf32>
    %sub3A_32 = arith.subf %get3A_15, %mul3A_31 : vector<1x128xf32>
    %get3A_33 = arith.constant 0 : index
    %get3A_34 = arith.constant 0 : index
    %get3A_35 = vector.load %arg5[%get3A_33, %get3A_34] : memref<800x128xf32, #tpu.memory_space<vmem>>, vector<800x128xf32>
    %dot_general3A_36 = arith.constant dense<0.000000e+00> : vector<800x128xf32>
    %dot_general3A_37 = tpu.matmul %get3A_35, %mul3A_30, %dot_general3A_36 {dimension_numbers = #tpu.dot_dimension_numbers<[1], [0], [0], [1], [0, 0, 1, 1], [], []>, transpose_lhs_hint = false} : vector<800x128xf32>, vector<128x128xf32>, vector<800x128xf32> -> vector<800x128xf32>
    %add3A_38 = vector.broadcast %sub3A_32 : vector<1x128xf32> to vector<800x128xf32>
    %add3A_39 = arith.addf %dot_general3A_37, %add3A_38 : vector<800x128xf32>
    %max3A = arith.constant 0.000000e+00 : f32
    %max3A_40 = vector.broadcast %max3A : f32 to vector<800x128xf32>
    %max3A_41 = arith.maximumf %add3A_39, %max3A_40 : vector<800x128xf32>
    %get3A_42 = arith.constant 0 : index
    %get3A_43 = arith.constant 0 : index
    %get3A_44 = vector.load %arg4[%get3A_42, %get3A_43] : memref<800x1xi32, #tpu.memory_space<vmem>>, vector<800x1xi32>
    %iota3A = tpu.iota {dimensions = array<i32: 1>} : vector<800x128xi32>
    %eq3A_45 = vector.broadcast %get3A_44 : vector<800x1xi32> to vector<800x128xi32>
    %eq3A_46 = arith.cmpi eq, %iota3A, %eq3A_45 : vector<800x128xi32>
    %convert_element_type3A_47 = arith.extui %eq3A_46 : vector<800x128xi1> to vector<800x128xi32>
    %convert_element_type3A_48 = arith.sitofp %convert_element_type3A_47 : vector<800x128xi32> to vector<800x128xf32>
    %get3A_49 = arith.constant 0 : index
    %get3A_50 = arith.constant 0 : index
    %get3A_51 = vector.load %arg2[%get3A_49, %get3A_50] : memref<128x128xf32, #tpu.memory_space<vmem>>, vector<128x128xf32>
    %dot_general3A_52 = arith.constant dense<0.000000e+00> : vector<800x128xf32>
    %dot_general3A_53 = tpu.matmul %convert_element_type3A_48, %get3A_51, %dot_general3A_52 {dimension_numbers = #tpu.dot_dimension_numbers<[1], [0], [0], [1], [0, 0, 1, 1], [], []>, transpose_lhs_hint = false} : vector<800x128xf32>, vector<128x128xf32>, vector<800x128xf32> -> vector<800x128xf32>
    %add3A_54 = arith.constant 9.99999997E-7 : f32
    %add3A_55 = vector.broadcast %add3A_54 : f32 to vector<800x128xf32>
    %add3A_56 = arith.addf %dot_general3A_53, %add3A_55 : vector<800x128xf32>
    %get3A_57 = arith.constant 0 : index
    %get3A_58 = arith.constant 0 : index
    %get3A_59 = vector.load %arg1[%get3A_57, %get3A_58] : memref<800x128xf32, #tpu.memory_space<vmem>>, vector<800x128xf32>
    %div3A_60 = arith.divf %get3A_59, %add3A_56 : vector<800x128xf32>
    %mul3A_61 = arith.mulf %max3A_41, %div3A_60 : vector<800x128xf32>
    %get3A_62 = arith.constant 0 : index
    %get3A_63 = arith.constant 0 : index
    %get3A_64 = arith.constant 0 : index
    %get3A_65 = vector.load %arg3[%get3A_62, %get3A_63, %get3A_64] : memref<1x1x800xi32, #tpu.memory_space<vmem>>, vector<1x1x800xi32>
    %get3A_66 = vector.shape_cast %get3A_65 : vector<1x1x800xi32> to vector<1x800xi32>
    %iota3A_67 = tpu.iota {dimensions = array<i32: 0>} : vector<128x800xi32>
    %eq3A_68 = vector.broadcast %get3A_66 : vector<1x800xi32> to vector<128x800xi32>
    %eq3A_69 = arith.cmpi eq, %iota3A_67, %eq3A_68 : vector<128x800xi32>
    %convert_element_type3A_70 = arith.extui %eq3A_69 : vector<128x800xi1> to vector<128x800xi32>
    %convert_element_type3A_71 = arith.sitofp %convert_element_type3A_70 : vector<128x800xi32> to vector<128x800xf32>
    %get3A_72 = arith.constant 0 : index
    %get3A_73 = arith.constant 0 : index
    %get3A_74 = vector.load %arg11[%get3A_72, %get3A_73] : memref<128x128xf32, #tpu.memory_space<vmem>>, vector<128x128xf32>
    %dot_general3A_75 = arith.constant dense<0.000000e+00> : vector<128x128xf32>
    %dot_general3A_76 = tpu.matmul %convert_element_type3A_71, %mul3A_61, %dot_general3A_75 {dimension_numbers = #tpu.dot_dimension_numbers<[1], [0], [0], [1], [0, 0, 1, 1], [], []>, transpose_lhs_hint = false} : vector<128x800xf32>, vector<800x128xf32>, vector<128x128xf32> -> vector<128x128xf32>
    %add3A_77 = arith.addf %get3A_74, %dot_general3A_76 : vector<128x128xf32>
    %swap3A = arith.constant 0 : index
    %swap3A_78 = arith.constant 0 : index
    %swap3A_79 = vector.load %arg11[%swap3A, %swap3A_78] : memref<128x128xf32, #tpu.memory_space<vmem>>, vector<128x128xf32>
    tpu.vector_store %arg11[%swap3A, %swap3A_78], %add3A_77 {strides = array<i32>} : memref<128x128xf32, #tpu.memory_space<vmem>>, vector<128x128xf32>,
    return
  }
  func.func @transform_0(%arg0: i32) -> (i32, i32) {
    %c0_i32 = arith.constant 0 : i32
    %c0_i32_0 = arith.constant 0 : i32
    return %arg0, %c0_i32 : i32, i32
  }
  func.func @transform_1(%arg0: i32) -> (i32, i32) {
    %c0_i32 = arith.constant 0 : i32
    %c0_i32_0 = arith.constant 0 : i32
    %c0_i32_1 = arith.constant 0 : i32
    return %c0_i32, %c0_i32_0 : i32, i32
  }
  func.func @transform_2(%arg0: i32) -> (i32, i32, i32) {
    %c0_i32 = arith.constant 0 : i32
    %c0_i32_0 = arith.constant 0 : i32
    %c0_i32_1 = arith.constant 0 : i32
    return %arg0, %c0_i32, %c0_i32_0 : i32, i32, i32
  }
  func.func @transform_3(%arg0: i32) -> (i32, i32) {
    %c0_i32 = arith.constant 0 : i32
    %c0_i32_0 = arith.constant 0 : i32
    return %arg0, %c0_i32 : i32, i32
  }
  func.func @transform_4(%arg0: i32) -> (i32, i32) {
    %c0_i32 = arith.constant 0 : i32
    %c0_i32_0 = arith.constant 0 : i32
    return %arg0, %c0_i32 : i32, i32
  }
  func.func @transform_5(%arg0: i32) -> (i32, i32) {
    %c0_i32 = arith.constant 0 : i32
    %c0_i32_0 = arith.constant 0 : i32
    %c0_i32_1 = arith.constant 0 : i32
    return %c0_i32, %c0_i32_0 : i32, i32
  }
  func.func @transform_6(%arg0: i32) -> (i32, i32) {
    %c0_i32 = arith.constant 0 : i32
    %c0_i32_0 = arith.constant 0 : i32
    %c0_i32_1 = arith.constant 0 : i32
    return %c0_i32, %c0_i32_0 : i32, i32
  }
  func.func @transform_7(%arg0: i32) -> (i32, i32) {
    %c0_i32 = arith.constant 0 : i32
    %c0_i32_0 = arith.constant 0 : i32
    %c0_i32_1 = arith.constant 0 : i32
    return %c0_i32, %c0_i32_0 : i32, i32
  }
  func.func @transform_8(%arg0: i32) -> (i32, i32) {
    %c0_i32 = arith.constant 0 : i32
    %c0_i32_0 = arith.constant 0 : i32
    %c0_i32_1 = arith.constant 0 : i32
    return %c0_i32, %c0_i32_0 : i32, i32
  }
  func.func @transform_9(%arg0: i32) -> (i32, i32) {
    %c0_i32 = arith.constant 0 : i32
    %c0_i32_0 = arith.constant 0 : i32
    %c0_i32_1 = arith.constant 0 : i32
    return %c0_i32, %c0_i32_0 : i32, i32
  }
  func.func @transform_10(%arg0: i32) -> (i32, i32) {
    %c0_i32 = arith.constant 0 : i32
    %c0_i32_0 = arith.constant 0 : i32
    %c0_i32_1 = arith.constant 0 : i32
    return %c0_i32, %c0_i32_0 : i32, i32
  }
}

module attributes {stable_mosaic.version = 14 : i64} {
  func.func @_pf_body(%arg0: i32, %arg1: memref<800x128xf32, #tpu.memory_space<vmem>>, %arg2: memref<512x128xf32, #tpu.memory_space<vmem>>, %arg3: memref<1x1x800xi32, #tpu.memory_space<vmem>>, %arg4: memref<800x1xi32, #tpu.memory_space<vmem>>, %arg5: memref<800x128xf32, #tpu.memory_space<vmem>>, %arg6: memref<128x128xf32, #tpu.memory_space<vmem>>, %arg7: memref<1x128xf32, #tpu.memory_space<vmem>>, %arg8: memref<128x128xf32, #tpu.memory_space<vmem>>, %arg9: memref<1x128xf32, #tpu.memory_space<vmem>>, %arg10: memref<1x128xf32, #tpu.memory_space<vmem>>, %arg11: memref<512x128xf32, #tpu.memory_space<vmem>>) attributes {dimension_semantics = [#tpu.dimension_semantics<arbitrary>], iteration_bounds = array<i64: 25>, scalar_prefetch = 0 : i64, scratch_operands = 0 : i64, tpu.core_type = #tpu.core_type<tc>, window_params = [{transform_indices = @transform_0, window_bounds = array<i64: 800, 128>}, {pipeline_mode = #tpu.pipeline_mode<synchronous>, transform_indices = @transform_1, window_bounds = array<i64: 512, 128>}, {transform_indices = @transform_2, window_bounds = array<i64: 1, 1, 800>}, {transform_indices = @transform_3, window_bounds = array<i64: 800, 1>}, {transform_indices = @transform_4, window_bounds = array<i64: 800, 128>}, {pipeline_mode = #tpu.pipeline_mode<synchronous>, transform_indices = @transform_5, window_bounds = array<i64: 128, 128>}, {pipeline_mode = #tpu.pipeline_mode<synchronous>, transform_indices = @transform_6, window_bounds = array<i64: 1, 128>}, {pipeline_mode = #tpu.pipeline_mode<synchronous>, transform_indices = @transform_7, window_bounds = array<i64: 128, 128>}, {pipeline_mode = #tpu.pipeline_mode<synchronous>, transform_indices = @transform_8, window_bounds = array<i64: 1, 128>}, {pipeline_mode = #tpu.pipeline_mode<synchronous>, transform_indices = @transform_9, window_bounds = array<i64: 1, 128>}, {pipeline_mode = #tpu.pipeline_mode<synchronous>, transform_indices = @transform_10, window_bounds = array<i64: 512, 128>}]} {
    %eq3A = arith.constant 0 : i32
    %eq3A_0 = arith.cmpi eq, %arg0, %eq3A : i32
    %convert_element_type3A = arith.extui %eq3A_0 : i1 to i32
    %cond3A = arith.constant 0 : i32
    %cond3A_1 = arith.cmpi ne, %convert_element_type3A, %cond3A : i32
    scf.if %cond3A_1 {
      %broadcast_in_dim3A_80 = arith.constant 0.000000e+00 : f32
      %broadcast_in_dim3A_81 = vector.broadcast %broadcast_in_dim3A_80 : f32 to vector<512x128xf32>
      %swap3A_82 = arith.constant 0 : index
      %swap3A_83 = arith.constant 0 : index
      %swap3A_84 = vector.load %arg11[%swap3A_82, %swap3A_83] : memref<512x128xf32, #tpu.memory_space<vmem>>, vector<512x128xf32>
      tpu.vector_store %arg11[%swap3A_82, %swap3A_83], %broadcast_in_dim3A_81 {strides = array<i32>} : memref<512x128xf32, #tpu.memory_space<vmem>>, vector<512x128xf32>,
    } else {
    }
    %get3A = arith.constant 0 : index
    %get3A_2 = arith.constant 0 : index
    %get3A_3 = vector.load %arg6[%get3A, %get3A_2] : memref<128x128xf32, #tpu.memory_space<vmem>>, vector<128x128xf32>
    %get3A_4 = arith.constant 0 : index
    %get3A_5 = arith.constant 0 : index
    %get3A_6 = vector.load %arg7[%get3A_4, %get3A_5] : memref<1x128xf32, #tpu.memory_space<vmem>>, vector<1x128xf32>
    %get3A_7 = arith.constant 0 : index
    %get3A_8 = arith.constant 0 : index
    %get3A_9 = vector.load %arg8[%get3A_7, %get3A_8] : memref<128x128xf32, #tpu.memory_space<vmem>>, vector<128x128xf32>
    %get3A_10 = arith.constant 0 : index
    %get3A_11 = arith.constant 0 : index
    %get3A_12 = vector.load %arg9[%get3A_10, %get3A_11] : memref<1x128xf32, #tpu.memory_space<vmem>>, vector<1x128xf32>
    %get3A_13 = arith.constant 0 : index
    %get3A_14 = arith.constant 0 : index
    %get3A_15 = vector.load %arg10[%get3A_13, %get3A_14] : memref<1x128xf32, #tpu.memory_space<vmem>>, vector<1x128xf32>
    %div3A = arith.constant 2.000000e+04 : f32
    %div3A_16 = vector.broadcast %div3A : f32 to vector<1x128xf32>
    %div3A_17 = arith.divf %get3A_6, %div3A_16 : vector<1x128xf32>
    %dot_general3A = arith.constant dense<0.000000e+00> : vector<1x128xf32>
    %dot_general3A_18 = tpu.matmul %div3A_17, %get3A_9, %dot_general3A {dimension_numbers = #tpu.dot_dimension_numbers<[1], [0], [0], [1], [0, 0, 1, 1], [], []>, transpose_lhs_hint = false} : vector<1x128xf32>, vector<128x128xf32>, vector<1x128xf32> -> vector<1x128xf32>
    %dot_general3A_19 = arith.constant dense<0.000000e+00> : vector<128x128xf32>
    %dot_general3A_20 = tpu.matmul %get3A_3, %get3A_9, %dot_general3A_19 {dimension_numbers = #tpu.dot_dimension_numbers<[1], [0], [0], [1], [0, 0, 1, 1], [], []>, transpose_lhs_hint = false} : vector<128x128xf32>, vector<128x128xf32>, vector<128x128xf32> -> vector<128x128xf32>
    %mul3A = arith.mulf %get3A_9, %dot_general3A_20 : vector<128x128xf32>
    %reduce_sum3A = arith.constant dense<0.000000e+00> : vector<128xf32>
    %reduce_sum3A_21 = vector.multi_reduction <add>, %mul3A, %reduce_sum3A [0] : vector<128x128xf32> to vector<128xf32>
    %broadcast_in_dim3A = vector.shape_cast %reduce_sum3A_21 : vector<128xf32> to vector<1x128xf32>
    %div3A_22 = arith.constant 2.000000e+04 : f32
    %div3A_23 = vector.broadcast %div3A_22 : f32 to vector<1x128xf32>
    %div3A_24 = arith.divf %broadcast_in_dim3A, %div3A_23 : vector<1x128xf32>
    %mul3A_25 = arith.mulf %dot_general3A_18, %dot_general3A_18 : vector<1x128xf32>
    %sub3A = arith.subf %div3A_24, %mul3A_25 : vector<1x128xf32>
    %add3A = arith.constant 9.99999974E-6 : f32
    %add3A_26 = vector.broadcast %add3A : f32 to vector<1x128xf32>
    %add3A_27 = arith.addf %sub3A, %add3A_26 : vector<1x128xf32>
    %rsqrt3A = math.rsqrt %add3A_27 : vector<1x128xf32>
    %mul3A_28 = arith.mulf %get3A_12, %rsqrt3A : vector<1x128xf32>
    %mul3A_29 = vector.broadcast %mul3A_28 : vector<1x128xf32> to vector<128x128xf32>
    %mul3A_30 = arith.mulf %get3A_9, %mul3A_29 : vector<128x128xf32>
    %mul3A_31 = arith.mulf %dot_general3A_18, %mul3A_28 : vector<1x128xf32>
    %sub3A_32 = arith.subf %get3A_15, %mul3A_31 : vector<1x128xf32>
    %get3A_33 = arith.constant 0 : index
    %get3A_34 = arith.constant 0 : index
    %get3A_35 = vector.load %arg5[%get3A_33, %get3A_34] : memref<800x128xf32, #tpu.memory_space<vmem>>, vector<800x128xf32>
    %dot_general3A_36 = arith.constant dense<0.000000e+00> : vector<800x128xf32>
    %dot_general3A_37 = tpu.matmul %get3A_35, %mul3A_30, %dot_general3A_36 {dimension_numbers = #tpu.dot_dimension_numbers<[1], [0], [0], [1], [0, 0, 1, 1], [], []>, transpose_lhs_hint = false} : vector<800x128xf32>, vector<128x128xf32>, vector<800x128xf32> -> vector<800x128xf32>
    %add3A_38 = vector.broadcast %sub3A_32 : vector<1x128xf32> to vector<800x128xf32>
    %add3A_39 = arith.addf %dot_general3A_37, %add3A_38 : vector<800x128xf32>
    %max3A = arith.constant 0.000000e+00 : f32
    %max3A_40 = vector.broadcast %max3A : f32 to vector<800x128xf32>
    %max3A_41 = arith.maximumf %add3A_39, %max3A_40 : vector<800x128xf32>
    %get3A_42 = arith.constant 0 : index
    %get3A_43 = arith.constant 0 : index
    %get3A_44 = vector.load %arg4[%get3A_42, %get3A_43] : memref<800x1xi32, #tpu.memory_space<vmem>>, vector<800x1xi32>
    %iota3A = tpu.iota {dimensions = array<i32: 1>} : vector<800x512xi32>
    %eq3A_45 = vector.broadcast %get3A_44 : vector<800x1xi32> to vector<800x512xi32>
    %eq3A_46 = arith.cmpi eq, %iota3A, %eq3A_45 : vector<800x512xi32>
    %convert_element_type3A_47 = arith.extui %eq3A_46 : vector<800x512xi1> to vector<800x512xi32>
    %convert_element_type3A_48 = arith.sitofp %convert_element_type3A_47 : vector<800x512xi32> to vector<800x512xf32>
    %get3A_49 = arith.constant 0 : index
    %get3A_50 = arith.constant 0 : index
    %get3A_51 = vector.load %arg2[%get3A_49, %get3A_50] : memref<512x128xf32, #tpu.memory_space<vmem>>, vector<512x128xf32>
    %dot_general3A_52 = arith.constant dense<0.000000e+00> : vector<800x128xf32>
    %dot_general3A_53 = tpu.matmul %convert_element_type3A_48, %get3A_51, %dot_general3A_52 {dimension_numbers = #tpu.dot_dimension_numbers<[1], [0], [0], [1], [0, 0, 1, 1], [], []>, transpose_lhs_hint = false} : vector<800x512xf32>, vector<512x128xf32>, vector<800x128xf32> -> vector<800x128xf32>
    %add3A_54 = arith.constant 9.99999997E-7 : f32
    %add3A_55 = vector.broadcast %add3A_54 : f32 to vector<800x128xf32>
    %add3A_56 = arith.addf %dot_general3A_53, %add3A_55 : vector<800x128xf32>
    %get3A_57 = arith.constant 0 : index
    %get3A_58 = arith.constant 0 : index
    %get3A_59 = vector.load %arg1[%get3A_57, %get3A_58] : memref<800x128xf32, #tpu.memory_space<vmem>>, vector<800x128xf32>
    %div3A_60 = arith.divf %get3A_59, %add3A_56 : vector<800x128xf32>
    %mul3A_61 = arith.mulf %max3A_41, %div3A_60 : vector<800x128xf32>
    %get3A_62 = arith.constant 0 : index
    %get3A_63 = arith.constant 0 : index
    %get3A_64 = arith.constant 0 : index
    %get3A_65 = vector.load %arg3[%get3A_62, %get3A_63, %get3A_64] : memref<1x1x800xi32, #tpu.memory_space<vmem>>, vector<1x1x800xi32>
    %get3A_66 = vector.shape_cast %get3A_65 : vector<1x1x800xi32> to vector<1x800xi32>
    %iota3A_67 = tpu.iota {dimensions = array<i32: 0>} : vector<512x800xi32>
    %eq3A_68 = vector.broadcast %get3A_66 : vector<1x800xi32> to vector<512x800xi32>
    %eq3A_69 = arith.cmpi eq, %iota3A_67, %eq3A_68 : vector<512x800xi32>
    %convert_element_type3A_70 = arith.extui %eq3A_69 : vector<512x800xi1> to vector<512x800xi32>
    %convert_element_type3A_71 = arith.sitofp %convert_element_type3A_70 : vector<512x800xi32> to vector<512x800xf32>
    %get3A_72 = arith.constant 0 : index
    %get3A_73 = arith.constant 0 : index
    %get3A_74 = vector.load %arg11[%get3A_72, %get3A_73] : memref<512x128xf32, #tpu.memory_space<vmem>>, vector<512x128xf32>
    %dot_general3A_75 = arith.constant dense<0.000000e+00> : vector<512x128xf32>
    %dot_general3A_76 = tpu.matmul %convert_element_type3A_71, %mul3A_61, %dot_general3A_75 {dimension_numbers = #tpu.dot_dimension_numbers<[1], [0], [0], [1], [0, 0, 1, 1], [], []>, transpose_lhs_hint = false} : vector<512x800xf32>, vector<800x128xf32>, vector<512x128xf32> -> vector<512x128xf32>
    %add3A_77 = arith.addf %get3A_74, %dot_general3A_76 : vector<512x128xf32>
    %swap3A = arith.constant 0 : index
    %swap3A_78 = arith.constant 0 : index
    %swap3A_79 = vector.load %arg11[%swap3A, %swap3A_78] : memref<512x128xf32, #tpu.memory_space<vmem>>, vector<512x128xf32>
    tpu.vector_store %arg11[%swap3A, %swap3A_78], %add3A_77 {strides = array<i32>} : memref<512x128xf32, #tpu.memory_space<vmem>>, vector<512x128xf32>,
    return
  }
  func.func @transform_0(%arg0: i32) -> (i32, i32) {
    %c0_i32 = arith.constant 0 : i32
    %c0_i32_0 = arith.constant 0 : i32
    return %arg0, %c0_i32 : i32, i32
  }
  func.func @transform_1(%arg0: i32) -> (i32, i32) {
    %c0_i32 = arith.constant 0 : i32
    %c0_i32_0 = arith.constant 0 : i32
    %c0_i32_1 = arith.constant 0 : i32
    return %c0_i32, %c0_i32_0 : i32, i32
  }
  func.func @transform_2(%arg0: i32) -> (i32, i32, i32) {
    %c0_i32 = arith.constant 0 : i32
    %c0_i32_0 = arith.constant 0 : i32
    %c0_i32_1 = arith.constant 0 : i32
    return %arg0, %c0_i32, %c0_i32_0 : i32, i32, i32
  }
  func.func @transform_3(%arg0: i32) -> (i32, i32) {
    %c0_i32 = arith.constant 0 : i32
    %c0_i32_0 = arith.constant 0 : i32
    return %arg0, %c0_i32 : i32, i32
  }
  func.func @transform_4(%arg0: i32) -> (i32, i32) {
    %c0_i32 = arith.constant 0 : i32
    %c0_i32_0 = arith.constant 0 : i32
    return %arg0, %c0_i32 : i32, i32
  }
  func.func @transform_5(%arg0: i32) -> (i32, i32) {
    %c0_i32 = arith.constant 0 : i32
    %c0_i32_0 = arith.constant 0 : i32
    %c0_i32_1 = arith.constant 0 : i32
    return %c0_i32, %c0_i32_0 : i32, i32
  }
  func.func @transform_6(%arg0: i32) -> (i32, i32) {
    %c0_i32 = arith.constant 0 : i32
    %c0_i32_0 = arith.constant 0 : i32
    %c0_i32_1 = arith.constant 0 : i32
    return %c0_i32, %c0_i32_0 : i32, i32
  }
  func.func @transform_7(%arg0: i32) -> (i32, i32) {
    %c0_i32 = arith.constant 0 : i32
    %c0_i32_0 = arith.constant 0 : i32
    %c0_i32_1 = arith.constant 0 : i32
    return %c0_i32, %c0_i32_0 : i32, i32
  }
  func.func @transform_8(%arg0: i32) -> (i32, i32) {
    %c0_i32 = arith.constant 0 : i32
    %c0_i32_0 = arith.constant 0 : i32
    %c0_i32_1 = arith.constant 0 : i32
    return %c0_i32, %c0_i32_0 : i32, i32
  }
  func.func @transform_9(%arg0: i32) -> (i32, i32) {
    %c0_i32 = arith.constant 0 : i32
    %c0_i32_0 = arith.constant 0 : i32
    %c0_i32_1 = arith.constant 0 : i32
    return %c0_i32, %c0_i32_0 : i32, i32
  }
  func.func @transform_10(%arg0: i32) -> (i32, i32) {
    %c0_i32 = arith.constant 0 : i32
    %c0_i32_0 = arith.constant 0 : i32
    %c0_i32_1 = arith.constant 0 : i32
    return %c0_i32, %c0_i32_0 : i32, i32
  }
}

module attributes {stable_mosaic.version = 14 : i64} {
  func.func @_pf_body(%arg0: i32, %arg1: memref<800x128xf32, #tpu.memory_space<vmem>>, %arg2: memref<2048x128xf32, #tpu.memory_space<vmem>>, %arg3: memref<1x1x800xi32, #tpu.memory_space<vmem>>, %arg4: memref<800x1xi32, #tpu.memory_space<vmem>>, %arg5: memref<800x128xf32, #tpu.memory_space<vmem>>, %arg6: memref<128x128xf32, #tpu.memory_space<vmem>>, %arg7: memref<1x128xf32, #tpu.memory_space<vmem>>, %arg8: memref<128x128xf32, #tpu.memory_space<vmem>>, %arg9: memref<1x128xf32, #tpu.memory_space<vmem>>, %arg10: memref<1x128xf32, #tpu.memory_space<vmem>>, %arg11: memref<2048x128xf32, #tpu.memory_space<vmem>>) attributes {dimension_semantics = [#tpu.dimension_semantics<arbitrary>], iteration_bounds = array<i64: 25>, scalar_prefetch = 0 : i64, scratch_operands = 0 : i64, tpu.core_type = #tpu.core_type<tc>, window_params = [{transform_indices = @transform_0, window_bounds = array<i64: 800, 128>}, {pipeline_mode = #tpu.pipeline_mode<synchronous>, transform_indices = @transform_1, window_bounds = array<i64: 2048, 128>}, {transform_indices = @transform_2, window_bounds = array<i64: 1, 1, 800>}, {transform_indices = @transform_3, window_bounds = array<i64: 800, 1>}, {transform_indices = @transform_4, window_bounds = array<i64: 800, 128>}, {pipeline_mode = #tpu.pipeline_mode<synchronous>, transform_indices = @transform_5, window_bounds = array<i64: 128, 128>}, {pipeline_mode = #tpu.pipeline_mode<synchronous>, transform_indices = @transform_6, window_bounds = array<i64: 1, 128>}, {pipeline_mode = #tpu.pipeline_mode<synchronous>, transform_indices = @transform_7, window_bounds = array<i64: 128, 128>}, {pipeline_mode = #tpu.pipeline_mode<synchronous>, transform_indices = @transform_8, window_bounds = array<i64: 1, 128>}, {pipeline_mode = #tpu.pipeline_mode<synchronous>, transform_indices = @transform_9, window_bounds = array<i64: 1, 128>}, {pipeline_mode = #tpu.pipeline_mode<synchronous>, transform_indices = @transform_10, window_bounds = array<i64: 2048, 128>}]} {
    %eq3A = arith.constant 0 : i32
    %eq3A_0 = arith.cmpi eq, %arg0, %eq3A : i32
    %convert_element_type3A = arith.extui %eq3A_0 : i1 to i32
    %cond3A = arith.constant 0 : i32
    %cond3A_1 = arith.cmpi ne, %convert_element_type3A, %cond3A : i32
    scf.if %cond3A_1 {
      %broadcast_in_dim3A_80 = arith.constant 0.000000e+00 : f32
      %broadcast_in_dim3A_81 = vector.broadcast %broadcast_in_dim3A_80 : f32 to vector<2048x128xf32>
      %swap3A_82 = arith.constant 0 : index
      %swap3A_83 = arith.constant 0 : index
      %swap3A_84 = vector.load %arg11[%swap3A_82, %swap3A_83] : memref<2048x128xf32, #tpu.memory_space<vmem>>, vector<2048x128xf32>
      tpu.vector_store %arg11[%swap3A_82, %swap3A_83], %broadcast_in_dim3A_81 {strides = array<i32>} : memref<2048x128xf32, #tpu.memory_space<vmem>>, vector<2048x128xf32>,
    } else {
    }
    %get3A = arith.constant 0 : index
    %get3A_2 = arith.constant 0 : index
    %get3A_3 = vector.load %arg6[%get3A, %get3A_2] : memref<128x128xf32, #tpu.memory_space<vmem>>, vector<128x128xf32>
    %get3A_4 = arith.constant 0 : index
    %get3A_5 = arith.constant 0 : index
    %get3A_6 = vector.load %arg7[%get3A_4, %get3A_5] : memref<1x128xf32, #tpu.memory_space<vmem>>, vector<1x128xf32>
    %get3A_7 = arith.constant 0 : index
    %get3A_8 = arith.constant 0 : index
    %get3A_9 = vector.load %arg8[%get3A_7, %get3A_8] : memref<128x128xf32, #tpu.memory_space<vmem>>, vector<128x128xf32>
    %get3A_10 = arith.constant 0 : index
    %get3A_11 = arith.constant 0 : index
    %get3A_12 = vector.load %arg9[%get3A_10, %get3A_11] : memref<1x128xf32, #tpu.memory_space<vmem>>, vector<1x128xf32>
    %get3A_13 = arith.constant 0 : index
    %get3A_14 = arith.constant 0 : index
    %get3A_15 = vector.load %arg10[%get3A_13, %get3A_14] : memref<1x128xf32, #tpu.memory_space<vmem>>, vector<1x128xf32>
    %div3A = arith.constant 2.000000e+04 : f32
    %div3A_16 = vector.broadcast %div3A : f32 to vector<1x128xf32>
    %div3A_17 = arith.divf %get3A_6, %div3A_16 : vector<1x128xf32>
    %dot_general3A = arith.constant dense<0.000000e+00> : vector<1x128xf32>
    %dot_general3A_18 = tpu.matmul %div3A_17, %get3A_9, %dot_general3A {dimension_numbers = #tpu.dot_dimension_numbers<[1], [0], [0], [1], [0, 0, 1, 1], [], []>, transpose_lhs_hint = false} : vector<1x128xf32>, vector<128x128xf32>, vector<1x128xf32> -> vector<1x128xf32>
    %dot_general3A_19 = arith.constant dense<0.000000e+00> : vector<128x128xf32>
    %dot_general3A_20 = tpu.matmul %get3A_3, %get3A_9, %dot_general3A_19 {dimension_numbers = #tpu.dot_dimension_numbers<[1], [0], [0], [1], [0, 0, 1, 1], [], []>, transpose_lhs_hint = false} : vector<128x128xf32>, vector<128x128xf32>, vector<128x128xf32> -> vector<128x128xf32>
    %mul3A = arith.mulf %get3A_9, %dot_general3A_20 : vector<128x128xf32>
    %reduce_sum3A = arith.constant dense<0.000000e+00> : vector<128xf32>
    %reduce_sum3A_21 = vector.multi_reduction <add>, %mul3A, %reduce_sum3A [0] : vector<128x128xf32> to vector<128xf32>
    %broadcast_in_dim3A = vector.shape_cast %reduce_sum3A_21 : vector<128xf32> to vector<1x128xf32>
    %div3A_22 = arith.constant 2.000000e+04 : f32
    %div3A_23 = vector.broadcast %div3A_22 : f32 to vector<1x128xf32>
    %div3A_24 = arith.divf %broadcast_in_dim3A, %div3A_23 : vector<1x128xf32>
    %mul3A_25 = arith.mulf %dot_general3A_18, %dot_general3A_18 : vector<1x128xf32>
    %sub3A = arith.subf %div3A_24, %mul3A_25 : vector<1x128xf32>
    %add3A = arith.constant 9.99999974E-6 : f32
    %add3A_26 = vector.broadcast %add3A : f32 to vector<1x128xf32>
    %add3A_27 = arith.addf %sub3A, %add3A_26 : vector<1x128xf32>
    %rsqrt3A = math.rsqrt %add3A_27 : vector<1x128xf32>
    %mul3A_28 = arith.mulf %get3A_12, %rsqrt3A : vector<1x128xf32>
    %mul3A_29 = vector.broadcast %mul3A_28 : vector<1x128xf32> to vector<128x128xf32>
    %mul3A_30 = arith.mulf %get3A_9, %mul3A_29 : vector<128x128xf32>
    %mul3A_31 = arith.mulf %dot_general3A_18, %mul3A_28 : vector<1x128xf32>
    %sub3A_32 = arith.subf %get3A_15, %mul3A_31 : vector<1x128xf32>
    %get3A_33 = arith.constant 0 : index
    %get3A_34 = arith.constant 0 : index
    %get3A_35 = vector.load %arg5[%get3A_33, %get3A_34] : memref<800x128xf32, #tpu.memory_space<vmem>>, vector<800x128xf32>
    %dot_general3A_36 = arith.constant dense<0.000000e+00> : vector<800x128xf32>
    %dot_general3A_37 = tpu.matmul %get3A_35, %mul3A_30, %dot_general3A_36 {dimension_numbers = #tpu.dot_dimension_numbers<[1], [0], [0], [1], [0, 0, 1, 1], [], []>, transpose_lhs_hint = false} : vector<800x128xf32>, vector<128x128xf32>, vector<800x128xf32> -> vector<800x128xf32>
    %add3A_38 = vector.broadcast %sub3A_32 : vector<1x128xf32> to vector<800x128xf32>
    %add3A_39 = arith.addf %dot_general3A_37, %add3A_38 : vector<800x128xf32>
    %max3A = arith.constant 0.000000e+00 : f32
    %max3A_40 = vector.broadcast %max3A : f32 to vector<800x128xf32>
    %max3A_41 = arith.maximumf %add3A_39, %max3A_40 : vector<800x128xf32>
    %get3A_42 = arith.constant 0 : index
    %get3A_43 = arith.constant 0 : index
    %get3A_44 = vector.load %arg4[%get3A_42, %get3A_43] : memref<800x1xi32, #tpu.memory_space<vmem>>, vector<800x1xi32>
    %iota3A = tpu.iota {dimensions = array<i32: 1>} : vector<800x2048xi32>
    %eq3A_45 = vector.broadcast %get3A_44 : vector<800x1xi32> to vector<800x2048xi32>
    %eq3A_46 = arith.cmpi eq, %iota3A, %eq3A_45 : vector<800x2048xi32>
    %convert_element_type3A_47 = arith.extui %eq3A_46 : vector<800x2048xi1> to vector<800x2048xi32>
    %convert_element_type3A_48 = arith.sitofp %convert_element_type3A_47 : vector<800x2048xi32> to vector<800x2048xf32>
    %get3A_49 = arith.constant 0 : index
    %get3A_50 = arith.constant 0 : index
    %get3A_51 = vector.load %arg2[%get3A_49, %get3A_50] : memref<2048x128xf32, #tpu.memory_space<vmem>>, vector<2048x128xf32>
    %dot_general3A_52 = arith.constant dense<0.000000e+00> : vector<800x128xf32>
    %dot_general3A_53 = tpu.matmul %convert_element_type3A_48, %get3A_51, %dot_general3A_52 {dimension_numbers = #tpu.dot_dimension_numbers<[1], [0], [0], [1], [0, 0, 1, 1], [], []>, transpose_lhs_hint = false} : vector<800x2048xf32>, vector<2048x128xf32>, vector<800x128xf32> -> vector<800x128xf32>
    %add3A_54 = arith.constant 9.99999997E-7 : f32
    %add3A_55 = vector.broadcast %add3A_54 : f32 to vector<800x128xf32>
    %add3A_56 = arith.addf %dot_general3A_53, %add3A_55 : vector<800x128xf32>
    %get3A_57 = arith.constant 0 : index
    %get3A_58 = arith.constant 0 : index
    %get3A_59 = vector.load %arg1[%get3A_57, %get3A_58] : memref<800x128xf32, #tpu.memory_space<vmem>>, vector<800x128xf32>
    %div3A_60 = arith.divf %get3A_59, %add3A_56 : vector<800x128xf32>
    %mul3A_61 = arith.mulf %max3A_41, %div3A_60 : vector<800x128xf32>
    %get3A_62 = arith.constant 0 : index
    %get3A_63 = arith.constant 0 : index
    %get3A_64 = arith.constant 0 : index
    %get3A_65 = vector.load %arg3[%get3A_62, %get3A_63, %get3A_64] : memref<1x1x800xi32, #tpu.memory_space<vmem>>, vector<1x1x800xi32>
    %get3A_66 = vector.shape_cast %get3A_65 : vector<1x1x800xi32> to vector<1x800xi32>
    %iota3A_67 = tpu.iota {dimensions = array<i32: 0>} : vector<2048x800xi32>
    %eq3A_68 = vector.broadcast %get3A_66 : vector<1x800xi32> to vector<2048x800xi32>
    %eq3A_69 = arith.cmpi eq, %iota3A_67, %eq3A_68 : vector<2048x800xi32>
    %convert_element_type3A_70 = arith.extui %eq3A_69 : vector<2048x800xi1> to vector<2048x800xi32>
    %convert_element_type3A_71 = arith.sitofp %convert_element_type3A_70 : vector<2048x800xi32> to vector<2048x800xf32>
    %get3A_72 = arith.constant 0 : index
    %get3A_73 = arith.constant 0 : index
    %get3A_74 = vector.load %arg11[%get3A_72, %get3A_73] : memref<2048x128xf32, #tpu.memory_space<vmem>>, vector<2048x128xf32>
    %dot_general3A_75 = arith.constant dense<0.000000e+00> : vector<2048x128xf32>
    %dot_general3A_76 = tpu.matmul %convert_element_type3A_71, %mul3A_61, %dot_general3A_75 {dimension_numbers = #tpu.dot_dimension_numbers<[1], [0], [0], [1], [0, 0, 1, 1], [], []>, transpose_lhs_hint = false} : vector<2048x800xf32>, vector<800x128xf32>, vector<2048x128xf32> -> vector<2048x128xf32>
    %add3A_77 = arith.addf %get3A_74, %dot_general3A_76 : vector<2048x128xf32>
    %swap3A = arith.constant 0 : index
    %swap3A_78 = arith.constant 0 : index
    %swap3A_79 = vector.load %arg11[%swap3A, %swap3A_78] : memref<2048x128xf32, #tpu.memory_space<vmem>>, vector<2048x128xf32>
    tpu.vector_store %arg11[%swap3A, %swap3A_78], %add3A_77 {strides = array<i32>} : memref<2048x128xf32, #tpu.memory_space<vmem>>, vector<2048x128xf32>,
    return
  }
  func.func @transform_0(%arg0: i32) -> (i32, i32) {
    %c0_i32 = arith.constant 0 : i32
    %c0_i32_0 = arith.constant 0 : i32
    return %arg0, %c0_i32 : i32, i32
  }
  func.func @transform_1(%arg0: i32) -> (i32, i32) {
    %c0_i32 = arith.constant 0 : i32
    %c0_i32_0 = arith.constant 0 : i32
    %c0_i32_1 = arith.constant 0 : i32
    return %c0_i32, %c0_i32_0 : i32, i32
  }
  func.func @transform_2(%arg0: i32) -> (i32, i32, i32) {
    %c0_i32 = arith.constant 0 : i32
    %c0_i32_0 = arith.constant 0 : i32
    %c0_i32_1 = arith.constant 0 : i32
    return %arg0, %c0_i32, %c0_i32_0 : i32, i32, i32
  }
  func.func @transform_3(%arg0: i32) -> (i32, i32) {
    %c0_i32 = arith.constant 0 : i32
    %c0_i32_0 = arith.constant 0 : i32
    return %arg0, %c0_i32 : i32, i32
  }
  func.func @transform_4(%arg0: i32) -> (i32, i32) {
    %c0_i32 = arith.constant 0 : i32
    %c0_i32_0 = arith.constant 0 : i32
    return %arg0, %c0_i32 : i32, i32
  }
  func.func @transform_5(%arg0: i32) -> (i32, i32) {
    %c0_i32 = arith.constant 0 : i32
    %c0_i32_0 = arith.constant 0 : i32
    %c0_i32_1 = arith.constant 0 : i32
    return %c0_i32, %c0_i32_0 : i32, i32
  }
  func.func @transform_6(%arg0: i32) -> (i32, i32) {
    %c0_i32 = arith.constant 0 : i32
    %c0_i32_0 = arith.constant 0 : i32
    %c0_i32_1 = arith.constant 0 : i32
    return %c0_i32, %c0_i32_0 : i32, i32
  }
  func.func @transform_7(%arg0: i32) -> (i32, i32) {
    %c0_i32 = arith.constant 0 : i32
    %c0_i32_0 = arith.constant 0 : i32
    %c0_i32_1 = arith.constant 0 : i32
    return %c0_i32, %c0_i32_0 : i32, i32
  }
  func.func @transform_8(%arg0: i32) -> (i32, i32) {
    %c0_i32 = arith.constant 0 : i32
    %c0_i32_0 = arith.constant 0 : i32
    %c0_i32_1 = arith.constant 0 : i32
    return %c0_i32, %c0_i32_0 : i32, i32
  }
  func.func @transform_9(%arg0: i32) -> (i32, i32) {
    %c0_i32 = arith.constant 0 : i32
    %c0_i32_0 = arith.constant 0 : i32
    %c0_i32_1 = arith.constant 0 : i32
    return %c0_i32, %c0_i32_0 : i32, i32
  }
  func.func @transform_10(%arg0: i32) -> (i32, i32) {
    %c0_i32 = arith.constant 0 : i32
    %c0_i32_0 = arith.constant 0 : i32
    %c0_i32_1 = arith.constant 0 : i32
    return %c0_i32, %c0_i32_0 : i32, i32
  }
}

module attributes {stable_mosaic.version = 14 : i64} {
  func.func @_fuse1_body(%arg0: i32, %arg1: memref<800x128xf32, #tpu.memory_space<vmem>>, %arg2: memref<800x1xi32, #tpu.memory_space<vmem>>, %arg3: memref<800x1xi32, #tpu.memory_space<vmem>>, %arg4: memref<800x1xi32, #tpu.memory_space<vmem>>, %arg5: memref<2048x128xf32, #tpu.memory_space<vmem>>, %arg6: memref<512x128xf32, #tpu.memory_space<vmem>>, %arg7: memref<128x128xf32, #tpu.memory_space<vmem>>, %arg8: memref<128x128xf32, #tpu.memory_space<vmem>>, %arg9: memref<1x128xf32, #tpu.memory_space<vmem>>, %arg10: memref<128x128xf32, #tpu.memory_space<vmem>>, %arg11: memref<1x128xf32, #tpu.memory_space<vmem>>, %arg12: memref<1x128xf32, #tpu.memory_space<vmem>>, %arg13: memref<128x128xf32, #tpu.memory_space<vmem>>, %arg14: memref<128x128xf32, #tpu.memory_space<vmem>>, %arg15: memref<128x128xf32, #tpu.memory_space<vmem>>, %arg16: memref<800x128xf32, #tpu.memory_space<vmem>>, %arg17: memref<2x128xf32, #tpu.memory_space<vmem>>) attributes {dimension_semantics = [#tpu.dimension_semantics<arbitrary>], iteration_bounds = array<i64: 25>, scalar_prefetch = 0 : i64, scratch_operands = 0 : i64, tpu.core_type = #tpu.core_type<tc>, window_params = [{transform_indices = @transform_0, window_bounds = array<i64: 800, 128>}, {transform_indices = @transform_1, window_bounds = array<i64: 800, 1>}, {transform_indices = @transform_2, window_bounds = array<i64: 800, 1>}, {transform_indices = @transform_3, window_bounds = array<i64: 800, 1>}, {pipeline_mode = #tpu.pipeline_mode<synchronous>, transform_indices = @transform_4, window_bounds = array<i64: 2048, 128>}, {pipeline_mode = #tpu.pipeline_mode<synchronous>, transform_indices = @transform_5, window_bounds = array<i64: 512, 128>}, {pipeline_mode = #tpu.pipeline_mode<synchronous>, transform_indices = @transform_6, window_bounds = array<i64: 128, 128>}, {pipeline_mode = #tpu.pipeline_mode<synchronous>, transform_indices = @transform_7, window_bounds = array<i64: 128, 128>}, {pipeline_mode = #tpu.pipeline_mode<synchronous>, transform_indices = @transform_8, window_bounds = array<i64: 1, 128>}, {pipeline_mode = #tpu.pipeline_mode<synchronous>, transform_indices = @transform_9, window_bounds = array<i64: 128, 128>}, {pipeline_mode = #tpu.pipeline_mode<synchronous>, transform_indices = @transform_10, window_bounds = array<i64: 1, 128>}, {pipeline_mode = #tpu.pipeline_mode<synchronous>, transform_indices = @transform_11, window_bounds = array<i64: 1, 128>}, {pipeline_mode = #tpu.pipeline_mode<synchronous>, transform_indices = @transform_12, window_bounds = array<i64: 128, 128>}, {pipeline_mode = #tpu.pipeline_mode<synchronous>, transform_indices = @transform_13, window_bounds = array<i64: 128, 128>}, {pipeline_mode = #tpu.pipeline_mode<synchronous>, transform_indices = @transform_14, window_bounds = array<i64: 128, 128>}, {transform_indices = @transform_15, window_bounds = array<i64: 800, 128>}, {pipeline_mode = #tpu.pipeline_mode<synchronous>, transform_indices = @transform_16, window_bounds = array<i64: 2, 128>}]} {
    %eq3A = arith.constant 0 : i32
    %eq3A_0 = arith.cmpi eq, %arg0, %eq3A : i32
    %convert_element_type3A = arith.extui %eq3A_0 : i1 to i32
    %cond3A = arith.constant 0 : i32
    %cond3A_1 = arith.cmpi ne, %convert_element_type3A, %cond3A : i32
    scf.if %cond3A_1 {
      %broadcast_in_dim3A_138 = arith.constant 0.000000e+00 : f32
      %broadcast_in_dim3A_139 = vector.broadcast %broadcast_in_dim3A_138 : f32 to vector<2x128xf32>
      %swap3A_140 = arith.constant 0 : index
      %swap3A_141 = arith.constant 0 : index
      %swap3A_142 = vector.load %arg17[%swap3A_140, %swap3A_141] : memref<2x128xf32, #tpu.memory_space<vmem>>, vector<2x128xf32>
      tpu.vector_store %arg17[%swap3A_140, %swap3A_141], %broadcast_in_dim3A_139 {strides = array<i32>} : memref<2x128xf32, #tpu.memory_space<vmem>>, vector<2x128xf32>,
    } else {
    }
    %get3A = arith.constant 0 : index
    %get3A_2 = arith.constant 0 : index
    %get3A_3 = vector.load %arg8[%get3A, %get3A_2] : memref<128x128xf32, #tpu.memory_space<vmem>>, vector<128x128xf32>
    %get3A_4 = arith.constant 0 : index
    %get3A_5 = arith.constant 0 : index
    %get3A_6 = vector.load %arg9[%get3A_4, %get3A_5] : memref<1x128xf32, #tpu.memory_space<vmem>>, vector<1x128xf32>
    %get3A_7 = arith.constant 0 : index
    %get3A_8 = arith.constant 0 : index
    %get3A_9 = vector.load %arg10[%get3A_7, %get3A_8] : memref<128x128xf32, #tpu.memory_space<vmem>>, vector<128x128xf32>
    %get3A_10 = arith.constant 0 : index
    %get3A_11 = arith.constant 0 : index
    %get3A_12 = vector.load %arg11[%get3A_10, %get3A_11] : memref<1x128xf32, #tpu.memory_space<vmem>>, vector<1x128xf32>
    %get3A_13 = arith.constant 0 : index
    %get3A_14 = arith.constant 0 : index
    %get3A_15 = vector.load %arg12[%get3A_13, %get3A_14] : memref<1x128xf32, #tpu.memory_space<vmem>>, vector<1x128xf32>
    %div3A = arith.constant 2.000000e+04 : f32
    %div3A_16 = vector.broadcast %div3A : f32 to vector<1x128xf32>
    %div3A_17 = arith.divf %get3A_6, %div3A_16 : vector<1x128xf32>
    %dot_general3A = arith.constant dense<0.000000e+00> : vector<1x128xf32>
    %dot_general3A_18 = tpu.matmul %div3A_17, %get3A_9, %dot_general3A {dimension_numbers = #tpu.dot_dimension_numbers<[1], [0], [0], [1], [0, 0, 1, 1], [], []>, transpose_lhs_hint = false} : vector<1x128xf32>, vector<128x128xf32>, vector<1x128xf32> -> vector<1x128xf32>
    %dot_general3A_19 = arith.constant dense<0.000000e+00> : vector<128x128xf32>
    %dot_general3A_20 = tpu.matmul %get3A_3, %get3A_9, %dot_general3A_19 {dimension_numbers = #tpu.dot_dimension_numbers<[1], [0], [0], [1], [0, 0, 1, 1], [], []>, transpose_lhs_hint = false} : vector<128x128xf32>, vector<128x128xf32>, vector<128x128xf32> -> vector<128x128xf32>
    %mul3A = arith.mulf %get3A_9, %dot_general3A_20 : vector<128x128xf32>
    %reduce_sum3A = arith.constant dense<0.000000e+00> : vector<128xf32>
    %reduce_sum3A_21 = vector.multi_reduction <add>, %mul3A, %reduce_sum3A [0] : vector<128x128xf32> to vector<128xf32>
    %broadcast_in_dim3A = vector.shape_cast %reduce_sum3A_21 : vector<128xf32> to vector<1x128xf32>
    %div3A_22 = arith.constant 2.000000e+04 : f32
    %div3A_23 = vector.broadcast %div3A_22 : f32 to vector<1x128xf32>
    %div3A_24 = arith.divf %broadcast_in_dim3A, %div3A_23 : vector<1x128xf32>
    %mul3A_25 = arith.mulf %dot_general3A_18, %dot_general3A_18 : vector<1x128xf32>
    %sub3A = arith.subf %div3A_24, %mul3A_25 : vector<1x128xf32>
    %add3A = arith.constant 9.99999974E-6 : f32
    %add3A_26 = vector.broadcast %add3A : f32 to vector<1x128xf32>
    %add3A_27 = arith.addf %sub3A, %add3A_26 : vector<1x128xf32>
    %rsqrt3A = math.rsqrt %add3A_27 : vector<1x128xf32>
    %mul3A_28 = arith.mulf %get3A_12, %rsqrt3A : vector<1x128xf32>
    %mul3A_29 = vector.broadcast %mul3A_28 : vector<1x128xf32> to vector<128x128xf32>
    %mul3A_30 = arith.mulf %get3A_9, %mul3A_29 : vector<128x128xf32>
    %mul3A_31 = arith.mulf %dot_general3A_18, %mul3A_28 : vector<1x128xf32>
    %sub3A_32 = arith.subf %get3A_15, %mul3A_31 : vector<1x128xf32>
    %get3A_33 = arith.constant 0 : index
    %get3A_34 = arith.constant 0 : index
    %get3A_35 = vector.load %arg1[%get3A_33, %get3A_34] : memref<800x128xf32, #tpu.memory_space<vmem>>, vector<800x128xf32>
    %dot_general3A_36 = arith.constant dense<0.000000e+00> : vector<800x128xf32>
    %dot_general3A_37 = tpu.matmul %get3A_35, %mul3A_30, %dot_general3A_36 {dimension_numbers = #tpu.dot_dimension_numbers<[1], [0], [0], [1], [0, 0, 1, 1], [], []>, transpose_lhs_hint = false} : vector<800x128xf32>, vector<128x128xf32>, vector<800x128xf32> -> vector<800x128xf32>
    %add3A_38 = vector.broadcast %sub3A_32 : vector<1x128xf32> to vector<800x128xf32>
    %add3A_39 = arith.addf %dot_general3A_37, %add3A_38 : vector<800x128xf32>
    %max3A = arith.constant 0.000000e+00 : f32
    %max3A_40 = vector.broadcast %max3A : f32 to vector<800x128xf32>
    %max3A_41 = arith.maximumf %add3A_39, %max3A_40 : vector<800x128xf32>
    %get3A_42 = arith.constant 0 : index
    %get3A_43 = arith.constant 0 : index
    %get3A_44 = vector.load %arg13[%get3A_42, %get3A_43] : memref<128x128xf32, #tpu.memory_space<vmem>>, vector<128x128xf32>
    %dot_general3A_45 = arith.constant dense<0.000000e+00> : vector<800x128xf32>
    %dot_general3A_46 = tpu.matmul %get3A_35, %get3A_44, %dot_general3A_45 {dimension_numbers = #tpu.dot_dimension_numbers<[1], [0], [0], [1], [0, 0, 1, 1], [], []>, transpose_lhs_hint = false} : vector<800x128xf32>, vector<128x128xf32>, vector<800x128xf32> -> vector<800x128xf32>
    %iota3A = tpu.iota {dimensions = array<i32: 1>} : vector<800x128xi32>
    %lt3A = arith.constant 3 : i32
    %lt3A_47 = vector.broadcast %lt3A : i32 to vector<800x128xi32>
    %lt3A_48 = arith.cmpi slt, %iota3A, %lt3A_47 : vector<800x128xi32>
    %jit3A = arith.constant 0xFF800000 : f32
    %broadcast_in_dim3A_49 = vector.broadcast %jit3A : f32 to vector<800x128xf32>
    %select_n3A = arith.select %lt3A_48, %dot_general3A_46, %broadcast_in_dim3A_49 : vector<800x128xi1>, vector<800x128xf32>
    %reduce_max3A = arith.constant dense<0xFF800000> : vector<800xf32>
    %reduce_max3A_50 = vector.multi_reduction <maximumf>, %select_n3A, %reduce_max3A [1] : vector<800x128xf32> to vector<800xf32>
    %broadcast_in_dim3A_51 = vector.shape_cast %reduce_max3A_50 : vector<800xf32> to vector<800x1xf32>
    %sub3A_52 = vector.broadcast %broadcast_in_dim3A_51 : vector<800x1xf32> to vector<800x128xf32>
    %sub3A_53 = arith.subf %select_n3A, %sub3A_52 : vector<800x128xf32>
    %exp3A = math.exp %sub3A_53 : vector<800x128xf32>
    %reduce_sum3A_54 = arith.constant dense<0.000000e+00> : vector<800xf32>
    %reduce_sum3A_55 = vector.multi_reduction <add>, %exp3A, %reduce_sum3A_54 [1] : vector<800x128xf32> to vector<800xf32>
    %broadcast_in_dim3A_56 = vector.shape_cast %reduce_sum3A_55 : vector<800xf32> to vector<800x1xf32>
    %div3A_57 = vector.broadcast %broadcast_in_dim3A_56 : vector<800x1xf32> to vector<800x128xf32>
    %div3A_58 = arith.divf %exp3A, %div3A_57 : vector<800x128xf32>
    %broadcast_in_dim3A_59 = arith.constant 0.000000e+00 : f32
    %broadcast_in_dim3A_60 = vector.broadcast %broadcast_in_dim3A_59 : f32 to vector<800x128xf32>
    %get3A_61 = arith.constant 0 : index
    %get3A_62 = arith.constant 0 : index
    %get3A_63 = vector.load %arg2[%get3A_61, %get3A_62] : memref<800x1xi32, #tpu.memory_space<vmem>>, vector<800x1xi32>
    %iota3A_64 = tpu.iota {dimensions = array<i32: 1>} : vector<800x2048xi32>
    %eq3A_65 = vector.broadcast %get3A_63 : vector<800x1xi32> to vector<800x2048xi32>
    %eq3A_66 = arith.cmpi eq, %iota3A_64, %eq3A_65 : vector<800x2048xi32>
    %convert_element_type3A_67 = arith.extui %eq3A_66 : vector<800x2048xi1> to vector<800x2048xi32>
    %convert_element_type3A_68 = arith.sitofp %convert_element_type3A_67 : vector<800x2048xi32> to vector<800x2048xf32>
    %get3A_69 = arith.constant 0 : index
    %get3A_70 = arith.constant 0 : index
    %get3A_71 = vector.load %arg5[%get3A_69, %get3A_70] : memref<2048x128xf32, #tpu.memory_space<vmem>>, vector<2048x128xf32>
    %dot_general3A_72 = arith.constant dense<0.000000e+00> : vector<800x128xf32>
    %dot_general3A_73 = tpu.matmul %convert_element_type3A_68, %get3A_71, %dot_general3A_72 {dimension_numbers = #tpu.dot_dimension_numbers<[1], [0], [0], [1], [0, 0, 1, 1], [], []>, transpose_lhs_hint = false} : vector<800x2048xf32>, vector<2048x128xf32>, vector<800x128xf32> -> vector<800x128xf32>
    %slice3A = vector.extract_strided_slice %div3A_58 {offsets = [0, 0], sizes = [800, 1], strides = [1, 1]} : vector<800x128xf32> to vector<800x1xf32>
    %mul3A_74 = vector.broadcast %slice3A : vector<800x1xf32> to vector<800x128xf32>
    %mul3A_75 = arith.mulf %mul3A_74, %dot_general3A_73 : vector<800x128xf32>
    %add3A_76 = arith.addf %broadcast_in_dim3A_60, %mul3A_75 : vector<800x128xf32>
    %get3A_77 = arith.constant 0 : index
    %get3A_78 = arith.constant 0 : index
    %get3A_79 = vector.load %arg3[%get3A_77, %get3A_78] : memref<800x1xi32, #tpu.memory_space<vmem>>, vector<800x1xi32>
    %iota3A_80 = tpu.iota {dimensions = array<i32: 1>} : vector<800x512xi32>
    %eq3A_81 = vector.broadcast %get3A_79 : vector<800x1xi32> to vector<800x512xi32>
    %eq3A_82 = arith.cmpi eq, %iota3A_80, %eq3A_81 : vector<800x512xi32>
    %convert_element_type3A_83 = arith.extui %eq3A_82 : vector<800x512xi1> to vector<800x512xi32>
    %convert_element_type3A_84 = arith.sitofp %convert_element_type3A_83 : vector<800x512xi32> to vector<800x512xf32>
    %get3A_85 = arith.constant 0 : index
    %get3A_86 = arith.constant 0 : index
    %get3A_87 = vector.load %arg6[%get3A_85, %get3A_86] : memref<512x128xf32, #tpu.memory_space<vmem>>, vector<512x128xf32>
    %dot_general3A_88 = arith.constant dense<0.000000e+00> : vector<800x128xf32>
    %dot_general3A_89 = tpu.matmul %convert_element_type3A_84, %get3A_87, %dot_general3A_88 {dimension_numbers = #tpu.dot_dimension_numbers<[1], [0], [0], [1], [0, 0, 1, 1], [], []>, transpose_lhs_hint = false} : vector<800x512xf32>, vector<512x128xf32>, vector<800x128xf32> -> vector<800x128xf32>
    %slice3A_90 = vector.extract_strided_slice %div3A_58 {offsets = [0, 1], sizes = [800, 1], strides = [1, 1]} : vector<800x128xf32> to vector<800x1xf32>
    %mul3A_91 = vector.broadcast %slice3A_90 : vector<800x1xf32> to vector<800x128xf32>
    %mul3A_92 = arith.mulf %mul3A_91, %dot_general3A_89 : vector<800x128xf32>
    %add3A_93 = arith.addf %add3A_76, %mul3A_92 : vector<800x128xf32>
    %get3A_94 = arith.constant 0 : index
    %get3A_95 = arith.constant 0 : index
    %get3A_96 = vector.load %arg4[%get3A_94, %get3A_95] : memref<800x1xi32, #tpu.memory_space<vmem>>, vector<800x1xi32>
    %iota3A_97 = tpu.iota {dimensions = array<i32: 1>} : vector<800x128xi32>
    %eq3A_98 = vector.broadcast %get3A_96 : vector<800x1xi32> to vector<800x128xi32>
    %eq3A_99 = arith.cmpi eq, %iota3A_97, %eq3A_98 : vector<800x128xi32>
    %convert_element_type3A_100 = arith.extui %eq3A_99 : vector<800x128xi1> to vector<800x128xi32>
    %convert_element_type3A_101 = arith.sitofp %convert_element_type3A_100 : vector<800x128xi32> to vector<800x128xf32>
    %get3A_102 = arith.constant 0 : index
    %get3A_103 = arith.constant 0 : index
    %get3A_104 = vector.load %arg7[%get3A_102, %get3A_103] : memref<128x128xf32, #tpu.memory_space<vmem>>, vector<128x128xf32>
    %dot_general3A_105 = arith.constant dense<0.000000e+00> : vector<800x128xf32>
    %dot_general3A_106 = tpu.matmul %convert_element_type3A_101, %get3A_104, %dot_general3A_105 {dimension_numbers = #tpu.dot_dimension_numbers<[1], [0], [0], [1], [0, 0, 1, 1], [], []>, transpose_lhs_hint = false} : vector<800x128xf32>, vector<128x128xf32>, vector<800x128xf32> -> vector<800x128xf32>
    %slice3A_107 = vector.extract_strided_slice %div3A_58 {offsets = [0, 2], sizes = [800, 1], strides = [1, 1]} : vector<800x128xf32> to vector<800x1xf32>
    %mul3A_108 = vector.broadcast %slice3A_107 : vector<800x1xf32> to vector<800x128xf32>
    %mul3A_109 = arith.mulf %mul3A_108, %dot_general3A_106 : vector<800x128xf32>
    %add3A_110 = arith.addf %add3A_93, %mul3A_109 : vector<800x128xf32>
    %get3A_111 = arith.constant 0 : index
    %get3A_112 = arith.constant 0 : index
    %get3A_113 = vector.load %arg14[%get3A_111, %get3A_112] : memref<128x128xf32, #tpu.memory_space<vmem>>, vector<128x128xf32>
    %dot_general3A_114 = arith.constant dense<0.000000e+00> : vector<800x128xf32>
    %dot_general3A_115 = tpu.matmul %max3A_41, %get3A_113, %dot_general3A_114 {dimension_numbers = #tpu.dot_dimension_numbers<[1], [0], [0], [1], [0, 0, 1, 1], [], []>, transpose_lhs_hint = false} : vector<800x128xf32>, vector<128x128xf32>, vector<800x128xf32> -> vector<800x128xf32>
    %get3A_116 = arith.constant 0 : index
    %get3A_117 = arith.constant 0 : index
    %get3A_118 = vector.load %arg15[%get3A_116, %get3A_117] : memref<128x128xf32, #tpu.memory_space<vmem>>, vector<128x128xf32>
    %dot_general3A_119 = arith.constant dense<0.000000e+00> : vector<800x128xf32>
    %dot_general3A_120 = tpu.matmul %add3A_110, %get3A_118, %dot_general3A_119 {dimension_numbers = #tpu.dot_dimension_numbers<[1], [0], [0], [1], [0, 0, 1, 1], [], []>, transpose_lhs_hint = false} : vector<800x128xf32>, vector<128x128xf32>, vector<800x128xf32> -> vector<800x128xf32>
    %add3A_121 = arith.addf %dot_general3A_115, %dot_general3A_120 : vector<800x128xf32>
    %swap3A = arith.constant 0 : index
    %swap3A_122 = arith.constant 0 : index
    %swap3A_123 = vector.load %arg16[%swap3A, %swap3A_122] : memref<800x128xf32, #tpu.memory_space<vmem>>, vector<800x128xf32>
    tpu.vector_store %arg16[%swap3A, %swap3A_122], %add3A_121 {strides = array<i32>} : memref<800x128xf32, #tpu.memory_space<vmem>>, vector<800x128xf32>,
    %get3A_124 = arith.constant 0 : index
    %get3A_125 = arith.constant 0 : index
    %get3A_126 = vector.load %arg17[%get3A_124, %get3A_125] : memref<2x128xf32, #tpu.memory_space<vmem>>, vector<2x128xf32>
    %reduce_sum3A_127 = arith.constant dense<0.000000e+00> : vector<128xf32>
    %reduce_sum3A_128 = vector.multi_reduction <add>, %add3A_121, %reduce_sum3A_127 [0] : vector<800x128xf32> to vector<128xf32>
    %broadcast_in_dim3A_129 = vector.shape_cast %reduce_sum3A_128 : vector<128xf32> to vector<1x128xf32>
    %mul3A_130 = arith.mulf %add3A_121, %add3A_121 : vector<800x128xf32>
    %reduce_sum3A_131 = arith.constant dense<0.000000e+00> : vector<128xf32>
    %reduce_sum3A_132 = vector.multi_reduction <add>, %mul3A_130, %reduce_sum3A_131 [0] : vector<800x128xf32> to vector<128xf32>
    %broadcast_in_dim3A_133 = vector.shape_cast %reduce_sum3A_132 : vector<128xf32> to vector<1x128xf32>
    %concatenate3A = tpu.concatenate %broadcast_in_dim3A_129, %broadcast_in_dim3A_133 in 0 : vector<1x128xf32>, vector<1x128xf32> -> vector<2x128xf32>
    %add3A_134 = arith.addf %get3A_126, %concatenate3A : vector<2x128xf32>
    %swap3A_135 = arith.constant 0 : index
    %swap3A_136 = arith.constant 0 : index
    %swap3A_137 = vector.load %arg17[%swap3A_135, %swap3A_136] : memref<2x128xf32, #tpu.memory_space<vmem>>, vector<2x128xf32>
    tpu.vector_store %arg17[%swap3A_135, %swap3A_136], %add3A_134 {strides = array<i32>} : memref<2x128xf32, #tpu.memory_space<vmem>>, vector<2x128xf32>,
    return
  }
  func.func @transform_0(%arg0: i32) -> (i32, i32) {
    %c0_i32 = arith.constant 0 : i32
    %c0_i32_0 = arith.constant 0 : i32
    return %arg0, %c0_i32 : i32, i32
  }
  func.func @transform_1(%arg0: i32) -> (i32, i32) {
    %c0_i32 = arith.constant 0 : i32
    %c0_i32_0 = arith.constant 0 : i32
    return %arg0, %c0_i32 : i32, i32
  }
  func.func @transform_2(%arg0: i32) -> (i32, i32) {
    %c0_i32 = arith.constant 0 : i32
    %c0_i32_0 = arith.constant 0 : i32
    return %arg0, %c0_i32 : i32, i32
  }
  func.func @transform_3(%arg0: i32) -> (i32, i32) {
    %c0_i32 = arith.constant 0 : i32
    %c0_i32_0 = arith.constant 0 : i32
    return %arg0, %c0_i32 : i32, i32
  }
  func.func @transform_4(%arg0: i32) -> (i32, i32) {
    %c0_i32 = arith.constant 0 : i32
    %c0_i32_0 = arith.constant 0 : i32
    %c0_i32_1 = arith.constant 0 : i32
    return %c0_i32, %c0_i32_0 : i32, i32
  }
  func.func @transform_5(%arg0: i32) -> (i32, i32) {
    %c0_i32 = arith.constant 0 : i32
    %c0_i32_0 = arith.constant 0 : i32
    %c0_i32_1 = arith.constant 0 : i32
    return %c0_i32, %c0_i32_0 : i32, i32
  }
  func.func @transform_6(%arg0: i32) -> (i32, i32) {
    %c0_i32 = arith.constant 0 : i32
    %c0_i32_0 = arith.constant 0 : i32
    %c0_i32_1 = arith.constant 0 : i32
    return %c0_i32, %c0_i32_0 : i32, i32
  }
  func.func @transform_7(%arg0: i32) -> (i32, i32) {
    %c0_i32 = arith.constant 0 : i32
    %c0_i32_0 = arith.constant 0 : i32
    %c0_i32_1 = arith.constant 0 : i32
    return %c0_i32, %c0_i32_0 : i32, i32
  }
  func.func @transform_8(%arg0: i32) -> (i32, i32) {
    %c0_i32 = arith.constant 0 : i32
    %c0_i32_0 = arith.constant 0 : i32
    %c0_i32_1 = arith.constant 0 : i32
    return %c0_i32, %c0_i32_0 : i32, i32
  }
  func.func @transform_9(%arg0: i32) -> (i32, i32) {
    %c0_i32 = arith.constant 0 : i32
    %c0_i32_0 = arith.constant 0 : i32
    %c0_i32_1 = arith.constant 0 : i32
    return %c0_i32, %c0_i32_0 : i32, i32
  }
  func.func @transform_10(%arg0: i32) -> (i32, i32) {
    %c0_i32 = arith.constant 0 : i32
    %c0_i32_0 = arith.constant 0 : i32
    %c0_i32_1 = arith.constant 0 : i32
    return %c0_i32, %c0_i32_0 : i32, i32
  }
  func.func @transform_11(%arg0: i32) -> (i32, i32) {
    %c0_i32 = arith.constant 0 : i32
    %c0_i32_0 = arith.constant 0 : i32
    %c0_i32_1 = arith.constant 0 : i32
    return %c0_i32, %c0_i32_0 : i32, i32
  }
  func.func @transform_12(%arg0: i32) -> (i32, i32) {
    %c0_i32 = arith.constant 0 : i32
    %c0_i32_0 = arith.constant 0 : i32
    %c0_i32_1 = arith.constant 0 : i32
    return %c0_i32, %c0_i32_0 : i32, i32
  }
  func.func @transform_13(%arg0: i32) -> (i32, i32) {
    %c0_i32 = arith.constant 0 : i32
    %c0_i32_0 = arith.constant 0 : i32
    %c0_i32_1 = arith.constant 0 : i32
    return %c0_i32, %c0_i32_0 : i32, i32
  }
  func.func @transform_14(%arg0: i32) -> (i32, i32) {
    %c0_i32 = arith.constant 0 : i32
    %c0_i32_0 = arith.constant 0 : i32
    %c0_i32_1 = arith.constant 0 : i32
    return %c0_i32, %c0_i32_0 : i32, i32
  }
  func.func @transform_15(%arg0: i32) -> (i32, i32) {
    %c0_i32 = arith.constant 0 : i32
    %c0_i32_0 = arith.constant 0 : i32
    return %arg0, %c0_i32 : i32, i32
  }
  func.func @transform_16(%arg0: i32) -> (i32, i32) {
    %c0_i32 = arith.constant 0 : i32
    %c0_i32_0 = arith.constant 0 : i32
    %c0_i32_1 = arith.constant 0 : i32
    return %c0_i32, %c0_i32_0 : i32, i32
  }
}

module attributes {stable_mosaic.version = 14 : i64} {
  func.func @_fuse2_body(%arg0: i32, %arg1: memref<800x128xf32, #tpu.memory_space<vmem>>, %arg2: memref<2x128xf32, #tpu.memory_space<vmem>>, %arg3: memref<1x128xf32, #tpu.memory_space<vmem>>, %arg4: memref<1x128xf32, #tpu.memory_space<vmem>>, %arg5: memref<800x128xf32, #tpu.memory_space<vmem>>, %arg6: memref<800x128xf32, #tpu.memory_space<vmem>>) attributes {dimension_semantics = [#tpu.dimension_semantics<arbitrary>], iteration_bounds = array<i64: 25>, scalar_prefetch = 0 : i64, scratch_operands = 0 : i64, tpu.core_type = #tpu.core_type<tc>, window_params = [{transform_indices = @transform_0, window_bounds = array<i64: 800, 128>}, {pipeline_mode = #tpu.pipeline_mode<synchronous>, transform_indices = @transform_1, window_bounds = array<i64: 2, 128>}, {pipeline_mode = #tpu.pipeline_mode<synchronous>, transform_indices = @transform_2, window_bounds = array<i64: 1, 128>}, {pipeline_mode = #tpu.pipeline_mode<synchronous>, transform_indices = @transform_3, window_bounds = array<i64: 1, 128>}, {transform_indices = @transform_4, window_bounds = array<i64: 800, 128>}, {transform_indices = @transform_5, window_bounds = array<i64: 800, 128>}]} {
    %get3A = arith.constant 0 : index
    %get3A_0 = arith.constant 0 : index
    %get3A_1 = vector.load %arg2[%get3A, %get3A_0] : memref<2x128xf32, #tpu.memory_space<vmem>>, vector<2x128xf32>
    %slice3A = vector.extract_strided_slice %get3A_1 {offsets = [0, 0], sizes = [1, 128], strides = [1, 1]} : vector<2x128xf32> to vector<1x128xf32>
    %div3A = arith.constant 2.000000e+04 : f32
    %div3A_2 = vector.broadcast %div3A : f32 to vector<1x128xf32>
    %div3A_3 = arith.divf %slice3A, %div3A_2 : vector<1x128xf32>
    %slice3A_4 = vector.extract_strided_slice %get3A_1 {offsets = [1, 0], sizes = [1, 128], strides = [1, 1]} : vector<2x128xf32> to vector<1x128xf32>
    %div3A_5 = arith.constant 2.000000e+04 : f32
    %div3A_6 = vector.broadcast %div3A_5 : f32 to vector<1x128xf32>
    %div3A_7 = arith.divf %slice3A_4, %div3A_6 : vector<1x128xf32>
    %mul3A = arith.mulf %div3A_3, %div3A_3 : vector<1x128xf32>
    %sub3A = arith.subf %div3A_7, %mul3A : vector<1x128xf32>
    %get3A_8 = arith.constant 0 : index
    %get3A_9 = arith.constant 0 : index
    %get3A_10 = vector.load %arg1[%get3A_8, %get3A_9] : memref<800x128xf32, #tpu.memory_space<vmem>>, vector<800x128xf32>
    %sub3A_11 = vector.broadcast %div3A_3 : vector<1x128xf32> to vector<800x128xf32>
    %sub3A_12 = arith.subf %get3A_10, %sub3A_11 : vector<800x128xf32>
    %add3A = arith.constant 9.99999974E-6 : f32
    %add3A_13 = vector.broadcast %add3A : f32 to vector<1x128xf32>
    %add3A_14 = arith.addf %sub3A, %add3A_13 : vector<1x128xf32>
    %rsqrt3A = math.rsqrt %add3A_14 : vector<1x128xf32>
    %mul3A_15 = vector.broadcast %rsqrt3A : vector<1x128xf32> to vector<800x128xf32>
    %mul3A_16 = arith.mulf %sub3A_12, %mul3A_15 : vector<800x128xf32>
    %get3A_17 = arith.constant 0 : index
    %get3A_18 = arith.constant 0 : index
    %get3A_19 = vector.load %arg3[%get3A_17, %get3A_18] : memref<1x128xf32, #tpu.memory_space<vmem>>, vector<1x128xf32>
    %mul3A_20 = vector.broadcast %get3A_19 : vector<1x128xf32> to vector<800x128xf32>
    %mul3A_21 = arith.mulf %mul3A_16, %mul3A_20 : vector<800x128xf32>
    %get3A_22 = arith.constant 0 : index
    %get3A_23 = arith.constant 0 : index
    %get3A_24 = vector.load %arg4[%get3A_22, %get3A_23] : memref<1x128xf32, #tpu.memory_space<vmem>>, vector<1x128xf32>
    %add3A_25 = vector.broadcast %get3A_24 : vector<1x128xf32> to vector<800x128xf32>
    %add3A_26 = arith.addf %mul3A_21, %add3A_25 : vector<800x128xf32>
    %max3A = arith.constant 0.000000e+00 : f32
    %max3A_27 = vector.broadcast %max3A : f32 to vector<800x128xf32>
    %max3A_28 = arith.maximumf %add3A_26, %max3A_27 : vector<800x128xf32>
    %get3A_29 = arith.constant 0 : index
    %get3A_30 = arith.constant 0 : index
    %get3A_31 = vector.load %arg5[%get3A_29, %get3A_30] : memref<800x128xf32, #tpu.memory_space<vmem>>, vector<800x128xf32>
    %add3A_32 = arith.addf %max3A_28, %get3A_31 : vector<800x128xf32>
    %swap3A = arith.constant 0 : index
    %swap3A_33 = arith.constant 0 : index
    %swap3A_34 = vector.load %arg6[%swap3A, %swap3A_33] : memref<800x128xf32, #tpu.memory_space<vmem>>, vector<800x128xf32>
    tpu.vector_store %arg6[%swap3A, %swap3A_33], %add3A_32 {strides = array<i32>} : memref<800x128xf32, #tpu.memory_space<vmem>>, vector<800x128xf32>,
    return
  }
  func.func @transform_0(%arg0: i32) -> (i32, i32) {
    %c0_i32 = arith.constant 0 : i32
    %c0_i32_0 = arith.constant 0 : i32
    return %arg0, %c0_i32 : i32, i32
  }
  func.func @transform_1(%arg0: i32) -> (i32, i32) {
    %c0_i32 = arith.constant 0 : i32
    %c0_i32_0 = arith.constant 0 : i32
    %c0_i32_1 = arith.constant 0 : i32
    return %c0_i32, %c0_i32_0 : i32, i32
  }
  func.func @transform_2(%arg0: i32) -> (i32, i32) {
    %c0_i32 = arith.constant 0 : i32
    %c0_i32_0 = arith.constant 0 : i32
    %c0_i32_1 = arith.constant 0 : i32
    return %c0_i32, %c0_i32_0 : i32, i32
  }
  func.func @transform_3(%arg0: i32) -> (i32, i32) {
    %c0_i32 = arith.constant 0 : i32
    %c0_i32_0 = arith.constant 0 : i32
    %c0_i32_1 = arith.constant 0 : i32
    return %c0_i32, %c0_i32_0 : i32, i32
  }
  func.func @transform_4(%arg0: i32) -> (i32, i32) {
    %c0_i32 = arith.constant 0 : i32
    %c0_i32_0 = arith.constant 0 : i32
    return %arg0, %c0_i32 : i32, i32
  }
  func.func @transform_5(%arg0: i32) -> (i32, i32) {
    %c0_i32 = arith.constant 0 : i32
    %c0_i32_0 = arith.constant 0 : i32
    return %arg0, %c0_i32 : i32, i32
  }
}

module attributes {stable_mosaic.version = 14 : i64} {
  func.func @_conv_plain_body(%arg0: i32, %arg1: memref<800x27x128xf32, #tpu.memory_space<vmem>>, %arg2: memref<27x128x128xf32, #tpu.memory_space<vmem>>, %arg3: memref<800x128xf32, #tpu.memory_space<vmem>>) attributes {dimension_semantics = [#tpu.dimension_semantics<arbitrary>], iteration_bounds = array<i64: 25>, scalar_prefetch = 0 : i64, scratch_operands = 0 : i64, tpu.core_type = #tpu.core_type<tc>, window_params = [{transform_indices = @transform_0, window_bounds = array<i64: 800, 27, 128>}, {pipeline_mode = #tpu.pipeline_mode<synchronous>, transform_indices = @transform_1, window_bounds = array<i64: 27, 128, 128>}, {transform_indices = @transform_2, window_bounds = array<i64: 800, 128>}]} {
    %get3A = arith.constant 0 : index
    %get3A_0 = arith.constant 0 : index
    %get3A_1 = arith.constant 0 : index
    %get3A_2 = vector.load %arg1[%get3A, %get3A_0, %get3A_1] : memref<800x27x128xf32, #tpu.memory_space<vmem>>, vector<800x1x128xf32>
    %get3A_3 = vector.shape_cast %get3A_2 : vector<800x1x128xf32> to vector<800x128xf32>
    %get3A_4 = arith.constant 0 : index
    %get3A_5 = arith.constant 0 : index
    %get3A_6 = arith.constant 0 : index
    %get3A_7 = vector.load %arg2[%get3A_4, %get3A_5, %get3A_6] : memref<27x128x128xf32, #tpu.memory_space<vmem>>, vector<1x128x128xf32>
    %get3A_8 = vector.shape_cast %get3A_7 : vector<1x128x128xf32> to vector<128x128xf32>
    %dot_general3A = arith.constant dense<0.000000e+00> : vector<800x128xf32>
    %dot_general3A_9 = tpu.matmul %get3A_3, %get3A_8, %dot_general3A {dimension_numbers = #tpu.dot_dimension_numbers<[1], [0], [0], [1], [0, 0, 1, 1], [], []>, transpose_lhs_hint = false} : vector<800x128xf32>, vector<128x128xf32>, vector<800x128xf32> -> vector<800x128xf32>
    %get3A_10 = arith.constant 0 : index
    %get3A_11 = arith.constant 1 : index
    %get3A_12 = arith.constant 0 : index
    %get3A_13 = vector.load %arg1[%get3A_10, %get3A_11, %get3A_12] : memref<800x27x128xf32, #tpu.memory_space<vmem>>, vector<800x1x128xf32>
    %get3A_14 = vector.shape_cast %get3A_13 : vector<800x1x128xf32> to vector<800x128xf32>
    %get3A_15 = arith.constant 1 : index
    %get3A_16 = arith.constant 0 : index
    %get3A_17 = arith.constant 0 : index
    %get3A_18 = vector.load %arg2[%get3A_15, %get3A_16, %get3A_17] : memref<27x128x128xf32, #tpu.memory_space<vmem>>, vector<1x128x128xf32>
    %get3A_19 = vector.shape_cast %get3A_18 : vector<1x128x128xf32> to vector<128x128xf32>
    %dot_general3A_20 = arith.constant dense<0.000000e+00> : vector<800x128xf32>
    %dot_general3A_21 = tpu.matmul %get3A_14, %get3A_19, %dot_general3A_20 {dimension_numbers = #tpu.dot_dimension_numbers<[1], [0], [0], [1], [0, 0, 1, 1], [], []>, transpose_lhs_hint = false} : vector<800x128xf32>, vector<128x128xf32>, vector<800x128xf32> -> vector<800x128xf32>
    %add3A = arith.addf %dot_general3A_9, %dot_general3A_21 : vector<800x128xf32>
    %get3A_22 = arith.constant 0 : index
    %get3A_23 = arith.constant 2 : index
    %get3A_24 = arith.constant 0 : index
    %get3A_25 = vector.load %arg1[%get3A_22, %get3A_23, %get3A_24] : memref<800x27x128xf32, #tpu.memory_space<vmem>>, vector<800x1x128xf32>
    %get3A_26 = vector.shape_cast %get3A_25 : vector<800x1x128xf32> to vector<800x128xf32>
    %get3A_27 = arith.constant 2 : index
    %get3A_28 = arith.constant 0 : index
    %get3A_29 = arith.constant 0 : index
    %get3A_30 = vector.load %arg2[%get3A_27, %get3A_28, %get3A_29] : memref<27x128x128xf32, #tpu.memory_space<vmem>>, vector<1x128x128xf32>
    %get3A_31 = vector.shape_cast %get3A_30 : vector<1x128x128xf32> to vector<128x128xf32>
    %dot_general3A_32 = arith.constant dense<0.000000e+00> : vector<800x128xf32>
    %dot_general3A_33 = tpu.matmul %get3A_26, %get3A_31, %dot_general3A_32 {dimension_numbers = #tpu.dot_dimension_numbers<[1], [0], [0], [1], [0, 0, 1, 1], [], []>, transpose_lhs_hint = false} : vector<800x128xf32>, vector<128x128xf32>, vector<800x128xf32> -> vector<800x128xf32>
    %add3A_34 = arith.addf %add3A, %dot_general3A_33 : vector<800x128xf32>
    %get3A_35 = arith.constant 0 : index
    %get3A_36 = arith.constant 3 : index
    %get3A_37 = arith.constant 0 : index
    %get3A_38 = vector.load %arg1[%get3A_35, %get3A_36, %get3A_37] : memref<800x27x128xf32, #tpu.memory_space<vmem>>, vector<800x1x128xf32>
    %get3A_39 = vector.shape_cast %get3A_38 : vector<800x1x128xf32> to vector<800x128xf32>
    %get3A_40 = arith.constant 3 : index
    %get3A_41 = arith.constant 0 : index
    %get3A_42 = arith.constant 0 : index
    %get3A_43 = vector.load %arg2[%get3A_40, %get3A_41, %get3A_42] : memref<27x128x128xf32, #tpu.memory_space<vmem>>, vector<1x128x128xf32>
    %get3A_44 = vector.shape_cast %get3A_43 : vector<1x128x128xf32> to vector<128x128xf32>
    %dot_general3A_45 = arith.constant dense<0.000000e+00> : vector<800x128xf32>
    %dot_general3A_46 = tpu.matmul %get3A_39, %get3A_44, %dot_general3A_45 {dimension_numbers = #tpu.dot_dimension_numbers<[1], [0], [0], [1], [0, 0, 1, 1], [], []>, transpose_lhs_hint = false} : vector<800x128xf32>, vector<128x128xf32>, vector<800x128xf32> -> vector<800x128xf32>
    %add3A_47 = arith.addf %add3A_34, %dot_general3A_46 : vector<800x128xf32>
    %get3A_48 = arith.constant 0 : index
    %get3A_49 = arith.constant 4 : index
    %get3A_50 = arith.constant 0 : index
    %get3A_51 = vector.load %arg1[%get3A_48, %get3A_49, %get3A_50] : memref<800x27x128xf32, #tpu.memory_space<vmem>>, vector<800x1x128xf32>
    %get3A_52 = vector.shape_cast %get3A_51 : vector<800x1x128xf32> to vector<800x128xf32>
    %get3A_53 = arith.constant 4 : index
    %get3A_54 = arith.constant 0 : index
    %get3A_55 = arith.constant 0 : index
    %get3A_56 = vector.load %arg2[%get3A_53, %get3A_54, %get3A_55] : memref<27x128x128xf32, #tpu.memory_space<vmem>>, vector<1x128x128xf32>
    %get3A_57 = vector.shape_cast %get3A_56 : vector<1x128x128xf32> to vector<128x128xf32>
    %dot_general3A_58 = arith.constant dense<0.000000e+00> : vector<800x128xf32>
    %dot_general3A_59 = tpu.matmul %get3A_52, %get3A_57, %dot_general3A_58 {dimension_numbers = #tpu.dot_dimension_numbers<[1], [0], [0], [1], [0, 0, 1, 1], [], []>, transpose_lhs_hint = false} : vector<800x128xf32>, vector<128x128xf32>, vector<800x128xf32> -> vector<800x128xf32>
    %add3A_60 = arith.addf %add3A_47, %dot_general3A_59 : vector<800x128xf32>
    %get3A_61 = arith.constant 0 : index
    %get3A_62 = arith.constant 5 : index
    %get3A_63 = arith.constant 0 : index
    %get3A_64 = vector.load %arg1[%get3A_61, %get3A_62, %get3A_63] : memref<800x27x128xf32, #tpu.memory_space<vmem>>, vector<800x1x128xf32>
    %get3A_65 = vector.shape_cast %get3A_64 : vector<800x1x128xf32> to vector<800x128xf32>
    %get3A_66 = arith.constant 5 : index
    %get3A_67 = arith.constant 0 : index
    %get3A_68 = arith.constant 0 : index
    %get3A_69 = vector.load %arg2[%get3A_66, %get3A_67, %get3A_68] : memref<27x128x128xf32, #tpu.memory_space<vmem>>, vector<1x128x128xf32>
    %get3A_70 = vector.shape_cast %get3A_69 : vector<1x128x128xf32> to vector<128x128xf32>
    %dot_general3A_71 = arith.constant dense<0.000000e+00> : vector<800x128xf32>
    %dot_general3A_72 = tpu.matmul %get3A_65, %get3A_70, %dot_general3A_71 {dimension_numbers = #tpu.dot_dimension_numbers<[1], [0], [0], [1], [0, 0, 1, 1], [], []>, transpose_lhs_hint = false} : vector<800x128xf32>, vector<128x128xf32>, vector<800x128xf32> -> vector<800x128xf32>
    %add3A_73 = arith.addf %add3A_60, %dot_general3A_72 : vector<800x128xf32>
    %get3A_74 = arith.constant 0 : index
    %get3A_75 = arith.constant 6 : index
    %get3A_76 = arith.constant 0 : index
    %get3A_77 = vector.load %arg1[%get3A_74, %get3A_75, %get3A_76] : memref<800x27x128xf32, #tpu.memory_space<vmem>>, vector<800x1x128xf32>
    %get3A_78 = vector.shape_cast %get3A_77 : vector<800x1x128xf32> to vector<800x128xf32>
    %get3A_79 = arith.constant 6 : index
    %get3A_80 = arith.constant 0 : index
    %get3A_81 = arith.constant 0 : index
    %get3A_82 = vector.load %arg2[%get3A_79, %get3A_80, %get3A_81] : memref<27x128x128xf32, #tpu.memory_space<vmem>>, vector<1x128x128xf32>
    %get3A_83 = vector.shape_cast %get3A_82 : vector<1x128x128xf32> to vector<128x128xf32>
    %dot_general3A_84 = arith.constant dense<0.000000e+00> : vector<800x128xf32>
    %dot_general3A_85 = tpu.matmul %get3A_78, %get3A_83, %dot_general3A_84 {dimension_numbers = #tpu.dot_dimension_numbers<[1], [0], [0], [1], [0, 0, 1, 1], [], []>, transpose_lhs_hint = false} : vector<800x128xf32>, vector<128x128xf32>, vector<800x128xf32> -> vector<800x128xf32>
    %add3A_86 = arith.addf %add3A_73, %dot_general3A_85 : vector<800x128xf32>
    %get3A_87 = arith.constant 0 : index
    %get3A_88 = arith.constant 7 : index
    %get3A_89 = arith.constant 0 : index
    %get3A_90 = vector.load %arg1[%get3A_87, %get3A_88, %get3A_89] : memref<800x27x128xf32, #tpu.memory_space<vmem>>, vector<800x1x128xf32>
    %get3A_91 = vector.shape_cast %get3A_90 : vector<800x1x128xf32> to vector<800x128xf32>
    %get3A_92 = arith.constant 7 : index
    %get3A_93 = arith.constant 0 : index
    %get3A_94 = arith.constant 0 : index
    %get3A_95 = vector.load %arg2[%get3A_92, %get3A_93, %get3A_94] : memref<27x128x128xf32, #tpu.memory_space<vmem>>, vector<1x128x128xf32>
    %get3A_96 = vector.shape_cast %get3A_95 : vector<1x128x128xf32> to vector<128x128xf32>
    %dot_general3A_97 = arith.constant dense<0.000000e+00> : vector<800x128xf32>
    %dot_general3A_98 = tpu.matmul %get3A_91, %get3A_96, %dot_general3A_97 {dimension_numbers = #tpu.dot_dimension_numbers<[1], [0], [0], [1], [0, 0, 1, 1], [], []>, transpose_lhs_hint = false} : vector<800x128xf32>, vector<128x128xf32>, vector<800x128xf32> -> vector<800x128xf32>
    %add3A_99 = arith.addf %add3A_86, %dot_general3A_98 : vector<800x128xf32>
    %get3A_100 = arith.constant 0 : index
    %get3A_101 = arith.constant 8 : index
    %get3A_102 = arith.constant 0 : index
    %get3A_103 = vector.load %arg1[%get3A_100, %get3A_101, %get3A_102] : memref<800x27x128xf32, #tpu.memory_space<vmem>>, vector<800x1x128xf32>
    %get3A_104 = vector.shape_cast %get3A_103 : vector<800x1x128xf32> to vector<800x128xf32>
    %get3A_105 = arith.constant 8 : index
    %get3A_106 = arith.constant 0 : index
    %get3A_107 = arith.constant 0 : index
    %get3A_108 = vector.load %arg2[%get3A_105, %get3A_106, %get3A_107] : memref<27x128x128xf32, #tpu.memory_space<vmem>>, vector<1x128x128xf32>
    %get3A_109 = vector.shape_cast %get3A_108 : vector<1x128x128xf32> to vector<128x128xf32>
    %dot_general3A_110 = arith.constant dense<0.000000e+00> : vector<800x128xf32>
    %dot_general3A_111 = tpu.matmul %get3A_104, %get3A_109, %dot_general3A_110 {dimension_numbers = #tpu.dot_dimension_numbers<[1], [0], [0], [1], [0, 0, 1, 1], [], []>, transpose_lhs_hint = false} : vector<800x128xf32>, vector<128x128xf32>, vector<800x128xf32> -> vector<800x128xf32>
    %add3A_112 = arith.addf %add3A_99, %dot_general3A_111 : vector<800x128xf32>
    %get3A_113 = arith.constant 0 : index
    %get3A_114 = arith.constant 9 : index
    %get3A_115 = arith.constant 0 : index
    %get3A_116 = vector.load %arg1[%get3A_113, %get3A_114, %get3A_115] : memref<800x27x128xf32, #tpu.memory_space<vmem>>, vector<800x1x128xf32>
    %get3A_117 = vector.shape_cast %get3A_116 : vector<800x1x128xf32> to vector<800x128xf32>
    %get3A_118 = arith.constant 9 : index
    %get3A_119 = arith.constant 0 : index
    %get3A_120 = arith.constant 0 : index
    %get3A_121 = vector.load %arg2[%get3A_118, %get3A_119, %get3A_120] : memref<27x128x128xf32, #tpu.memory_space<vmem>>, vector<1x128x128xf32>
    %get3A_122 = vector.shape_cast %get3A_121 : vector<1x128x128xf32> to vector<128x128xf32>
    %dot_general3A_123 = arith.constant dense<0.000000e+00> : vector<800x128xf32>
    %dot_general3A_124 = tpu.matmul %get3A_117, %get3A_122, %dot_general3A_123 {dimension_numbers = #tpu.dot_dimension_numbers<[1], [0], [0], [1], [0, 0, 1, 1], [], []>, transpose_lhs_hint = false} : vector<800x128xf32>, vector<128x128xf32>, vector<800x128xf32> -> vector<800x128xf32>
    %add3A_125 = arith.addf %add3A_112, %dot_general3A_124 : vector<800x128xf32>
    %get3A_126 = arith.constant 0 : index
    %get3A_127 = arith.constant 10 : index
    %get3A_128 = arith.constant 0 : index
    %get3A_129 = vector.load %arg1[%get3A_126, %get3A_127, %get3A_128] : memref<800x27x128xf32, #tpu.memory_space<vmem>>, vector<800x1x128xf32>
    %get3A_130 = vector.shape_cast %get3A_129 : vector<800x1x128xf32> to vector<800x128xf32>
    %get3A_131 = arith.constant 10 : index
    %get3A_132 = arith.constant 0 : index
    %get3A_133 = arith.constant 0 : index
    %get3A_134 = vector.load %arg2[%get3A_131, %get3A_132, %get3A_133] : memref<27x128x128xf32, #tpu.memory_space<vmem>>, vector<1x128x128xf32>
    %get3A_135 = vector.shape_cast %get3A_134 : vector<1x128x128xf32> to vector<128x128xf32>
    %dot_general3A_136 = arith.constant dense<0.000000e+00> : vector<800x128xf32>
    %dot_general3A_137 = tpu.matmul %get3A_130, %get3A_135, %dot_general3A_136 {dimension_numbers = #tpu.dot_dimension_numbers<[1], [0], [0], [1], [0, 0, 1, 1], [], []>, transpose_lhs_hint = false} : vector<800x128xf32>, vector<128x128xf32>, vector<800x128xf32> -> vector<800x128xf32>
    %add3A_138 = arith.addf %add3A_125, %dot_general3A_137 : vector<800x128xf32>
    %get3A_139 = arith.constant 0 : index
    %get3A_140 = arith.constant 11 : index
    %get3A_141 = arith.constant 0 : index
    %get3A_142 = vector.load %arg1[%get3A_139, %get3A_140, %get3A_141] : memref<800x27x128xf32, #tpu.memory_space<vmem>>, vector<800x1x128xf32>
    %get3A_143 = vector.shape_cast %get3A_142 : vector<800x1x128xf32> to vector<800x128xf32>
    %get3A_144 = arith.constant 11 : index
    %get3A_145 = arith.constant 0 : index
    %get3A_146 = arith.constant 0 : index
    %get3A_147 = vector.load %arg2[%get3A_144, %get3A_145, %get3A_146] : memref<27x128x128xf32, #tpu.memory_space<vmem>>, vector<1x128x128xf32>
    %get3A_148 = vector.shape_cast %get3A_147 : vector<1x128x128xf32> to vector<128x128xf32>
    %dot_general3A_149 = arith.constant dense<0.000000e+00> : vector<800x128xf32>
    %dot_general3A_150 = tpu.matmul %get3A_143, %get3A_148, %dot_general3A_149 {dimension_numbers = #tpu.dot_dimension_numbers<[1], [0], [0], [1], [0, 0, 1, 1], [], []>, transpose_lhs_hint = false} : vector<800x128xf32>, vector<128x128xf32>, vector<800x128xf32> -> vector<800x128xf32>
    %add3A_151 = arith.addf %add3A_138, %dot_general3A_150 : vector<800x128xf32>
    %get3A_152 = arith.constant 0 : index
    %get3A_153 = arith.constant 12 : index
    %get3A_154 = arith.constant 0 : index
    %get3A_155 = vector.load %arg1[%get3A_152, %get3A_153, %get3A_154] : memref<800x27x128xf32, #tpu.memory_space<vmem>>, vector<800x1x128xf32>
    %get3A_156 = vector.shape_cast %get3A_155 : vector<800x1x128xf32> to vector<800x128xf32>
    %get3A_157 = arith.constant 12 : index
    %get3A_158 = arith.constant 0 : index
    %get3A_159 = arith.constant 0 : index
    %get3A_160 = vector.load %arg2[%get3A_157, %get3A_158, %get3A_159] : memref<27x128x128xf32, #tpu.memory_space<vmem>>, vector<1x128x128xf32>
    %get3A_161 = vector.shape_cast %get3A_160 : vector<1x128x128xf32> to vector<128x128xf32>
    %dot_general3A_162 = arith.constant dense<0.000000e+00> : vector<800x128xf32>
    %dot_general3A_163 = tpu.matmul %get3A_156, %get3A_161, %dot_general3A_162 {dimension_numbers = #tpu.dot_dimension_numbers<[1], [0], [0], [1], [0, 0, 1, 1], [], []>, transpose_lhs_hint = false} : vector<800x128xf32>, vector<128x128xf32>, vector<800x128xf32> -> vector<800x128xf32>
    %add3A_164 = arith.addf %add3A_151, %dot_general3A_163 : vector<800x128xf32>
    %get3A_165 = arith.constant 0 : index
    %get3A_166 = arith.constant 13 : index
    %get3A_167 = arith.constant 0 : index
    %get3A_168 = vector.load %arg1[%get3A_165, %get3A_166, %get3A_167] : memref<800x27x128xf32, #tpu.memory_space<vmem>>, vector<800x1x128xf32>
    %get3A_169 = vector.shape_cast %get3A_168 : vector<800x1x128xf32> to vector<800x128xf32>
    %get3A_170 = arith.constant 13 : index
    %get3A_171 = arith.constant 0 : index
    %get3A_172 = arith.constant 0 : index
    %get3A_173 = vector.load %arg2[%get3A_170, %get3A_171, %get3A_172] : memref<27x128x128xf32, #tpu.memory_space<vmem>>, vector<1x128x128xf32>
    %get3A_174 = vector.shape_cast %get3A_173 : vector<1x128x128xf32> to vector<128x128xf32>
    %dot_general3A_175 = arith.constant dense<0.000000e+00> : vector<800x128xf32>
    %dot_general3A_176 = tpu.matmul %get3A_169, %get3A_174, %dot_general3A_175 {dimension_numbers = #tpu.dot_dimension_numbers<[1], [0], [0], [1], [0, 0, 1, 1], [], []>, transpose_lhs_hint = false} : vector<800x128xf32>, vector<128x128xf32>, vector<800x128xf32> -> vector<800x128xf32>
    %add3A_177 = arith.addf %add3A_164, %dot_general3A_176 : vector<800x128xf32>
    %get3A_178 = arith.constant 0 : index
    %get3A_179 = arith.constant 14 : index
    %get3A_180 = arith.constant 0 : index
    %get3A_181 = vector.load %arg1[%get3A_178, %get3A_179, %get3A_180] : memref<800x27x128xf32, #tpu.memory_space<vmem>>, vector<800x1x128xf32>
    %get3A_182 = vector.shape_cast %get3A_181 : vector<800x1x128xf32> to vector<800x128xf32>
    %get3A_183 = arith.constant 14 : index
    %get3A_184 = arith.constant 0 : index
    %get3A_185 = arith.constant 0 : index
    %get3A_186 = vector.load %arg2[%get3A_183, %get3A_184, %get3A_185] : memref<27x128x128xf32, #tpu.memory_space<vmem>>, vector<1x128x128xf32>
    %get3A_187 = vector.shape_cast %get3A_186 : vector<1x128x128xf32> to vector<128x128xf32>
    %dot_general3A_188 = arith.constant dense<0.000000e+00> : vector<800x128xf32>
    %dot_general3A_189 = tpu.matmul %get3A_182, %get3A_187, %dot_general3A_188 {dimension_numbers = #tpu.dot_dimension_numbers<[1], [0], [0], [1], [0, 0, 1, 1], [], []>, transpose_lhs_hint = false} : vector<800x128xf32>, vector<128x128xf32>, vector<800x128xf32> -> vector<800x128xf32>
    %add3A_190 = arith.addf %add3A_177, %dot_general3A_189 : vector<800x128xf32>
    %get3A_191 = arith.constant 0 : index
    %get3A_192 = arith.constant 15 : index
    %get3A_193 = arith.constant 0 : index
    %get3A_194 = vector.load %arg1[%get3A_191, %get3A_192, %get3A_193] : memref<800x27x128xf32, #tpu.memory_space<vmem>>, vector<800x1x128xf32>
    %get3A_195 = vector.shape_cast %get3A_194 : vector<800x1x128xf32> to vector<800x128xf32>
    %get3A_196 = arith.constant 15 : index
    %get3A_197 = arith.constant 0 : index
    %get3A_198 = arith.constant 0 : index
    %get3A_199 = vector.load %arg2[%get3A_196, %get3A_197, %get3A_198] : memref<27x128x128xf32, #tpu.memory_space<vmem>>, vector<1x128x128xf32>
    %get3A_200 = vector.shape_cast %get3A_199 : vector<1x128x128xf32> to vector<128x128xf32>
    %dot_general3A_201 = arith.constant dense<0.000000e+00> : vector<800x128xf32>
    %dot_general3A_202 = tpu.matmul %get3A_195, %get3A_200, %dot_general3A_201 {dimension_numbers = #tpu.dot_dimension_numbers<[1], [0], [0], [1], [0, 0, 1, 1], [], []>, transpose_lhs_hint = false} : vector<800x128xf32>, vector<128x128xf32>, vector<800x128xf32> -> vector<800x128xf32>
    %add3A_203 = arith.addf %add3A_190, %dot_general3A_202 : vector<800x128xf32>
    %get3A_204 = arith.constant 0 : index
    %get3A_205 = arith.constant 16 : index
    %get3A_206 = arith.constant 0 : index
    %get3A_207 = vector.load %arg1[%get3A_204, %get3A_205, %get3A_206] : memref<800x27x128xf32, #tpu.memory_space<vmem>>, vector<800x1x128xf32>
    %get3A_208 = vector.shape_cast %get3A_207 : vector<800x1x128xf32> to vector<800x128xf32>
    %get3A_209 = arith.constant 16 : index
    %get3A_210 = arith.constant 0 : index
    %get3A_211 = arith.constant 0 : index
    %get3A_212 = vector.load %arg2[%get3A_209, %get3A_210, %get3A_211] : memref<27x128x128xf32, #tpu.memory_space<vmem>>, vector<1x128x128xf32>
    %get3A_213 = vector.shape_cast %get3A_212 : vector<1x128x128xf32> to vector<128x128xf32>
    %dot_general3A_214 = arith.constant dense<0.000000e+00> : vector<800x128xf32>
    %dot_general3A_215 = tpu.matmul %get3A_208, %get3A_213, %dot_general3A_214 {dimension_numbers = #tpu.dot_dimension_numbers<[1], [0], [0], [1], [0, 0, 1, 1], [], []>, transpose_lhs_hint = false} : vector<800x128xf32>, vector<128x128xf32>, vector<800x128xf32> -> vector<800x128xf32>
    %add3A_216 = arith.addf %add3A_203, %dot_general3A_215 : vector<800x128xf32>
    %get3A_217 = arith.constant 0 : index
    %get3A_218 = arith.constant 17 : index
    %get3A_219 = arith.constant 0 : index
    %get3A_220 = vector.load %arg1[%get3A_217, %get3A_218, %get3A_219] : memref<800x27x128xf32, #tpu.memory_space<vmem>>, vector<800x1x128xf32>
    %get3A_221 = vector.shape_cast %get3A_220 : vector<800x1x128xf32> to vector<800x128xf32>
    %get3A_222 = arith.constant 17 : index
    %get3A_223 = arith.constant 0 : index
    %get3A_224 = arith.constant 0 : index
    %get3A_225 = vector.load %arg2[%get3A_222, %get3A_223, %get3A_224] : memref<27x128x128xf32, #tpu.memory_space<vmem>>, vector<1x128x128xf32>
    %get3A_226 = vector.shape_cast %get3A_225 : vector<1x128x128xf32> to vector<128x128xf32>
    %dot_general3A_227 = arith.constant dense<0.000000e+00> : vector<800x128xf32>
    %dot_general3A_228 = tpu.matmul %get3A_221, %get3A_226, %dot_general3A_227 {dimension_numbers = #tpu.dot_dimension_numbers<[1], [0], [0], [1], [0, 0, 1, 1], [], []>, transpose_lhs_hint = false} : vector<800x128xf32>, vector<128x128xf32>, vector<800x128xf32> -> vector<800x128xf32>
    %add3A_229 = arith.addf %add3A_216, %dot_general3A_228 : vector<800x128xf32>
    %get3A_230 = arith.constant 0 : index
    %get3A_231 = arith.constant 18 : index
    %get3A_232 = arith.constant 0 : index
    %get3A_233 = vector.load %arg1[%get3A_230, %get3A_231, %get3A_232] : memref<800x27x128xf32, #tpu.memory_space<vmem>>, vector<800x1x128xf32>
    %get3A_234 = vector.shape_cast %get3A_233 : vector<800x1x128xf32> to vector<800x128xf32>
    %get3A_235 = arith.constant 18 : index
    %get3A_236 = arith.constant 0 : index
    %get3A_237 = arith.constant 0 : index
    %get3A_238 = vector.load %arg2[%get3A_235, %get3A_236, %get3A_237] : memref<27x128x128xf32, #tpu.memory_space<vmem>>, vector<1x128x128xf32>
    %get3A_239 = vector.shape_cast %get3A_238 : vector<1x128x128xf32> to vector<128x128xf32>
    %dot_general3A_240 = arith.constant dense<0.000000e+00> : vector<800x128xf32>
    %dot_general3A_241 = tpu.matmul %get3A_234, %get3A_239, %dot_general3A_240 {dimension_numbers = #tpu.dot_dimension_numbers<[1], [0], [0], [1], [0, 0, 1, 1], [], []>, transpose_lhs_hint = false} : vector<800x128xf32>, vector<128x128xf32>, vector<800x128xf32> -> vector<800x128xf32>
    %add3A_242 = arith.addf %add3A_229, %dot_general3A_241 : vector<800x128xf32>
    %get3A_243 = arith.constant 0 : index
    %get3A_244 = arith.constant 19 : index
    %get3A_245 = arith.constant 0 : index
    %get3A_246 = vector.load %arg1[%get3A_243, %get3A_244, %get3A_245] : memref<800x27x128xf32, #tpu.memory_space<vmem>>, vector<800x1x128xf32>
    %get3A_247 = vector.shape_cast %get3A_246 : vector<800x1x128xf32> to vector<800x128xf32>
    %get3A_248 = arith.constant 19 : index
    %get3A_249 = arith.constant 0 : index
    %get3A_250 = arith.constant 0 : index
    %get3A_251 = vector.load %arg2[%get3A_248, %get3A_249, %get3A_250] : memref<27x128x128xf32, #tpu.memory_space<vmem>>, vector<1x128x128xf32>
    %get3A_252 = vector.shape_cast %get3A_251 : vector<1x128x128xf32> to vector<128x128xf32>
    %dot_general3A_253 = arith.constant dense<0.000000e+00> : vector<800x128xf32>
    %dot_general3A_254 = tpu.matmul %get3A_247, %get3A_252, %dot_general3A_253 {dimension_numbers = #tpu.dot_dimension_numbers<[1], [0], [0], [1], [0, 0, 1, 1], [], []>, transpose_lhs_hint = false} : vector<800x128xf32>, vector<128x128xf32>, vector<800x128xf32> -> vector<800x128xf32>
    %add3A_255 = arith.addf %add3A_242, %dot_general3A_254 : vector<800x128xf32>
    %get3A_256 = arith.constant 0 : index
    %get3A_257 = arith.constant 20 : index
    %get3A_258 = arith.constant 0 : index
    %get3A_259 = vector.load %arg1[%get3A_256, %get3A_257, %get3A_258] : memref<800x27x128xf32, #tpu.memory_space<vmem>>, vector<800x1x128xf32>
    %get3A_260 = vector.shape_cast %get3A_259 : vector<800x1x128xf32> to vector<800x128xf32>
    %get3A_261 = arith.constant 20 : index
    %get3A_262 = arith.constant 0 : index
    %get3A_263 = arith.constant 0 : index
    %get3A_264 = vector.load %arg2[%get3A_261, %get3A_262, %get3A_263] : memref<27x128x128xf32, #tpu.memory_space<vmem>>, vector<1x128x128xf32>
    %get3A_265 = vector.shape_cast %get3A_264 : vector<1x128x128xf32> to vector<128x128xf32>
    %dot_general3A_266 = arith.constant dense<0.000000e+00> : vector<800x128xf32>
    %dot_general3A_267 = tpu.matmul %get3A_260, %get3A_265, %dot_general3A_266 {dimension_numbers = #tpu.dot_dimension_numbers<[1], [0], [0], [1], [0, 0, 1, 1], [], []>, transpose_lhs_hint = false} : vector<800x128xf32>, vector<128x128xf32>, vector<800x128xf32> -> vector<800x128xf32>
    %add3A_268 = arith.addf %add3A_255, %dot_general3A_267 : vector<800x128xf32>
    %get3A_269 = arith.constant 0 : index
    %get3A_270 = arith.constant 21 : index
    %get3A_271 = arith.constant 0 : index
    %get3A_272 = vector.load %arg1[%get3A_269, %get3A_270, %get3A_271] : memref<800x27x128xf32, #tpu.memory_space<vmem>>, vector<800x1x128xf32>
    %get3A_273 = vector.shape_cast %get3A_272 : vector<800x1x128xf32> to vector<800x128xf32>
    %get3A_274 = arith.constant 21 : index
    %get3A_275 = arith.constant 0 : index
    %get3A_276 = arith.constant 0 : index
    %get3A_277 = vector.load %arg2[%get3A_274, %get3A_275, %get3A_276] : memref<27x128x128xf32, #tpu.memory_space<vmem>>, vector<1x128x128xf32>
    %get3A_278 = vector.shape_cast %get3A_277 : vector<1x128x128xf32> to vector<128x128xf32>
    %dot_general3A_279 = arith.constant dense<0.000000e+00> : vector<800x128xf32>
    %dot_general3A_280 = tpu.matmul %get3A_273, %get3A_278, %dot_general3A_279 {dimension_numbers = #tpu.dot_dimension_numbers<[1], [0], [0], [1], [0, 0, 1, 1], [], []>, transpose_lhs_hint = false} : vector<800x128xf32>, vector<128x128xf32>, vector<800x128xf32> -> vector<800x128xf32>
    %add3A_281 = arith.addf %add3A_268, %dot_general3A_280 : vector<800x128xf32>
    %get3A_282 = arith.constant 0 : index
    %get3A_283 = arith.constant 22 : index
    %get3A_284 = arith.constant 0 : index
    %get3A_285 = vector.load %arg1[%get3A_282, %get3A_283, %get3A_284] : memref<800x27x128xf32, #tpu.memory_space<vmem>>, vector<800x1x128xf32>
    %get3A_286 = vector.shape_cast %get3A_285 : vector<800x1x128xf32> to vector<800x128xf32>
    %get3A_287 = arith.constant 22 : index
    %get3A_288 = arith.constant 0 : index
    %get3A_289 = arith.constant 0 : index
    %get3A_290 = vector.load %arg2[%get3A_287, %get3A_288, %get3A_289] : memref<27x128x128xf32, #tpu.memory_space<vmem>>, vector<1x128x128xf32>
    %get3A_291 = vector.shape_cast %get3A_290 : vector<1x128x128xf32> to vector<128x128xf32>
    %dot_general3A_292 = arith.constant dense<0.000000e+00> : vector<800x128xf32>
    %dot_general3A_293 = tpu.matmul %get3A_286, %get3A_291, %dot_general3A_292 {dimension_numbers = #tpu.dot_dimension_numbers<[1], [0], [0], [1], [0, 0, 1, 1], [], []>, transpose_lhs_hint = false} : vector<800x128xf32>, vector<128x128xf32>, vector<800x128xf32> -> vector<800x128xf32>
    %add3A_294 = arith.addf %add3A_281, %dot_general3A_293 : vector<800x128xf32>
    %get3A_295 = arith.constant 0 : index
    %get3A_296 = arith.constant 23 : index
    %get3A_297 = arith.constant 0 : index
    %get3A_298 = vector.load %arg1[%get3A_295, %get3A_296, %get3A_297] : memref<800x27x128xf32, #tpu.memory_space<vmem>>, vector<800x1x128xf32>
    %get3A_299 = vector.shape_cast %get3A_298 : vector<800x1x128xf32> to vector<800x128xf32>
    %get3A_300 = arith.constant 23 : index
    %get3A_301 = arith.constant 0 : index
    %get3A_302 = arith.constant 0 : index
    %get3A_303 = vector.load %arg2[%get3A_300, %get3A_301, %get3A_302] : memref<27x128x128xf32, #tpu.memory_space<vmem>>, vector<1x128x128xf32>
    %get3A_304 = vector.shape_cast %get3A_303 : vector<1x128x128xf32> to vector<128x128xf32>
    %dot_general3A_305 = arith.constant dense<0.000000e+00> : vector<800x128xf32>
    %dot_general3A_306 = tpu.matmul %get3A_299, %get3A_304, %dot_general3A_305 {dimension_numbers = #tpu.dot_dimension_numbers<[1], [0], [0], [1], [0, 0, 1, 1], [], []>, transpose_lhs_hint = false} : vector<800x128xf32>, vector<128x128xf32>, vector<800x128xf32> -> vector<800x128xf32>
    %add3A_307 = arith.addf %add3A_294, %dot_general3A_306 : vector<800x128xf32>
    %get3A_308 = arith.constant 0 : index
    %get3A_309 = arith.constant 24 : index
    %get3A_310 = arith.constant 0 : index
    %get3A_311 = vector.load %arg1[%get3A_308, %get3A_309, %get3A_310] : memref<800x27x128xf32, #tpu.memory_space<vmem>>, vector<800x1x128xf32>
    %get3A_312 = vector.shape_cast %get3A_311 : vector<800x1x128xf32> to vector<800x128xf32>
    %get3A_313 = arith.constant 24 : index
    %get3A_314 = arith.constant 0 : index
    %get3A_315 = arith.constant 0 : index
    %get3A_316 = vector.load %arg2[%get3A_313, %get3A_314, %get3A_315] : memref<27x128x128xf32, #tpu.memory_space<vmem>>, vector<1x128x128xf32>
    %get3A_317 = vector.shape_cast %get3A_316 : vector<1x128x128xf32> to vector<128x128xf32>
    %dot_general3A_318 = arith.constant dense<0.000000e+00> : vector<800x128xf32>
    %dot_general3A_319 = tpu.matmul %get3A_312, %get3A_317, %dot_general3A_318 {dimension_numbers = #tpu.dot_dimension_numbers<[1], [0], [0], [1], [0, 0, 1, 1], [], []>, transpose_lhs_hint = false} : vector<800x128xf32>, vector<128x128xf32>, vector<800x128xf32> -> vector<800x128xf32>
    %add3A_320 = arith.addf %add3A_307, %dot_general3A_319 : vector<800x128xf32>
    %get3A_321 = arith.constant 0 : index
    %get3A_322 = arith.constant 25 : index
    %get3A_323 = arith.constant 0 : index
    %get3A_324 = vector.load %arg1[%get3A_321, %get3A_322, %get3A_323] : memref<800x27x128xf32, #tpu.memory_space<vmem>>, vector<800x1x128xf32>
    %get3A_325 = vector.shape_cast %get3A_324 : vector<800x1x128xf32> to vector<800x128xf32>
    %get3A_326 = arith.constant 25 : index
    %get3A_327 = arith.constant 0 : index
    %get3A_328 = arith.constant 0 : index
    %get3A_329 = vector.load %arg2[%get3A_326, %get3A_327, %get3A_328] : memref<27x128x128xf32, #tpu.memory_space<vmem>>, vector<1x128x128xf32>
    %get3A_330 = vector.shape_cast %get3A_329 : vector<1x128x128xf32> to vector<128x128xf32>
    %dot_general3A_331 = arith.constant dense<0.000000e+00> : vector<800x128xf32>
    %dot_general3A_332 = tpu.matmul %get3A_325, %get3A_330, %dot_general3A_331 {dimension_numbers = #tpu.dot_dimension_numbers<[1], [0], [0], [1], [0, 0, 1, 1], [], []>, transpose_lhs_hint = false} : vector<800x128xf32>, vector<128x128xf32>, vector<800x128xf32> -> vector<800x128xf32>
    %add3A_333 = arith.addf %add3A_320, %dot_general3A_332 : vector<800x128xf32>
    %get3A_334 = arith.constant 0 : index
    %get3A_335 = arith.constant 26 : index
    %get3A_336 = arith.constant 0 : index
    %get3A_337 = vector.load %arg1[%get3A_334, %get3A_335, %get3A_336] : memref<800x27x128xf32, #tpu.memory_space<vmem>>, vector<800x1x128xf32>
    %get3A_338 = vector.shape_cast %get3A_337 : vector<800x1x128xf32> to vector<800x128xf32>
    %get3A_339 = arith.constant 26 : index
    %get3A_340 = arith.constant 0 : index
    %get3A_341 = arith.constant 0 : index
    %get3A_342 = vector.load %arg2[%get3A_339, %get3A_340, %get3A_341] : memref<27x128x128xf32, #tpu.memory_space<vmem>>, vector<1x128x128xf32>
    %get3A_343 = vector.shape_cast %get3A_342 : vector<1x128x128xf32> to vector<128x128xf32>
    %dot_general3A_344 = arith.constant dense<0.000000e+00> : vector<800x128xf32>
    %dot_general3A_345 = tpu.matmul %get3A_338, %get3A_343, %dot_general3A_344 {dimension_numbers = #tpu.dot_dimension_numbers<[1], [0], [0], [1], [0, 0, 1, 1], [], []>, transpose_lhs_hint = false} : vector<800x128xf32>, vector<128x128xf32>, vector<800x128xf32> -> vector<800x128xf32>
    %add3A_346 = arith.addf %add3A_333, %dot_general3A_345 : vector<800x128xf32>
    %swap3A = arith.constant 0 : index
    %swap3A_347 = arith.constant 0 : index
    %swap3A_348 = vector.load %arg3[%swap3A, %swap3A_347] : memref<800x128xf32, #tpu.memory_space<vmem>>, vector<800x128xf32>
    tpu.vector_store %arg3[%swap3A, %swap3A_347], %add3A_346 {strides = array<i32>} : memref<800x128xf32, #tpu.memory_space<vmem>>, vector<800x128xf32>,
    return
  }
  func.func @transform_0(%arg0: i32) -> (i32, i32, i32) {
    %c0_i32 = arith.constant 0 : i32
    %c0_i32_0 = arith.constant 0 : i32
    %c0_i32_1 = arith.constant 0 : i32
    return %arg0, %c0_i32, %c0_i32_0 : i32, i32, i32
  }
  func.func @transform_1(%arg0: i32) -> (i32, i32, i32) {
    %c0_i32 = arith.constant 0 : i32
    %c0_i32_0 = arith.constant 0 : i32
    %c0_i32_1 = arith.constant 0 : i32
    %c0_i32_2 = arith.constant 0 : i32
    return %c0_i32, %c0_i32_0, %c0_i32_1 : i32, i32, i32
  }
  func.func @transform_2(%arg0: i32) -> (i32, i32) {
    %c0_i32 = arith.constant 0 : i32
    %c0_i32_0 = arith.constant 0 : i32
    return %arg0, %c0_i32 : i32, i32
  }
}

module attributes {stable_mosaic.version = 14 : i64} {
  func.func @_stats_body(%arg0: i32, %arg1: memref<800x128xf32, #tpu.memory_space<vmem>>, %arg2: memref<2x128xf32, #tpu.memory_space<vmem>>) attributes {dimension_semantics = [#tpu.dimension_semantics<arbitrary>], iteration_bounds = array<i64: 25>, scalar_prefetch = 0 : i64, scratch_operands = 0 : i64, tpu.core_type = #tpu.core_type<tc>, window_params = [{transform_indices = @transform_0, window_bounds = array<i64: 800, 128>}, {pipeline_mode = #tpu.pipeline_mode<synchronous>, transform_indices = @transform_1, window_bounds = array<i64: 2, 128>}]} {
    %eq3A = arith.constant 0 : i32
    %eq3A_0 = arith.cmpi eq, %arg0, %eq3A : i32
    %convert_element_type3A = arith.extui %eq3A_0 : i1 to i32
    %cond3A = arith.constant 0 : i32
    %cond3A_1 = arith.cmpi ne, %convert_element_type3A, %cond3A : i32
    scf.if %cond3A_1 {
      %broadcast_in_dim3A_13 = arith.constant 0.000000e+00 : f32
      %broadcast_in_dim3A_14 = vector.broadcast %broadcast_in_dim3A_13 : f32 to vector<2x128xf32>
      %swap3A_15 = arith.constant 0 : index
      %swap3A_16 = arith.constant 0 : index
      %swap3A_17 = vector.load %arg2[%swap3A_15, %swap3A_16] : memref<2x128xf32, #tpu.memory_space<vmem>>, vector<2x128xf32>
      tpu.vector_store %arg2[%swap3A_15, %swap3A_16], %broadcast_in_dim3A_14 {strides = array<i32>} : memref<2x128xf32, #tpu.memory_space<vmem>>, vector<2x128xf32>,
    } else {
    }
    %get3A = arith.constant 0 : index
    %get3A_2 = arith.constant 0 : index
    %get3A_3 = vector.load %arg1[%get3A, %get3A_2] : memref<800x128xf32, #tpu.memory_space<vmem>>, vector<800x128xf32>
    %get3A_4 = arith.constant 0 : index
    %get3A_5 = arith.constant 0 : index
    %get3A_6 = vector.load %arg2[%get3A_4, %get3A_5] : memref<2x128xf32, #tpu.memory_space<vmem>>, vector<2x128xf32>
    %reduce_sum3A = arith.constant dense<0.000000e+00> : vector<128xf32>
    %reduce_sum3A_7 = vector.multi_reduction <add>, %get3A_3, %reduce_sum3A [0] : vector<800x128xf32> to vector<128xf32>
    %broadcast_in_dim3A = vector.shape_cast %reduce_sum3A_7 : vector<128xf32> to vector<1x128xf32>
    %mul3A = arith.mulf %get3A_3, %get3A_3 : vector<800x128xf32>
    %reduce_sum3A_8 = arith.constant dense<0.000000e+00> : vector<128xf32>
    %reduce_sum3A_9 = vector.multi_reduction <add>, %mul3A, %reduce_sum3A_8 [0] : vector<800x128xf32> to vector<128xf32>
    %broadcast_in_dim3A_10 = vector.shape_cast %reduce_sum3A_9 : vector<128xf32> to vector<1x128xf32>
    %concatenate3A = tpu.concatenate %broadcast_in_dim3A, %broadcast_in_dim3A_10 in 0 : vector<1x128xf32>, vector<1x128xf32> -> vector<2x128xf32>
    %add3A = arith.addf %get3A_6, %concatenate3A : vector<2x128xf32>
    %swap3A = arith.constant 0 : index
    %swap3A_11 = arith.constant 0 : index
    %swap3A_12 = vector.load %arg2[%swap3A, %swap3A_11] : memref<2x128xf32, #tpu.memory_space<vmem>>, vector<2x128xf32>
    tpu.vector_store %arg2[%swap3A, %swap3A_11], %add3A {strides = array<i32>} : memref<2x128xf32, #tpu.memory_space<vmem>>, vector<2x128xf32>,
    return
  }
  func.func @transform_0(%arg0: i32) -> (i32, i32) {
    %c0_i32 = arith.constant 0 : i32
    %c0_i32_0 = arith.constant 0 : i32
    return %arg0, %c0_i32 : i32, i32
  }
  func.func @transform_1(%arg0: i32) -> (i32, i32) {
    %c0_i32 = arith.constant 0 : i32
    %c0_i32_0 = arith.constant 0 : i32
    %c0_i32_1 = arith.constant 0 : i32
    return %c0_i32, %c0_i32_0 : i32, i32
  }
}

module attributes {stable_mosaic.version = 14 : i64} {
  func.func @_conv_bn_body(%arg0: i32, %arg1: memref<800x27x128xf32, #tpu.memory_space<vmem>>, %arg2: memref<27x128x128xf32, #tpu.memory_space<vmem>>, %arg3: memref<2x128xf32, #tpu.memory_space<vmem>>, %arg4: memref<1x128xf32, #tpu.memory_space<vmem>>, %arg5: memref<1x128xf32, #tpu.memory_space<vmem>>, %arg6: memref<800x128xf32, #tpu.memory_space<vmem>>) attributes {dimension_semantics = [#tpu.dimension_semantics<arbitrary>], iteration_bounds = array<i64: 25>, scalar_prefetch = 0 : i64, scratch_operands = 0 : i64, tpu.core_type = #tpu.core_type<tc>, window_params = [{transform_indices = @transform_0, window_bounds = array<i64: 800, 27, 128>}, {pipeline_mode = #tpu.pipeline_mode<synchronous>, transform_indices = @transform_1, window_bounds = array<i64: 27, 128, 128>}, {pipeline_mode = #tpu.pipeline_mode<synchronous>, transform_indices = @transform_2, window_bounds = array<i64: 2, 128>}, {pipeline_mode = #tpu.pipeline_mode<synchronous>, transform_indices = @transform_3, window_bounds = array<i64: 1, 128>}, {pipeline_mode = #tpu.pipeline_mode<synchronous>, transform_indices = @transform_4, window_bounds = array<i64: 1, 128>}, {transform_indices = @transform_5, window_bounds = array<i64: 800, 128>}]} {
    %get3A = arith.constant 0 : index
    %get3A_0 = arith.constant 0 : index
    %get3A_1 = vector.load %arg3[%get3A, %get3A_0] : memref<2x128xf32, #tpu.memory_space<vmem>>, vector<2x128xf32>
    %slice3A = vector.extract_strided_slice %get3A_1 {offsets = [0, 0], sizes = [1, 128], strides = [1, 1]} : vector<2x128xf32> to vector<1x128xf32>
    %div3A = arith.constant 2.000000e+04 : f32
    %div3A_2 = vector.broadcast %div3A : f32 to vector<1x128xf32>
    %div3A_3 = arith.divf %slice3A, %div3A_2 : vector<1x128xf32>
    %slice3A_4 = vector.extract_strided_slice %get3A_1 {offsets = [1, 0], sizes = [1, 128], strides = [1, 1]} : vector<2x128xf32> to vector<1x128xf32>
    %div3A_5 = arith.constant 2.000000e+04 : f32
    %div3A_6 = vector.broadcast %div3A_5 : f32 to vector<1x128xf32>
    %div3A_7 = arith.divf %slice3A_4, %div3A_6 : vector<1x128xf32>
    %mul3A = arith.mulf %div3A_3, %div3A_3 : vector<1x128xf32>
    %sub3A = arith.subf %div3A_7, %mul3A : vector<1x128xf32>
    %get3A_8 = arith.constant 0 : index
    %get3A_9 = arith.constant 0 : index
    %get3A_10 = vector.load %arg4[%get3A_8, %get3A_9] : memref<1x128xf32, #tpu.memory_space<vmem>>, vector<1x128xf32>
    %add3A = arith.constant 9.99999974E-6 : f32
    %add3A_11 = vector.broadcast %add3A : f32 to vector<1x128xf32>
    %add3A_12 = arith.addf %sub3A, %add3A_11 : vector<1x128xf32>
    %rsqrt3A = math.rsqrt %add3A_12 : vector<1x128xf32>
    %mul3A_13 = arith.mulf %get3A_10, %rsqrt3A : vector<1x128xf32>
    %get3A_14 = arith.constant 0 : index
    %get3A_15 = arith.constant 0 : index
    %get3A_16 = vector.load %arg5[%get3A_14, %get3A_15] : memref<1x128xf32, #tpu.memory_space<vmem>>, vector<1x128xf32>
    %mul3A_17 = arith.mulf %div3A_3, %mul3A_13 : vector<1x128xf32>
    %sub3A_18 = arith.subf %get3A_16, %mul3A_17 : vector<1x128xf32>
    %get3A_19 = arith.constant 0 : index
    %get3A_20 = arith.constant 0 : index
    %get3A_21 = arith.constant 0 : index
    %get3A_22 = vector.load %arg1[%get3A_19, %get3A_20, %get3A_21] : memref<800x27x128xf32, #tpu.memory_space<vmem>>, vector<800x1x128xf32>
    %get3A_23 = vector.shape_cast %get3A_22 : vector<800x1x128xf32> to vector<800x128xf32>
    %mul3A_24 = vector.broadcast %mul3A_13 : vector<1x128xf32> to vector<800x128xf32>
    %mul3A_25 = arith.mulf %get3A_23, %mul3A_24 : vector<800x128xf32>
    %add3A_26 = vector.broadcast %sub3A_18 : vector<1x128xf32> to vector<800x128xf32>
    %add3A_27 = arith.addf %mul3A_25, %add3A_26 : vector<800x128xf32>
    %get3A_28 = arith.constant 0 : index
    %get3A_29 = arith.constant 0 : index
    %get3A_30 = arith.constant 0 : index
    %get3A_31 = vector.load %arg2[%get3A_28, %get3A_29, %get3A_30] : memref<27x128x128xf32, #tpu.memory_space<vmem>>, vector<1x128x128xf32>
    %get3A_32 = vector.shape_cast %get3A_31 : vector<1x128x128xf32> to vector<128x128xf32>
    %dot_general3A = arith.constant dense<0.000000e+00> : vector<800x128xf32>
    %dot_general3A_33 = tpu.matmul %add3A_27, %get3A_32, %dot_general3A {dimension_numbers = #tpu.dot_dimension_numbers<[1], [0], [0], [1], [0, 0, 1, 1], [], []>, transpose_lhs_hint = false} : vector<800x128xf32>, vector<128x128xf32>, vector<800x128xf32> -> vector<800x128xf32>
    %get3A_34 = arith.constant 0 : index
    %get3A_35 = arith.constant 1 : index
    %get3A_36 = arith.constant 0 : index
    %get3A_37 = vector.load %arg1[%get3A_34, %get3A_35, %get3A_36] : memref<800x27x128xf32, #tpu.memory_space<vmem>>, vector<800x1x128xf32>
    %get3A_38 = vector.shape_cast %get3A_37 : vector<800x1x128xf32> to vector<800x128xf32>
    %mul3A_39 = vector.broadcast %mul3A_13 : vector<1x128xf32> to vector<800x128xf32>
    %mul3A_40 = arith.mulf %get3A_38, %mul3A_39 : vector<800x128xf32>
    %add3A_41 = vector.broadcast %sub3A_18 : vector<1x128xf32> to vector<800x128xf32>
    %add3A_42 = arith.addf %mul3A_40, %add3A_41 : vector<800x128xf32>
    %get3A_43 = arith.constant 1 : index
    %get3A_44 = arith.constant 0 : index
    %get3A_45 = arith.constant 0 : index
    %get3A_46 = vector.load %arg2[%get3A_43, %get3A_44, %get3A_45] : memref<27x128x128xf32, #tpu.memory_space<vmem>>, vector<1x128x128xf32>
    %get3A_47 = vector.shape_cast %get3A_46 : vector<1x128x128xf32> to vector<128x128xf32>
    %dot_general3A_48 = arith.constant dense<0.000000e+00> : vector<800x128xf32>
    %dot_general3A_49 = tpu.matmul %add3A_42, %get3A_47, %dot_general3A_48 {dimension_numbers = #tpu.dot_dimension_numbers<[1], [0], [0], [1], [0, 0, 1, 1], [], []>, transpose_lhs_hint = false} : vector<800x128xf32>, vector<128x128xf32>, vector<800x128xf32> -> vector<800x128xf32>
    %add3A_50 = arith.addf %dot_general3A_33, %dot_general3A_49 : vector<800x128xf32>
    %get3A_51 = arith.constant 0 : index
    %get3A_52 = arith.constant 2 : index
    %get3A_53 = arith.constant 0 : index
    %get3A_54 = vector.load %arg1[%get3A_51, %get3A_52, %get3A_53] : memref<800x27x128xf32, #tpu.memory_space<vmem>>, vector<800x1x128xf32>
    %get3A_55 = vector.shape_cast %get3A_54 : vector<800x1x128xf32> to vector<800x128xf32>
    %mul3A_56 = vector.broadcast %mul3A_13 : vector<1x128xf32> to vector<800x128xf32>
    %mul3A_57 = arith.mulf %get3A_55, %mul3A_56 : vector<800x128xf32>
    %add3A_58 = vector.broadcast %sub3A_18 : vector<1x128xf32> to vector<800x128xf32>
    %add3A_59 = arith.addf %mul3A_57, %add3A_58 : vector<800x128xf32>
    %get3A_60 = arith.constant 2 : index
    %get3A_61 = arith.constant 0 : index
    %get3A_62 = arith.constant 0 : index
    %get3A_63 = vector.load %arg2[%get3A_60, %get3A_61, %get3A_62] : memref<27x128x128xf32, #tpu.memory_space<vmem>>, vector<1x128x128xf32>
    %get3A_64 = vector.shape_cast %get3A_63 : vector<1x128x128xf32> to vector<128x128xf32>
    %dot_general3A_65 = arith.constant dense<0.000000e+00> : vector<800x128xf32>
    %dot_general3A_66 = tpu.matmul %add3A_59, %get3A_64, %dot_general3A_65 {dimension_numbers = #tpu.dot_dimension_numbers<[1], [0], [0], [1], [0, 0, 1, 1], [], []>, transpose_lhs_hint = false} : vector<800x128xf32>, vector<128x128xf32>, vector<800x128xf32> -> vector<800x128xf32>
    %add3A_67 = arith.addf %add3A_50, %dot_general3A_66 : vector<800x128xf32>
    %get3A_68 = arith.constant 0 : index
    %get3A_69 = arith.constant 3 : index
    %get3A_70 = arith.constant 0 : index
    %get3A_71 = vector.load %arg1[%get3A_68, %get3A_69, %get3A_70] : memref<800x27x128xf32, #tpu.memory_space<vmem>>, vector<800x1x128xf32>
    %get3A_72 = vector.shape_cast %get3A_71 : vector<800x1x128xf32> to vector<800x128xf32>
    %mul3A_73 = vector.broadcast %mul3A_13 : vector<1x128xf32> to vector<800x128xf32>
    %mul3A_74 = arith.mulf %get3A_72, %mul3A_73 : vector<800x128xf32>
    %add3A_75 = vector.broadcast %sub3A_18 : vector<1x128xf32> to vector<800x128xf32>
    %add3A_76 = arith.addf %mul3A_74, %add3A_75 : vector<800x128xf32>
    %get3A_77 = arith.constant 3 : index
    %get3A_78 = arith.constant 0 : index
    %get3A_79 = arith.constant 0 : index
    %get3A_80 = vector.load %arg2[%get3A_77, %get3A_78, %get3A_79] : memref<27x128x128xf32, #tpu.memory_space<vmem>>, vector<1x128x128xf32>
    %get3A_81 = vector.shape_cast %get3A_80 : vector<1x128x128xf32> to vector<128x128xf32>
    %dot_general3A_82 = arith.constant dense<0.000000e+00> : vector<800x128xf32>
    %dot_general3A_83 = tpu.matmul %add3A_76, %get3A_81, %dot_general3A_82 {dimension_numbers = #tpu.dot_dimension_numbers<[1], [0], [0], [1], [0, 0, 1, 1], [], []>, transpose_lhs_hint = false} : vector<800x128xf32>, vector<128x128xf32>, vector<800x128xf32> -> vector<800x128xf32>
    %add3A_84 = arith.addf %add3A_67, %dot_general3A_83 : vector<800x128xf32>
    %get3A_85 = arith.constant 0 : index
    %get3A_86 = arith.constant 4 : index
    %get3A_87 = arith.constant 0 : index
    %get3A_88 = vector.load %arg1[%get3A_85, %get3A_86, %get3A_87] : memref<800x27x128xf32, #tpu.memory_space<vmem>>, vector<800x1x128xf32>
    %get3A_89 = vector.shape_cast %get3A_88 : vector<800x1x128xf32> to vector<800x128xf32>
    %mul3A_90 = vector.broadcast %mul3A_13 : vector<1x128xf32> to vector<800x128xf32>
    %mul3A_91 = arith.mulf %get3A_89, %mul3A_90 : vector<800x128xf32>
    %add3A_92 = vector.broadcast %sub3A_18 : vector<1x128xf32> to vector<800x128xf32>
    %add3A_93 = arith.addf %mul3A_91, %add3A_92 : vector<800x128xf32>
    %get3A_94 = arith.constant 4 : index
    %get3A_95 = arith.constant 0 : index
    %get3A_96 = arith.constant 0 : index
    %get3A_97 = vector.load %arg2[%get3A_94, %get3A_95, %get3A_96] : memref<27x128x128xf32, #tpu.memory_space<vmem>>, vector<1x128x128xf32>
    %get3A_98 = vector.shape_cast %get3A_97 : vector<1x128x128xf32> to vector<128x128xf32>
    %dot_general3A_99 = arith.constant dense<0.000000e+00> : vector<800x128xf32>
    %dot_general3A_100 = tpu.matmul %add3A_93, %get3A_98, %dot_general3A_99 {dimension_numbers = #tpu.dot_dimension_numbers<[1], [0], [0], [1], [0, 0, 1, 1], [], []>, transpose_lhs_hint = false} : vector<800x128xf32>, vector<128x128xf32>, vector<800x128xf32> -> vector<800x128xf32>
    %add3A_101 = arith.addf %add3A_84, %dot_general3A_100 : vector<800x128xf32>
    %get3A_102 = arith.constant 0 : index
    %get3A_103 = arith.constant 5 : index
    %get3A_104 = arith.constant 0 : index
    %get3A_105 = vector.load %arg1[%get3A_102, %get3A_103, %get3A_104] : memref<800x27x128xf32, #tpu.memory_space<vmem>>, vector<800x1x128xf32>
    %get3A_106 = vector.shape_cast %get3A_105 : vector<800x1x128xf32> to vector<800x128xf32>
    %mul3A_107 = vector.broadcast %mul3A_13 : vector<1x128xf32> to vector<800x128xf32>
    %mul3A_108 = arith.mulf %get3A_106, %mul3A_107 : vector<800x128xf32>
    %add3A_109 = vector.broadcast %sub3A_18 : vector<1x128xf32> to vector<800x128xf32>
    %add3A_110 = arith.addf %mul3A_108, %add3A_109 : vector<800x128xf32>
    %get3A_111 = arith.constant 5 : index
    %get3A_112 = arith.constant 0 : index
    %get3A_113 = arith.constant 0 : index
    %get3A_114 = vector.load %arg2[%get3A_111, %get3A_112, %get3A_113] : memref<27x128x128xf32, #tpu.memory_space<vmem>>, vector<1x128x128xf32>
    %get3A_115 = vector.shape_cast %get3A_114 : vector<1x128x128xf32> to vector<128x128xf32>
    %dot_general3A_116 = arith.constant dense<0.000000e+00> : vector<800x128xf32>
    %dot_general3A_117 = tpu.matmul %add3A_110, %get3A_115, %dot_general3A_116 {dimension_numbers = #tpu.dot_dimension_numbers<[1], [0], [0], [1], [0, 0, 1, 1], [], []>, transpose_lhs_hint = false} : vector<800x128xf32>, vector<128x128xf32>, vector<800x128xf32> -> vector<800x128xf32>
    %add3A_118 = arith.addf %add3A_101, %dot_general3A_117 : vector<800x128xf32>
    %get3A_119 = arith.constant 0 : index
    %get3A_120 = arith.constant 6 : index
    %get3A_121 = arith.constant 0 : index
    %get3A_122 = vector.load %arg1[%get3A_119, %get3A_120, %get3A_121] : memref<800x27x128xf32, #tpu.memory_space<vmem>>, vector<800x1x128xf32>
    %get3A_123 = vector.shape_cast %get3A_122 : vector<800x1x128xf32> to vector<800x128xf32>
    %mul3A_124 = vector.broadcast %mul3A_13 : vector<1x128xf32> to vector<800x128xf32>
    %mul3A_125 = arith.mulf %get3A_123, %mul3A_124 : vector<800x128xf32>
    %add3A_126 = vector.broadcast %sub3A_18 : vector<1x128xf32> to vector<800x128xf32>
    %add3A_127 = arith.addf %mul3A_125, %add3A_126 : vector<800x128xf32>
    %get3A_128 = arith.constant 6 : index
    %get3A_129 = arith.constant 0 : index
    %get3A_130 = arith.constant 0 : index
    %get3A_131 = vector.load %arg2[%get3A_128, %get3A_129, %get3A_130] : memref<27x128x128xf32, #tpu.memory_space<vmem>>, vector<1x128x128xf32>
    %get3A_132 = vector.shape_cast %get3A_131 : vector<1x128x128xf32> to vector<128x128xf32>
    %dot_general3A_133 = arith.constant dense<0.000000e+00> : vector<800x128xf32>
    %dot_general3A_134 = tpu.matmul %add3A_127, %get3A_132, %dot_general3A_133 {dimension_numbers = #tpu.dot_dimension_numbers<[1], [0], [0], [1], [0, 0, 1, 1], [], []>, transpose_lhs_hint = false} : vector<800x128xf32>, vector<128x128xf32>, vector<800x128xf32> -> vector<800x128xf32>
    %add3A_135 = arith.addf %add3A_118, %dot_general3A_134 : vector<800x128xf32>
    %get3A_136 = arith.constant 0 : index
    %get3A_137 = arith.constant 7 : index
    %get3A_138 = arith.constant 0 : index
    %get3A_139 = vector.load %arg1[%get3A_136, %get3A_137, %get3A_138] : memref<800x27x128xf32, #tpu.memory_space<vmem>>, vector<800x1x128xf32>
    %get3A_140 = vector.shape_cast %get3A_139 : vector<800x1x128xf32> to vector<800x128xf32>
    %mul3A_141 = vector.broadcast %mul3A_13 : vector<1x128xf32> to vector<800x128xf32>
    %mul3A_142 = arith.mulf %get3A_140, %mul3A_141 : vector<800x128xf32>
    %add3A_143 = vector.broadcast %sub3A_18 : vector<1x128xf32> to vector<800x128xf32>
    %add3A_144 = arith.addf %mul3A_142, %add3A_143 : vector<800x128xf32>
    %get3A_145 = arith.constant 7 : index
    %get3A_146 = arith.constant 0 : index
    %get3A_147 = arith.constant 0 : index
    %get3A_148 = vector.load %arg2[%get3A_145, %get3A_146, %get3A_147] : memref<27x128x128xf32, #tpu.memory_space<vmem>>, vector<1x128x128xf32>
    %get3A_149 = vector.shape_cast %get3A_148 : vector<1x128x128xf32> to vector<128x128xf32>
    %dot_general3A_150 = arith.constant dense<0.000000e+00> : vector<800x128xf32>
    %dot_general3A_151 = tpu.matmul %add3A_144, %get3A_149, %dot_general3A_150 {dimension_numbers = #tpu.dot_dimension_numbers<[1], [0], [0], [1], [0, 0, 1, 1], [], []>, transpose_lhs_hint = false} : vector<800x128xf32>, vector<128x128xf32>, vector<800x128xf32> -> vector<800x128xf32>
    %add3A_152 = arith.addf %add3A_135, %dot_general3A_151 : vector<800x128xf32>
    %get3A_153 = arith.constant 0 : index
    %get3A_154 = arith.constant 8 : index
    %get3A_155 = arith.constant 0 : index
    %get3A_156 = vector.load %arg1[%get3A_153, %get3A_154, %get3A_155] : memref<800x27x128xf32, #tpu.memory_space<vmem>>, vector<800x1x128xf32>
    %get3A_157 = vector.shape_cast %get3A_156 : vector<800x1x128xf32> to vector<800x128xf32>
    %mul3A_158 = vector.broadcast %mul3A_13 : vector<1x128xf32> to vector<800x128xf32>
    %mul3A_159 = arith.mulf %get3A_157, %mul3A_158 : vector<800x128xf32>
    %add3A_160 = vector.broadcast %sub3A_18 : vector<1x128xf32> to vector<800x128xf32>
    %add3A_161 = arith.addf %mul3A_159, %add3A_160 : vector<800x128xf32>
    %get3A_162 = arith.constant 8 : index
    %get3A_163 = arith.constant 0 : index
    %get3A_164 = arith.constant 0 : index
    %get3A_165 = vector.load %arg2[%get3A_162, %get3A_163, %get3A_164] : memref<27x128x128xf32, #tpu.memory_space<vmem>>, vector<1x128x128xf32>
    %get3A_166 = vector.shape_cast %get3A_165 : vector<1x128x128xf32> to vector<128x128xf32>
    %dot_general3A_167 = arith.constant dense<0.000000e+00> : vector<800x128xf32>
    %dot_general3A_168 = tpu.matmul %add3A_161, %get3A_166, %dot_general3A_167 {dimension_numbers = #tpu.dot_dimension_numbers<[1], [0], [0], [1], [0, 0, 1, 1], [], []>, transpose_lhs_hint = false} : vector<800x128xf32>, vector<128x128xf32>, vector<800x128xf32> -> vector<800x128xf32>
    %add3A_169 = arith.addf %add3A_152, %dot_general3A_168 : vector<800x128xf32>
    %get3A_170 = arith.constant 0 : index
    %get3A_171 = arith.constant 9 : index
    %get3A_172 = arith.constant 0 : index
    %get3A_173 = vector.load %arg1[%get3A_170, %get3A_171, %get3A_172] : memref<800x27x128xf32, #tpu.memory_space<vmem>>, vector<800x1x128xf32>
    %get3A_174 = vector.shape_cast %get3A_173 : vector<800x1x128xf32> to vector<800x128xf32>
    %mul3A_175 = vector.broadcast %mul3A_13 : vector<1x128xf32> to vector<800x128xf32>
    %mul3A_176 = arith.mulf %get3A_174, %mul3A_175 : vector<800x128xf32>
    %add3A_177 = vector.broadcast %sub3A_18 : vector<1x128xf32> to vector<800x128xf32>
    %add3A_178 = arith.addf %mul3A_176, %add3A_177 : vector<800x128xf32>
    %get3A_179 = arith.constant 9 : index
    %get3A_180 = arith.constant 0 : index
    %get3A_181 = arith.constant 0 : index
    %get3A_182 = vector.load %arg2[%get3A_179, %get3A_180, %get3A_181] : memref<27x128x128xf32, #tpu.memory_space<vmem>>, vector<1x128x128xf32>
    %get3A_183 = vector.shape_cast %get3A_182 : vector<1x128x128xf32> to vector<128x128xf32>
    %dot_general3A_184 = arith.constant dense<0.000000e+00> : vector<800x128xf32>
    %dot_general3A_185 = tpu.matmul %add3A_178, %get3A_183, %dot_general3A_184 {dimension_numbers = #tpu.dot_dimension_numbers<[1], [0], [0], [1], [0, 0, 1, 1], [], []>, transpose_lhs_hint = false} : vector<800x128xf32>, vector<128x128xf32>, vector<800x128xf32> -> vector<800x128xf32>
    %add3A_186 = arith.addf %add3A_169, %dot_general3A_185 : vector<800x128xf32>
    %get3A_187 = arith.constant 0 : index
    %get3A_188 = arith.constant 10 : index
    %get3A_189 = arith.constant 0 : index
    %get3A_190 = vector.load %arg1[%get3A_187, %get3A_188, %get3A_189] : memref<800x27x128xf32, #tpu.memory_space<vmem>>, vector<800x1x128xf32>
    %get3A_191 = vector.shape_cast %get3A_190 : vector<800x1x128xf32> to vector<800x128xf32>
    %mul3A_192 = vector.broadcast %mul3A_13 : vector<1x128xf32> to vector<800x128xf32>
    %mul3A_193 = arith.mulf %get3A_191, %mul3A_192 : vector<800x128xf32>
    %add3A_194 = vector.broadcast %sub3A_18 : vector<1x128xf32> to vector<800x128xf32>
    %add3A_195 = arith.addf %mul3A_193, %add3A_194 : vector<800x128xf32>
    %get3A_196 = arith.constant 10 : index
    %get3A_197 = arith.constant 0 : index
    %get3A_198 = arith.constant 0 : index
    %get3A_199 = vector.load %arg2[%get3A_196, %get3A_197, %get3A_198] : memref<27x128x128xf32, #tpu.memory_space<vmem>>, vector<1x128x128xf32>
    %get3A_200 = vector.shape_cast %get3A_199 : vector<1x128x128xf32> to vector<128x128xf32>
    %dot_general3A_201 = arith.constant dense<0.000000e+00> : vector<800x128xf32>
    %dot_general3A_202 = tpu.matmul %add3A_195, %get3A_200, %dot_general3A_201 {dimension_numbers = #tpu.dot_dimension_numbers<[1], [0], [0], [1], [0, 0, 1, 1], [], []>, transpose_lhs_hint = false} : vector<800x128xf32>, vector<128x128xf32>, vector<800x128xf32> -> vector<800x128xf32>
    %add3A_203 = arith.addf %add3A_186, %dot_general3A_202 : vector<800x128xf32>
    %get3A_204 = arith.constant 0 : index
    %get3A_205 = arith.constant 11 : index
    %get3A_206 = arith.constant 0 : index
    %get3A_207 = vector.load %arg1[%get3A_204, %get3A_205, %get3A_206] : memref<800x27x128xf32, #tpu.memory_space<vmem>>, vector<800x1x128xf32>
    %get3A_208 = vector.shape_cast %get3A_207 : vector<800x1x128xf32> to vector<800x128xf32>
    %mul3A_209 = vector.broadcast %mul3A_13 : vector<1x128xf32> to vector<800x128xf32>
    %mul3A_210 = arith.mulf %get3A_208, %mul3A_209 : vector<800x128xf32>
    %add3A_211 = vector.broadcast %sub3A_18 : vector<1x128xf32> to vector<800x128xf32>
    %add3A_212 = arith.addf %mul3A_210, %add3A_211 : vector<800x128xf32>
    %get3A_213 = arith.constant 11 : index
    %get3A_214 = arith.constant 0 : index
    %get3A_215 = arith.constant 0 : index
    %get3A_216 = vector.load %arg2[%get3A_213, %get3A_214, %get3A_215] : memref<27x128x128xf32, #tpu.memory_space<vmem>>, vector<1x128x128xf32>
    %get3A_217 = vector.shape_cast %get3A_216 : vector<1x128x128xf32> to vector<128x128xf32>
    %dot_general3A_218 = arith.constant dense<0.000000e+00> : vector<800x128xf32>
    %dot_general3A_219 = tpu.matmul %add3A_212, %get3A_217, %dot_general3A_218 {dimension_numbers = #tpu.dot_dimension_numbers<[1], [0], [0], [1], [0, 0, 1, 1], [], []>, transpose_lhs_hint = false} : vector<800x128xf32>, vector<128x128xf32>, vector<800x128xf32> -> vector<800x128xf32>
    %add3A_220 = arith.addf %add3A_203, %dot_general3A_219 : vector<800x128xf32>
    %get3A_221 = arith.constant 0 : index
    %get3A_222 = arith.constant 12 : index
    %get3A_223 = arith.constant 0 : index
    %get3A_224 = vector.load %arg1[%get3A_221, %get3A_222, %get3A_223] : memref<800x27x128xf32, #tpu.memory_space<vmem>>, vector<800x1x128xf32>
    %get3A_225 = vector.shape_cast %get3A_224 : vector<800x1x128xf32> to vector<800x128xf32>
    %mul3A_226 = vector.broadcast %mul3A_13 : vector<1x128xf32> to vector<800x128xf32>
    %mul3A_227 = arith.mulf %get3A_225, %mul3A_226 : vector<800x128xf32>
    %add3A_228 = vector.broadcast %sub3A_18 : vector<1x128xf32> to vector<800x128xf32>
    %add3A_229 = arith.addf %mul3A_227, %add3A_228 : vector<800x128xf32>
    %get3A_230 = arith.constant 12 : index
    %get3A_231 = arith.constant 0 : index
    %get3A_232 = arith.constant 0 : index
    %get3A_233 = vector.load %arg2[%get3A_230, %get3A_231, %get3A_232] : memref<27x128x128xf32, #tpu.memory_space<vmem>>, vector<1x128x128xf32>
    %get3A_234 = vector.shape_cast %get3A_233 : vector<1x128x128xf32> to vector<128x128xf32>
    %dot_general3A_235 = arith.constant dense<0.000000e+00> : vector<800x128xf32>
    %dot_general3A_236 = tpu.matmul %add3A_229, %get3A_234, %dot_general3A_235 {dimension_numbers = #tpu.dot_dimension_numbers<[1], [0], [0], [1], [0, 0, 1, 1], [], []>, transpose_lhs_hint = false} : vector<800x128xf32>, vector<128x128xf32>, vector<800x128xf32> -> vector<800x128xf32>
    %add3A_237 = arith.addf %add3A_220, %dot_general3A_236 : vector<800x128xf32>
    %get3A_238 = arith.constant 0 : index
    %get3A_239 = arith.constant 13 : index
    %get3A_240 = arith.constant 0 : index
    %get3A_241 = vector.load %arg1[%get3A_238, %get3A_239, %get3A_240] : memref<800x27x128xf32, #tpu.memory_space<vmem>>, vector<800x1x128xf32>
    %get3A_242 = vector.shape_cast %get3A_241 : vector<800x1x128xf32> to vector<800x128xf32>
    %mul3A_243 = vector.broadcast %mul3A_13 : vector<1x128xf32> to vector<800x128xf32>
    %mul3A_244 = arith.mulf %get3A_242, %mul3A_243 : vector<800x128xf32>
    %add3A_245 = vector.broadcast %sub3A_18 : vector<1x128xf32> to vector<800x128xf32>
    %add3A_246 = arith.addf %mul3A_244, %add3A_245 : vector<800x128xf32>
    %get3A_247 = arith.constant 13 : index
    %get3A_248 = arith.constant 0 : index
    %get3A_249 = arith.constant 0 : index
    %get3A_250 = vector.load %arg2[%get3A_247, %get3A_248, %get3A_249] : memref<27x128x128xf32, #tpu.memory_space<vmem>>, vector<1x128x128xf32>
    %get3A_251 = vector.shape_cast %get3A_250 : vector<1x128x128xf32> to vector<128x128xf32>
    %dot_general3A_252 = arith.constant dense<0.000000e+00> : vector<800x128xf32>
    %dot_general3A_253 = tpu.matmul %add3A_246, %get3A_251, %dot_general3A_252 {dimension_numbers = #tpu.dot_dimension_numbers<[1], [0], [0], [1], [0, 0, 1, 1], [], []>, transpose_lhs_hint = false} : vector<800x128xf32>, vector<128x128xf32>, vector<800x128xf32> -> vector<800x128xf32>
    %add3A_254 = arith.addf %add3A_237, %dot_general3A_253 : vector<800x128xf32>
    %get3A_255 = arith.constant 0 : index
    %get3A_256 = arith.constant 14 : index
    %get3A_257 = arith.constant 0 : index
    %get3A_258 = vector.load %arg1[%get3A_255, %get3A_256, %get3A_257] : memref<800x27x128xf32, #tpu.memory_space<vmem>>, vector<800x1x128xf32>
    %get3A_259 = vector.shape_cast %get3A_258 : vector<800x1x128xf32> to vector<800x128xf32>
    %mul3A_260 = vector.broadcast %mul3A_13 : vector<1x128xf32> to vector<800x128xf32>
    %mul3A_261 = arith.mulf %get3A_259, %mul3A_260 : vector<800x128xf32>
    %add3A_262 = vector.broadcast %sub3A_18 : vector<1x128xf32> to vector<800x128xf32>
    %add3A_263 = arith.addf %mul3A_261, %add3A_262 : vector<800x128xf32>
    %get3A_264 = arith.constant 14 : index
    %get3A_265 = arith.constant 0 : index
    %get3A_266 = arith.constant 0 : index
    %get3A_267 = vector.load %arg2[%get3A_264, %get3A_265, %get3A_266] : memref<27x128x128xf32, #tpu.memory_space<vmem>>, vector<1x128x128xf32>
    %get3A_268 = vector.shape_cast %get3A_267 : vector<1x128x128xf32> to vector<128x128xf32>
    %dot_general3A_269 = arith.constant dense<0.000000e+00> : vector<800x128xf32>
    %dot_general3A_270 = tpu.matmul %add3A_263, %get3A_268, %dot_general3A_269 {dimension_numbers = #tpu.dot_dimension_numbers<[1], [0], [0], [1], [0, 0, 1, 1], [], []>, transpose_lhs_hint = false} : vector<800x128xf32>, vector<128x128xf32>, vector<800x128xf32> -> vector<800x128xf32>
    %add3A_271 = arith.addf %add3A_254, %dot_general3A_270 : vector<800x128xf32>
    %get3A_272 = arith.constant 0 : index
    %get3A_273 = arith.constant 15 : index
    %get3A_274 = arith.constant 0 : index
    %get3A_275 = vector.load %arg1[%get3A_272, %get3A_273, %get3A_274] : memref<800x27x128xf32, #tpu.memory_space<vmem>>, vector<800x1x128xf32>
    %get3A_276 = vector.shape_cast %get3A_275 : vector<800x1x128xf32> to vector<800x128xf32>
    %mul3A_277 = vector.broadcast %mul3A_13 : vector<1x128xf32> to vector<800x128xf32>
    %mul3A_278 = arith.mulf %get3A_276, %mul3A_277 : vector<800x128xf32>
    %add3A_279 = vector.broadcast %sub3A_18 : vector<1x128xf32> to vector<800x128xf32>
    %add3A_280 = arith.addf %mul3A_278, %add3A_279 : vector<800x128xf32>
    %get3A_281 = arith.constant 15 : index
    %get3A_282 = arith.constant 0 : index
    %get3A_283 = arith.constant 0 : index
    %get3A_284 = vector.load %arg2[%get3A_281, %get3A_282, %get3A_283] : memref<27x128x128xf32, #tpu.memory_space<vmem>>, vector<1x128x128xf32>
    %get3A_285 = vector.shape_cast %get3A_284 : vector<1x128x128xf32> to vector<128x128xf32>
    %dot_general3A_286 = arith.constant dense<0.000000e+00> : vector<800x128xf32>
    %dot_general3A_287 = tpu.matmul %add3A_280, %get3A_285, %dot_general3A_286 {dimension_numbers = #tpu.dot_dimension_numbers<[1], [0], [0], [1], [0, 0, 1, 1], [], []>, transpose_lhs_hint = false} : vector<800x128xf32>, vector<128x128xf32>, vector<800x128xf32> -> vector<800x128xf32>
    %add3A_288 = arith.addf %add3A_271, %dot_general3A_287 : vector<800x128xf32>
    %get3A_289 = arith.constant 0 : index
    %get3A_290 = arith.constant 16 : index
    %get3A_291 = arith.constant 0 : index
    %get3A_292 = vector.load %arg1[%get3A_289, %get3A_290, %get3A_291] : memref<800x27x128xf32, #tpu.memory_space<vmem>>, vector<800x1x128xf32>
    %get3A_293 = vector.shape_cast %get3A_292 : vector<800x1x128xf32> to vector<800x128xf32>
    %mul3A_294 = vector.broadcast %mul3A_13 : vector<1x128xf32> to vector<800x128xf32>
    %mul3A_295 = arith.mulf %get3A_293, %mul3A_294 : vector<800x128xf32>
    %add3A_296 = vector.broadcast %sub3A_18 : vector<1x128xf32> to vector<800x128xf32>
    %add3A_297 = arith.addf %mul3A_295, %add3A_296 : vector<800x128xf32>
    %get3A_298 = arith.constant 16 : index
    %get3A_299 = arith.constant 0 : index
    %get3A_300 = arith.constant 0 : index
    %get3A_301 = vector.load %arg2[%get3A_298, %get3A_299, %get3A_300] : memref<27x128x128xf32, #tpu.memory_space<vmem>>, vector<1x128x128xf32>
    %get3A_302 = vector.shape_cast %get3A_301 : vector<1x128x128xf32> to vector<128x128xf32>
    %dot_general3A_303 = arith.constant dense<0.000000e+00> : vector<800x128xf32>
    %dot_general3A_304 = tpu.matmul %add3A_297, %get3A_302, %dot_general3A_303 {dimension_numbers = #tpu.dot_dimension_numbers<[1], [0], [0], [1], [0, 0, 1, 1], [], []>, transpose_lhs_hint = false} : vector<800x128xf32>, vector<128x128xf32>, vector<800x128xf32> -> vector<800x128xf32>
    %add3A_305 = arith.addf %add3A_288, %dot_general3A_304 : vector<800x128xf32>
    %get3A_306 = arith.constant 0 : index
    %get3A_307 = arith.constant 17 : index
    %get3A_308 = arith.constant 0 : index
    %get3A_309 = vector.load %arg1[%get3A_306, %get3A_307, %get3A_308] : memref<800x27x128xf32, #tpu.memory_space<vmem>>, vector<800x1x128xf32>
    %get3A_310 = vector.shape_cast %get3A_309 : vector<800x1x128xf32> to vector<800x128xf32>
    %mul3A_311 = vector.broadcast %mul3A_13 : vector<1x128xf32> to vector<800x128xf32>
    %mul3A_312 = arith.mulf %get3A_310, %mul3A_311 : vector<800x128xf32>
    %add3A_313 = vector.broadcast %sub3A_18 : vector<1x128xf32> to vector<800x128xf32>
    %add3A_314 = arith.addf %mul3A_312, %add3A_313 : vector<800x128xf32>
    %get3A_315 = arith.constant 17 : index
    %get3A_316 = arith.constant 0 : index
    %get3A_317 = arith.constant 0 : index
    %get3A_318 = vector.load %arg2[%get3A_315, %get3A_316, %get3A_317] : memref<27x128x128xf32, #tpu.memory_space<vmem>>, vector<1x128x128xf32>
    %get3A_319 = vector.shape_cast %get3A_318 : vector<1x128x128xf32> to vector<128x128xf32>
    %dot_general3A_320 = arith.constant dense<0.000000e+00> : vector<800x128xf32>
    %dot_general3A_321 = tpu.matmul %add3A_314, %get3A_319, %dot_general3A_320 {dimension_numbers = #tpu.dot_dimension_numbers<[1], [0], [0], [1], [0, 0, 1, 1], [], []>, transpose_lhs_hint = false} : vector<800x128xf32>, vector<128x128xf32>, vector<800x128xf32> -> vector<800x128xf32>
    %add3A_322 = arith.addf %add3A_305, %dot_general3A_321 : vector<800x128xf32>
    %get3A_323 = arith.constant 0 : index
    %get3A_324 = arith.constant 18 : index
    %get3A_325 = arith.constant 0 : index
    %get3A_326 = vector.load %arg1[%get3A_323, %get3A_324, %get3A_325] : memref<800x27x128xf32, #tpu.memory_space<vmem>>, vector<800x1x128xf32>
    %get3A_327 = vector.shape_cast %get3A_326 : vector<800x1x128xf32> to vector<800x128xf32>
    %mul3A_328 = vector.broadcast %mul3A_13 : vector<1x128xf32> to vector<800x128xf32>
    %mul3A_329 = arith.mulf %get3A_327, %mul3A_328 : vector<800x128xf32>
    %add3A_330 = vector.broadcast %sub3A_18 : vector<1x128xf32> to vector<800x128xf32>
    %add3A_331 = arith.addf %mul3A_329, %add3A_330 : vector<800x128xf32>
    %get3A_332 = arith.constant 18 : index
    %get3A_333 = arith.constant 0 : index
    %get3A_334 = arith.constant 0 : index
    %get3A_335 = vector.load %arg2[%get3A_332, %get3A_333, %get3A_334] : memref<27x128x128xf32, #tpu.memory_space<vmem>>, vector<1x128x128xf32>
    %get3A_336 = vector.shape_cast %get3A_335 : vector<1x128x128xf32> to vector<128x128xf32>
    %dot_general3A_337 = arith.constant dense<0.000000e+00> : vector<800x128xf32>
    %dot_general3A_338 = tpu.matmul %add3A_331, %get3A_336, %dot_general3A_337 {dimension_numbers = #tpu.dot_dimension_numbers<[1], [0], [0], [1], [0, 0, 1, 1], [], []>, transpose_lhs_hint = false} : vector<800x128xf32>, vector<128x128xf32>, vector<800x128xf32> -> vector<800x128xf32>
    %add3A_339 = arith.addf %add3A_322, %dot_general3A_338 : vector<800x128xf32>
    %get3A_340 = arith.constant 0 : index
    %get3A_341 = arith.constant 19 : index
    %get3A_342 = arith.constant 0 : index
    %get3A_343 = vector.load %arg1[%get3A_340, %get3A_341, %get3A_342] : memref<800x27x128xf32, #tpu.memory_space<vmem>>, vector<800x1x128xf32>
    %get3A_344 = vector.shape_cast %get3A_343 : vector<800x1x128xf32> to vector<800x128xf32>
    %mul3A_345 = vector.broadcast %mul3A_13 : vector<1x128xf32> to vector<800x128xf32>
    %mul3A_346 = arith.mulf %get3A_344, %mul3A_345 : vector<800x128xf32>
    %add3A_347 = vector.broadcast %sub3A_18 : vector<1x128xf32> to vector<800x128xf32>
    %add3A_348 = arith.addf %mul3A_346, %add3A_347 : vector<800x128xf32>
    %get3A_349 = arith.constant 19 : index
    %get3A_350 = arith.constant 0 : index
    %get3A_351 = arith.constant 0 : index
    %get3A_352 = vector.load %arg2[%get3A_349, %get3A_350, %get3A_351] : memref<27x128x128xf32, #tpu.memory_space<vmem>>, vector<1x128x128xf32>
    %get3A_353 = vector.shape_cast %get3A_352 : vector<1x128x128xf32> to vector<128x128xf32>
    %dot_general3A_354 = arith.constant dense<0.000000e+00> : vector<800x128xf32>
    %dot_general3A_355 = tpu.matmul %add3A_348, %get3A_353, %dot_general3A_354 {dimension_numbers = #tpu.dot_dimension_numbers<[1], [0], [0], [1], [0, 0, 1, 1], [], []>, transpose_lhs_hint = false} : vector<800x128xf32>, vector<128x128xf32>, vector<800x128xf32> -> vector<800x128xf32>
    %add3A_356 = arith.addf %add3A_339, %dot_general3A_355 : vector<800x128xf32>
    %get3A_357 = arith.constant 0 : index
    %get3A_358 = arith.constant 20 : index
    %get3A_359 = arith.constant 0 : index
    %get3A_360 = vector.load %arg1[%get3A_357, %get3A_358, %get3A_359] : memref<800x27x128xf32, #tpu.memory_space<vmem>>, vector<800x1x128xf32>
    %get3A_361 = vector.shape_cast %get3A_360 : vector<800x1x128xf32> to vector<800x128xf32>
    %mul3A_362 = vector.broadcast %mul3A_13 : vector<1x128xf32> to vector<800x128xf32>
    %mul3A_363 = arith.mulf %get3A_361, %mul3A_362 : vector<800x128xf32>
    %add3A_364 = vector.broadcast %sub3A_18 : vector<1x128xf32> to vector<800x128xf32>
    %add3A_365 = arith.addf %mul3A_363, %add3A_364 : vector<800x128xf32>
    %get3A_366 = arith.constant 20 : index
    %get3A_367 = arith.constant 0 : index
    %get3A_368 = arith.constant 0 : index
    %get3A_369 = vector.load %arg2[%get3A_366, %get3A_367, %get3A_368] : memref<27x128x128xf32, #tpu.memory_space<vmem>>, vector<1x128x128xf32>
    %get3A_370 = vector.shape_cast %get3A_369 : vector<1x128x128xf32> to vector<128x128xf32>
    %dot_general3A_371 = arith.constant dense<0.000000e+00> : vector<800x128xf32>
    %dot_general3A_372 = tpu.matmul %add3A_365, %get3A_370, %dot_general3A_371 {dimension_numbers = #tpu.dot_dimension_numbers<[1], [0], [0], [1], [0, 0, 1, 1], [], []>, transpose_lhs_hint = false} : vector<800x128xf32>, vector<128x128xf32>, vector<800x128xf32> -> vector<800x128xf32>
    %add3A_373 = arith.addf %add3A_356, %dot_general3A_372 : vector<800x128xf32>
    %get3A_374 = arith.constant 0 : index
    %get3A_375 = arith.constant 21 : index
    %get3A_376 = arith.constant 0 : index
    %get3A_377 = vector.load %arg1[%get3A_374, %get3A_375, %get3A_376] : memref<800x27x128xf32, #tpu.memory_space<vmem>>, vector<800x1x128xf32>
    %get3A_378 = vector.shape_cast %get3A_377 : vector<800x1x128xf32> to vector<800x128xf32>
    %mul3A_379 = vector.broadcast %mul3A_13 : vector<1x128xf32> to vector<800x128xf32>
    %mul3A_380 = arith.mulf %get3A_378, %mul3A_379 : vector<800x128xf32>
    %add3A_381 = vector.broadcast %sub3A_18 : vector<1x128xf32> to vector<800x128xf32>
    %add3A_382 = arith.addf %mul3A_380, %add3A_381 : vector<800x128xf32>
    %get3A_383 = arith.constant 21 : index
    %get3A_384 = arith.constant 0 : index
    %get3A_385 = arith.constant 0 : index
    %get3A_386 = vector.load %arg2[%get3A_383, %get3A_384, %get3A_385] : memref<27x128x128xf32, #tpu.memory_space<vmem>>, vector<1x128x128xf32>
    %get3A_387 = vector.shape_cast %get3A_386 : vector<1x128x128xf32> to vector<128x128xf32>
    %dot_general3A_388 = arith.constant dense<0.000000e+00> : vector<800x128xf32>
    %dot_general3A_389 = tpu.matmul %add3A_382, %get3A_387, %dot_general3A_388 {dimension_numbers = #tpu.dot_dimension_numbers<[1], [0], [0], [1], [0, 0, 1, 1], [], []>, transpose_lhs_hint = false} : vector<800x128xf32>, vector<128x128xf32>, vector<800x128xf32> -> vector<800x128xf32>
    %add3A_390 = arith.addf %add3A_373, %dot_general3A_389 : vector<800x128xf32>
    %get3A_391 = arith.constant 0 : index
    %get3A_392 = arith.constant 22 : index
    %get3A_393 = arith.constant 0 : index
    %get3A_394 = vector.load %arg1[%get3A_391, %get3A_392, %get3A_393] : memref<800x27x128xf32, #tpu.memory_space<vmem>>, vector<800x1x128xf32>
    %get3A_395 = vector.shape_cast %get3A_394 : vector<800x1x128xf32> to vector<800x128xf32>
    %mul3A_396 = vector.broadcast %mul3A_13 : vector<1x128xf32> to vector<800x128xf32>
    %mul3A_397 = arith.mulf %get3A_395, %mul3A_396 : vector<800x128xf32>
    %add3A_398 = vector.broadcast %sub3A_18 : vector<1x128xf32> to vector<800x128xf32>
    %add3A_399 = arith.addf %mul3A_397, %add3A_398 : vector<800x128xf32>
    %get3A_400 = arith.constant 22 : index
    %get3A_401 = arith.constant 0 : index
    %get3A_402 = arith.constant 0 : index
    %get3A_403 = vector.load %arg2[%get3A_400, %get3A_401, %get3A_402] : memref<27x128x128xf32, #tpu.memory_space<vmem>>, vector<1x128x128xf32>
    %get3A_404 = vector.shape_cast %get3A_403 : vector<1x128x128xf32> to vector<128x128xf32>
    %dot_general3A_405 = arith.constant dense<0.000000e+00> : vector<800x128xf32>
    %dot_general3A_406 = tpu.matmul %add3A_399, %get3A_404, %dot_general3A_405 {dimension_numbers = #tpu.dot_dimension_numbers<[1], [0], [0], [1], [0, 0, 1, 1], [], []>, transpose_lhs_hint = false} : vector<800x128xf32>, vector<128x128xf32>, vector<800x128xf32> -> vector<800x128xf32>
    %add3A_407 = arith.addf %add3A_390, %dot_general3A_406 : vector<800x128xf32>
    %get3A_408 = arith.constant 0 : index
    %get3A_409 = arith.constant 23 : index
    %get3A_410 = arith.constant 0 : index
    %get3A_411 = vector.load %arg1[%get3A_408, %get3A_409, %get3A_410] : memref<800x27x128xf32, #tpu.memory_space<vmem>>, vector<800x1x128xf32>
    %get3A_412 = vector.shape_cast %get3A_411 : vector<800x1x128xf32> to vector<800x128xf32>
    %mul3A_413 = vector.broadcast %mul3A_13 : vector<1x128xf32> to vector<800x128xf32>
    %mul3A_414 = arith.mulf %get3A_412, %mul3A_413 : vector<800x128xf32>
    %add3A_415 = vector.broadcast %sub3A_18 : vector<1x128xf32> to vector<800x128xf32>
    %add3A_416 = arith.addf %mul3A_414, %add3A_415 : vector<800x128xf32>
    %get3A_417 = arith.constant 23 : index
    %get3A_418 = arith.constant 0 : index
    %get3A_419 = arith.constant 0 : index
    %get3A_420 = vector.load %arg2[%get3A_417, %get3A_418, %get3A_419] : memref<27x128x128xf32, #tpu.memory_space<vmem>>, vector<1x128x128xf32>
    %get3A_421 = vector.shape_cast %get3A_420 : vector<1x128x128xf32> to vector<128x128xf32>
    %dot_general3A_422 = arith.constant dense<0.000000e+00> : vector<800x128xf32>
    %dot_general3A_423 = tpu.matmul %add3A_416, %get3A_421, %dot_general3A_422 {dimension_numbers = #tpu.dot_dimension_numbers<[1], [0], [0], [1], [0, 0, 1, 1], [], []>, transpose_lhs_hint = false} : vector<800x128xf32>, vector<128x128xf32>, vector<800x128xf32> -> vector<800x128xf32>
    %add3A_424 = arith.addf %add3A_407, %dot_general3A_423 : vector<800x128xf32>
    %get3A_425 = arith.constant 0 : index
    %get3A_426 = arith.constant 24 : index
    %get3A_427 = arith.constant 0 : index
    %get3A_428 = vector.load %arg1[%get3A_425, %get3A_426, %get3A_427] : memref<800x27x128xf32, #tpu.memory_space<vmem>>, vector<800x1x128xf32>
    %get3A_429 = vector.shape_cast %get3A_428 : vector<800x1x128xf32> to vector<800x128xf32>
    %mul3A_430 = vector.broadcast %mul3A_13 : vector<1x128xf32> to vector<800x128xf32>
    %mul3A_431 = arith.mulf %get3A_429, %mul3A_430 : vector<800x128xf32>
    %add3A_432 = vector.broadcast %sub3A_18 : vector<1x128xf32> to vector<800x128xf32>
    %add3A_433 = arith.addf %mul3A_431, %add3A_432 : vector<800x128xf32>
    %get3A_434 = arith.constant 24 : index
    %get3A_435 = arith.constant 0 : index
    %get3A_436 = arith.constant 0 : index
    %get3A_437 = vector.load %arg2[%get3A_434, %get3A_435, %get3A_436] : memref<27x128x128xf32, #tpu.memory_space<vmem>>, vector<1x128x128xf32>
    %get3A_438 = vector.shape_cast %get3A_437 : vector<1x128x128xf32> to vector<128x128xf32>
    %dot_general3A_439 = arith.constant dense<0.000000e+00> : vector<800x128xf32>
    %dot_general3A_440 = tpu.matmul %add3A_433, %get3A_438, %dot_general3A_439 {dimension_numbers = #tpu.dot_dimension_numbers<[1], [0], [0], [1], [0, 0, 1, 1], [], []>, transpose_lhs_hint = false} : vector<800x128xf32>, vector<128x128xf32>, vector<800x128xf32> -> vector<800x128xf32>
    %add3A_441 = arith.addf %add3A_424, %dot_general3A_440 : vector<800x128xf32>
    %get3A_442 = arith.constant 0 : index
    %get3A_443 = arith.constant 25 : index
    %get3A_444 = arith.constant 0 : index
    %get3A_445 = vector.load %arg1[%get3A_442, %get3A_443, %get3A_444] : memref<800x27x128xf32, #tpu.memory_space<vmem>>, vector<800x1x128xf32>
    %get3A_446 = vector.shape_cast %get3A_445 : vector<800x1x128xf32> to vector<800x128xf32>
    %mul3A_447 = vector.broadcast %mul3A_13 : vector<1x128xf32> to vector<800x128xf32>
    %mul3A_448 = arith.mulf %get3A_446, %mul3A_447 : vector<800x128xf32>
    %add3A_449 = vector.broadcast %sub3A_18 : vector<1x128xf32> to vector<800x128xf32>
    %add3A_450 = arith.addf %mul3A_448, %add3A_449 : vector<800x128xf32>
    %get3A_451 = arith.constant 25 : index
    %get3A_452 = arith.constant 0 : index
    %get3A_453 = arith.constant 0 : index
    %get3A_454 = vector.load %arg2[%get3A_451, %get3A_452, %get3A_453] : memref<27x128x128xf32, #tpu.memory_space<vmem>>, vector<1x128x128xf32>
    %get3A_455 = vector.shape_cast %get3A_454 : vector<1x128x128xf32> to vector<128x128xf32>
    %dot_general3A_456 = arith.constant dense<0.000000e+00> : vector<800x128xf32>
    %dot_general3A_457 = tpu.matmul %add3A_450, %get3A_455, %dot_general3A_456 {dimension_numbers = #tpu.dot_dimension_numbers<[1], [0], [0], [1], [0, 0, 1, 1], [], []>, transpose_lhs_hint = false} : vector<800x128xf32>, vector<128x128xf32>, vector<800x128xf32> -> vector<800x128xf32>
    %add3A_458 = arith.addf %add3A_441, %dot_general3A_457 : vector<800x128xf32>
    %get3A_459 = arith.constant 0 : index
    %get3A_460 = arith.constant 26 : index
    %get3A_461 = arith.constant 0 : index
    %get3A_462 = vector.load %arg1[%get3A_459, %get3A_460, %get3A_461] : memref<800x27x128xf32, #tpu.memory_space<vmem>>, vector<800x1x128xf32>
    %get3A_463 = vector.shape_cast %get3A_462 : vector<800x1x128xf32> to vector<800x128xf32>
    %mul3A_464 = vector.broadcast %mul3A_13 : vector<1x128xf32> to vector<800x128xf32>
    %mul3A_465 = arith.mulf %get3A_463, %mul3A_464 : vector<800x128xf32>
    %add3A_466 = vector.broadcast %sub3A_18 : vector<1x128xf32> to vector<800x128xf32>
    %add3A_467 = arith.addf %mul3A_465, %add3A_466 : vector<800x128xf32>
    %get3A_468 = arith.constant 26 : index
    %get3A_469 = arith.constant 0 : index
    %get3A_470 = arith.constant 0 : index
    %get3A_471 = vector.load %arg2[%get3A_468, %get3A_469, %get3A_470] : memref<27x128x128xf32, #tpu.memory_space<vmem>>, vector<1x128x128xf32>
    %get3A_472 = vector.shape_cast %get3A_471 : vector<1x128x128xf32> to vector<128x128xf32>
    %dot_general3A_473 = arith.constant dense<0.000000e+00> : vector<800x128xf32>
    %dot_general3A_474 = tpu.matmul %add3A_467, %get3A_472, %dot_general3A_473 {dimension_numbers = #tpu.dot_dimension_numbers<[1], [0], [0], [1], [0, 0, 1, 1], [], []>, transpose_lhs_hint = false} : vector<800x128xf32>, vector<128x128xf32>, vector<800x128xf32> -> vector<800x128xf32>
    %add3A_475 = arith.addf %add3A_458, %dot_general3A_474 : vector<800x128xf32>
    %swap3A = arith.constant 0 : index
    %swap3A_476 = arith.constant 0 : index
    %swap3A_477 = vector.load %arg6[%swap3A, %swap3A_476] : memref<800x128xf32, #tpu.memory_space<vmem>>, vector<800x128xf32>
    tpu.vector_store %arg6[%swap3A, %swap3A_476], %add3A_475 {strides = array<i32>} : memref<800x128xf32, #tpu.memory_space<vmem>>, vector<800x128xf32>,
    return
  }
  func.func @transform_0(%arg0: i32) -> (i32, i32, i32) {
    %c0_i32 = arith.constant 0 : i32
    %c0_i32_0 = arith.constant 0 : i32
    %c0_i32_1 = arith.constant 0 : i32
    return %arg0, %c0_i32, %c0_i32_0 : i32, i32, i32
  }
  func.func @transform_1(%arg0: i32) -> (i32, i32, i32) {
    %c0_i32 = arith.constant 0 : i32
    %c0_i32_0 = arith.constant 0 : i32
    %c0_i32_1 = arith.constant 0 : i32
    %c0_i32_2 = arith.constant 0 : i32
    return %c0_i32, %c0_i32_0, %c0_i32_1 : i32, i32, i32
  }
  func.func @transform_2(%arg0: i32) -> (i32, i32) {
    %c0_i32 = arith.constant 0 : i32
    %c0_i32_0 = arith.constant 0 : i32
    %c0_i32_1 = arith.constant 0 : i32
    return %c0_i32, %c0_i32_0 : i32, i32
  }
  func.func @transform_3(%arg0: i32) -> (i32, i32) {
    %c0_i32 = arith.constant 0 : i32
    %c0_i32_0 = arith.constant 0 : i32
    %c0_i32_1 = arith.constant 0 : i32
    return %c0_i32, %c0_i32_0 : i32, i32
  }
  func.func @transform_4(%arg0: i32) -> (i32, i32) {
    %c0_i32 = arith.constant 0 : i32
    %c0_i32_0 = arith.constant 0 : i32
    %c0_i32_1 = arith.constant 0 : i32
    return %c0_i32, %c0_i32_0 : i32, i32
  }
  func.func @transform_5(%arg0: i32) -> (i32, i32) {
    %c0_i32 = arith.constant 0 : i32
    %c0_i32_0 = arith.constant 0 : i32
    return %arg0, %c0_i32 : i32, i32
  }
}

module attributes {stable_mosaic.version = 14 : i64} {
  func.func @_final_body(%arg0: i32, %arg1: memref<800x128xf32, #tpu.memory_space<vmem>>, %arg2: memref<2x128xf32, #tpu.memory_space<vmem>>, %arg3: memref<1x128xf32, #tpu.memory_space<vmem>>, %arg4: memref<1x128xf32, #tpu.memory_space<vmem>>, %arg5: memref<800x128xf32, #tpu.memory_space<vmem>>, %arg6: memref<800x128xf32, #tpu.memory_space<vmem>>) attributes {dimension_semantics = [#tpu.dimension_semantics<arbitrary>], iteration_bounds = array<i64: 25>, scalar_prefetch = 0 : i64, scratch_operands = 0 : i64, tpu.core_type = #tpu.core_type<tc>, window_params = [{transform_indices = @transform_0, window_bounds = array<i64: 800, 128>}, {pipeline_mode = #tpu.pipeline_mode<synchronous>, transform_indices = @transform_1, window_bounds = array<i64: 2, 128>}, {pipeline_mode = #tpu.pipeline_mode<synchronous>, transform_indices = @transform_2, window_bounds = array<i64: 1, 128>}, {pipeline_mode = #tpu.pipeline_mode<synchronous>, transform_indices = @transform_3, window_bounds = array<i64: 1, 128>}, {transform_indices = @transform_4, window_bounds = array<i64: 800, 128>}, {transform_indices = @transform_5, window_bounds = array<i64: 800, 128>}]} {
    %get3A = arith.constant 0 : index
    %get3A_0 = arith.constant 0 : index
    %get3A_1 = vector.load %arg2[%get3A, %get3A_0] : memref<2x128xf32, #tpu.memory_space<vmem>>, vector<2x128xf32>
    %slice3A = vector.extract_strided_slice %get3A_1 {offsets = [0, 0], sizes = [1, 128], strides = [1, 1]} : vector<2x128xf32> to vector<1x128xf32>
    %div3A = arith.constant 2.000000e+04 : f32
    %div3A_2 = vector.broadcast %div3A : f32 to vector<1x128xf32>
    %div3A_3 = arith.divf %slice3A, %div3A_2 : vector<1x128xf32>
    %slice3A_4 = vector.extract_strided_slice %get3A_1 {offsets = [1, 0], sizes = [1, 128], strides = [1, 1]} : vector<2x128xf32> to vector<1x128xf32>
    %div3A_5 = arith.constant 2.000000e+04 : f32
    %div3A_6 = vector.broadcast %div3A_5 : f32 to vector<1x128xf32>
    %div3A_7 = arith.divf %slice3A_4, %div3A_6 : vector<1x128xf32>
    %mul3A = arith.mulf %div3A_3, %div3A_3 : vector<1x128xf32>
    %sub3A = arith.subf %div3A_7, %mul3A : vector<1x128xf32>
    %get3A_8 = arith.constant 0 : index
    %get3A_9 = arith.constant 0 : index
    %get3A_10 = vector.load %arg1[%get3A_8, %get3A_9] : memref<800x128xf32, #tpu.memory_space<vmem>>, vector<800x128xf32>
    %sub3A_11 = vector.broadcast %div3A_3 : vector<1x128xf32> to vector<800x128xf32>
    %sub3A_12 = arith.subf %get3A_10, %sub3A_11 : vector<800x128xf32>
    %add3A = arith.constant 9.99999974E-6 : f32
    %add3A_13 = vector.broadcast %add3A : f32 to vector<1x128xf32>
    %add3A_14 = arith.addf %sub3A, %add3A_13 : vector<1x128xf32>
    %rsqrt3A = math.rsqrt %add3A_14 : vector<1x128xf32>
    %mul3A_15 = vector.broadcast %rsqrt3A : vector<1x128xf32> to vector<800x128xf32>
    %mul3A_16 = arith.mulf %sub3A_12, %mul3A_15 : vector<800x128xf32>
    %get3A_17 = arith.constant 0 : index
    %get3A_18 = arith.constant 0 : index
    %get3A_19 = vector.load %arg3[%get3A_17, %get3A_18] : memref<1x128xf32, #tpu.memory_space<vmem>>, vector<1x128xf32>
    %mul3A_20 = vector.broadcast %get3A_19 : vector<1x128xf32> to vector<800x128xf32>
    %mul3A_21 = arith.mulf %mul3A_16, %mul3A_20 : vector<800x128xf32>
    %get3A_22 = arith.constant 0 : index
    %get3A_23 = arith.constant 0 : index
    %get3A_24 = vector.load %arg4[%get3A_22, %get3A_23] : memref<1x128xf32, #tpu.memory_space<vmem>>, vector<1x128xf32>
    %add3A_25 = vector.broadcast %get3A_24 : vector<1x128xf32> to vector<800x128xf32>
    %add3A_26 = arith.addf %mul3A_21, %add3A_25 : vector<800x128xf32>
    %get3A_27 = arith.constant 0 : index
    %get3A_28 = arith.constant 0 : index
    %get3A_29 = vector.load %arg5[%get3A_27, %get3A_28] : memref<800x128xf32, #tpu.memory_space<vmem>>, vector<800x128xf32>
    %add3A_30 = arith.addf %add3A_26, %get3A_29 : vector<800x128xf32>
    %max3A = arith.constant 0.000000e+00 : f32
    %max3A_31 = vector.broadcast %max3A : f32 to vector<800x128xf32>
    %max3A_32 = arith.maximumf %add3A_30, %max3A_31 : vector<800x128xf32>
    %swap3A = arith.constant 0 : index
    %swap3A_33 = arith.constant 0 : index
    %swap3A_34 = vector.load %arg6[%swap3A, %swap3A_33] : memref<800x128xf32, #tpu.memory_space<vmem>>, vector<800x128xf32>
    tpu.vector_store %arg6[%swap3A, %swap3A_33], %max3A_32 {strides = array<i32>} : memref<800x128xf32, #tpu.memory_space<vmem>>, vector<800x128xf32>,
    return
  }
  func.func @transform_0(%arg0: i32) -> (i32, i32) {
    %c0_i32 = arith.constant 0 : i32
    %c0_i32_0 = arith.constant 0 : i32
    return %arg0, %c0_i32 : i32, i32
  }
  func.func @transform_1(%arg0: i32) -> (i32, i32) {
    %c0_i32 = arith.constant 0 : i32
    %c0_i32_0 = arith.constant 0 : i32
    %c0_i32_1 = arith.constant 0 : i32
    return %c0_i32, %c0_i32_0 : i32, i32
  }
  func.func @transform_2(%arg0: i32) -> (i32, i32) {
    %c0_i32 = arith.constant 0 : i32
    %c0_i32_0 = arith.constant 0 : i32
    %c0_i32_1 = arith.constant 0 : i32
    return %c0_i32, %c0_i32_0 : i32, i32
  }
  func.func @transform_3(%arg0: i32) -> (i32, i32) {
    %c0_i32 = arith.constant 0 : i32
    %c0_i32_0 = arith.constant 0 : i32
    %c0_i32_1 = arith.constant 0 : i32
    return %c0_i32, %c0_i32_0 : i32, i32
  }
  func.func @transform_4(%arg0: i32) -> (i32, i32) {
    %c0_i32 = arith.constant 0 : i32
    %c0_i32_0 = arith.constant 0 : i32
    return %arg0, %c0_i32 : i32, i32
  }
  func.func @transform_5(%arg0: i32) -> (i32, i32) {
    %c0_i32 = arith.constant 0 : i32
    %c0_i32_0 = arith.constant 0 : i32
    return %arg0, %c0_i32 : i32, i32
  }
}

</mosaic_0001>

<sc_bundles>
// kernel: kernel.24.cloned.1.call-start
scs
__scs_entry_jumppad:
0x0: {  	(pc) =	sbr.rel $0x88, $3  }
0x1: {  	(tag) =	ssettag $0x0;
	lr =	simm.s32 $0x1  }
0x2: {  	[smem:$0x3F7A] =	sst lr;
	_ =	strace $0xD0000000  }
0x3: {  	_ = 	snop  }
0x4: {  	_ = 	snop  }
0x5: {  	_ = 	snop  }
0x6: {  	_ = 	snop  }
0x7: {  	_ = 	snop  }
__scs_overlays_trampoline_lowered:
0x8: {  	[smem:$0x3F89] =	sst s0  }
0x9: {  	[smem:$0x3F8A] =	sst s1  }
0xa: {  	[smem:$0x3F8B] =	sst s2  }
0xb: {  	[smem:$0x3F8C] =	sst s3  }
0xc: {  	[smem:$0x3F8D] =	sst s4  }
0xd: {  	[smem:$0x3F8E] =	sst s5  }
0xe: {  	[smem:$0x3F8F] =	sst s6  }
0xf: {  	[smem:$0x3F90] =	sst s7  }
0x10: {  	[smem:$0x3F91] =	sst s8  }
0x11: {  	[smem:$0x3F92] =	sst s9;
	s0 =	simm.s32 @!p0 $0x0  }
0x12: {  	s1 =	sld [smem:$0x3F78];
	s0 =	simm.s32 @p0 $0x1  }
0x13: {  	[smem:$0x3F93] =	sst s0;
	s0 =	simm.s32 @!p1 $0x0  }
0x14: {  	s2 =	sld [smem:$0x3F77];
	s0 =	simm.s32 @p1 $0x1  }
0x15: {  	[smem:$0x3F94] =	sst s0;
	s0 =	simm.s32 @!p2 $0x0  }
0x16: {  	s3 =	sld [smem:$0x3FDB];
	s0 =	simm.s32 @p2 $0x1  }
0x17: {  	s4 =	simm.s32 $0x1BF5;
	[smem:$0x3F96] =	sst s0  }
0x18: {  	s0 =	sld [smem:$0x3F79];
	_ =	swait.ge [sflag:s4], $0x0  }
0x19: {  	s7 =	sld [smem:$0x3F7A]  }
0x1a: {  	s8 =	sadd.s32 $0xFFFFE003, lr  }
0x1b: {  	s9 =	sadd.s32 $0xFFFFFEF7, lr;
	s5 =	simm.s32 $0xFFFFFFFF;
	p2 =	slt.u32 s8, $0xFFFFF086  }
0x1c: {  	p1 =	slt.u32 s9, $0xF7A;
	s5 =	simm.s32 @!p2 $0x0  }
0x1d: {  	s5 =	simm.s32 @p1 $0x1;
	p0 =	seq.s32 s7, s2  }
0x1e: {  	s7 =	smul.u32 @!p0 $0xF7A, s2;
	p2 =	seq.s32 @!p0 s5, $0x0  }
0x1f: {  	s9 =	smul.u32 $0xF7A, s1;
	s8 =	simm.s32 @!p0 $0x1BF5;
	p2 =	por !p2, p0  }
0x20: {  	[sflag:s8] =	ssyncset.s32 @!p0 $0xFFFFF086;
	s6 =	sadd.s32 @!p0 s3, s7;
	s7 =	simm.s32 @!p0 $0x108  }
0x21: {  	s3 =	sadd.s32 s3, s9;
	s6 =	sadd.s32 @!p0 $0x88, s6;
	s7 =	simm.s32 @p2 $0x1082  }
0x22: {  	[simem:s7], [sflag:s8] =	dma.local @!p0 [hbm:s6], $0xF7A  }
0x23: {  	s9 =	sor.u32 $0xD0000000, s2;
	s6 =	simm.s32 $0x108;
	_ =	swait.ge @!p0 [sflag:s8], $0x0  }
0x24: {  	s3 =	sadd.s32 $0x88, s3;
	s6 =	simm.s32 @!p1 $0x1082;
	[sflag:s4] =	ssyncset.s32 $0xFFFFF086  }
0x25: {  	[simem:s6], [sflag:s4] =	dma.local [hbm:s3], $0xF7A  }
0x26: {  	[smem:$0x3F7A] =	sst s1;
	(tag) =	ssettag s2;
	_ =	strace s9  }
0x27: {  	s1 =	sld [smem:$0x3F8A]  }
0x28: {  	s2 =	sld [smem:$0x3F8B]  }
0x29: {  	s4 =	sld [smem:$0x3F8D]  }
0x2a: {  	p0 =	seq.s32 s5, $0x0;
	s5 =	sld [smem:$0x3F8E]  }
0x2b: {  	s6 =	sld [smem:$0x3F8F]  }
0x2c: {  	s7 =	sld [smem:$0x3F90]  }
0x2d: {  	s3 =	simm.s32 $0x108;
	s8 =	sld [smem:$0x3F91]  }
0x2e: {  	s3 =	simm.s32 @!p0 $0x1082;
	s9 =	sld [smem:$0x3F92]  }
0x2f: {  	lr =	sadd.s32 s0, s3;
	s0 =	sld [smem:$0x3F89]  }
0x30: {  	s3 =	sld [smem:$0x3F8C]  }
0x31: {  	[smem:$0x3F95] =	sst s10  }
0x32: {  	s10 =	sld [smem:$0x3F93];
	_ =	sdelay $0x3  }
0x33: {  	p0 =	seq.s32 s10, $0x1;
	s10 =	sld [smem:$0x3F95];
	_ =	sdelay $0x3  }
0x34: {  	[smem:$0x3F95] =	sst s10  }
0x35: {  	s10 =	sld [smem:$0x3F94];
	_ =	sdelay $0x3  }
0x36: {  	p1 =	seq.s32 s10, $0x1;
	s10 =	sld [smem:$0x3F95];
	_ =	sdelay $0x3  }
0x37: {  	[smem:$0x3F95] =	sst s10  }
0x38: {  	s10 =	sld [smem:$0x3F96]  }
0x39: {  	_ = 	snop;
	(pc) =	sbr.ind lr, $3  }
0x3a: {  	_ = 	snop  }
0x3b: {  	_ = 	snop  }
0x3c: {  	p2 =	seq.s32 s10, $0x1;
	s10 =	sld [smem:$0x3F95]  }
0x3d: {  	_ =	shalt  }
0x3e: {  	_ =	shalt  }
0x3f: {  	_ =	shalt  }
0x40: {  	_ =	shalt  }
0x41: {  	_ =	shalt  }
0x42: {  	_ =	shalt  }
0x43: {  	_ =	shalt  }
0x44: {  	_ =	shalt  }
0x45: {  	_ =	shalt  }
0x46: {  	_ =	shalt  }
0x47: {  	_ =	shalt  }
0x48: {  	_ =	shalt  }
0x49: {  	_ =	shalt  }
0x4a: {  	_ =	shalt  }
0x4b: {  	_ =	shalt  }
0x4c: {  	_ =	shalt  }
0x4d: {  	_ =	shalt  }
0x4e: {  	_ =	shalt  }
0x4f: {  	_ =	shalt  }
0x50: {  	_ =	shalt  }
0x51: {  	_ =	shalt  }
0x52: {  	_ =	shalt  }
0x53: {  	_ =	shalt  }
0x54: {  	_ =	shalt  }
0x55: {  	_ =	shalt  }
0x56: {  	_ =	shalt  }
0x57: {  	_ =	shalt  }
0x58: {  	_ =	shalt  }
0x59: {  	_ =	shalt  }
0x5a: {  	_ =	shalt  }
0x5b: {  	_ =	shalt  }
0x5c: {  	_ =	shalt  }
0x5d: {  	_ =	shalt  }
0x5e: {  	_ =	shalt  }
0x5f: {  	_ =	shalt  }
0x60: {  	_ =	shalt  }
0x61: {  	_ =	shalt  }
0x62: {  	_ =	shalt  }
0x63: {  	_ =	shalt  }
0x64: {  	_ =	shalt  }
0x65: {  	_ =	shalt  }
0x66: {  	_ =	shalt  }
0x67: {  	_ =	shalt  }
0x68: {  	_ =	shalt  }
0x69: {  	_ =	shalt  }
0x6a: {  	_ =	shalt  }
0x6b: {  	_ =	shalt  }
0x6c: {  	_ =	shalt  }
0x6d: {  	_ =	shalt  }
0x6e: {  	_ =	shalt  }
0x6f: {  	_ =	shalt  }
0x70: {  	_ =	shalt  }
0x71: {  	_ =	shalt  }
0x72: {  	_ =	shalt  }
0x73: {  	_ =	shalt  }
0x74: {  	_ =	shalt  }
0x75: {  	_ =	shalt  }
0x76: {  	_ =	shalt  }
0x77: {  	_ =	shalt  }
0x78: {  	_ =	shalt  }
0x79: {  	_ =	shalt  }
0x7a: {  	_ =	shalt  }
0x7b: {  	_ =	shalt  }
0x7c: {  	_ =	shalt  }
0x7d: {  	_ =	shalt  }
0x7e: {  	_ =	shalt  }
0x7f: {  	_ =	shalt  }
0x80: {  	_ =	shalt  }
0x81: {  	_ =	shalt  }
0x82: {  	_ =	shalt  }
0x83: {  	_ =	shalt  }
0x84: {  	_ =	shalt  }
0x85: {  	_ =	shalt  }
0x86: {  	_ =	shalt  }
0x87: {  	_ =	shalt  }
.Lfunc_end0:
.L_simem_size_0:
called_computation_lowered:
.L_overlay_start_0:
0x88: {  	s2 =	sld [smem:$0x3FD9]  }
0x89: {  	s3 =	sld [smem:$0x3FFE];
	_ =	sdelay $0x1  }
0x8a: {  	s1 =	srdreg.scid  }
0x8b: {  	s0 =	sand.u32 $0x1, s1  }
0x8c: {  	s17 =	sshll.u32 s0, $0xA;
	s2 =	sadd.s32 s3, s2  }
0x8d: {  	s2 =	sadd.s32 s2, s17  }
0x8e: {  	[smem:$0x3FA1] =	sst s2  }
0x8f: {  	_ = 	snop  }
0x90: {  	s2 =	sld [smem:$0x3FD0];
	(tm) =	ssettm $0x1  }
0x91: {  	s18 =	sld [smem:$0x3FFB];
	_ =	sdelay $0x3  }
0x92: {  	_ =	strace s18  }
0x93: {  	s3 =	sld [smem:$0x3FFC];
	_ =	sdelay $0x3  }
0x94: {  	_ =	strace s3  }
0x95: {  	s3 =	sld [smem:$0x3FFD];
	_ =	sdelay $0x3  }
0x96: {  	_ =	strace s3  }
0x97: {  	_ =	strace $0x8FFFFFFF  }
0x98: {  	s19 =	sld [smem:$0x3FDB];
	_ =	sdelay $0x1  }
0x99: {  	s4 =	simm.s32 $_scs_section_size  }
0x9a: {  	s5 =	simm.s32 $_size__tile_overlayer_lowered;
	s6 =	simm.s32 $_tile_overlayer_lowered  }
0x9b: {  	s22 =	simm.s32 $0x1BFF;
	s21 =	sshll.u32 s6, $0x1;
	s3 =	sadd.s32 s4, s19  }
0x9c: {  	s7 =	simm.s32 $0x0;
	s20 =	sshll.u32 s5, $0x1;
	s5 =	sadd.s32 s21, s3  }
0x9d: {  	[timem:s7], [sflag:s22] =	dma.local [hbm:s5], s20  }
0x9e: {  	_ =	swait.ge [sflag:s22], s20  }
0x9f: {  	s4 =	ssub.s32 $0x0, s20;
	[sflag:s22] =	ssyncset.done $0x0  }
0xa0: {  	[sflag:s22] =	ssyncadd.s32 s4;
	_ =	sdelay $0x1  }
0xa1: {  	s23 =	simm.s32 $0x1B8B  }
0xa2: {  	_ =	swait.ge [sflag:s23], $0x1  }
0xa3: {  	[sflag:s23] =	ssyncset.done $0x0  }
0xa4: {  	s25 =	simm.s32 $0x1B8E;
	s24 =	sld [smem:$0x3FFE];
	[sflag:s23] =	ssyncadd.s32 $0xFFFFFFFF  }
0xa5: {  	s26 =	simm.s32 $execute0_lowered;
	[smem:$0x3FD2] =	sst s25  }
0xa6: {  	s5 =	sshll.u32 s26, $0x1;
	_ =	strace $0x80000046;
	[dreg:$0x1] =	wrdreg $0xFFFFFFFF  }
0xa7: {  	s28 =	simm.s32 $_size_execute0_lowered;
	s3 =	sadd.s32 s3, s5;
	[dreg:$0x0] =	wrdreg $0x0  }
0xa8: {  	s5 =	sshll.u32 s28, $0x1;
	[dreg:$0x2] =	wrdreg s3  }
0xa9: {  	[dreg:$0x3] =	wrdreg s5  }
0xaa: {  	[dreg:$0x4] =	wrdreg $0xC0  }
0xab: {  	_ =	task [dreg:s7], $0x5FFFF  }
0xac: {  	[dreg:$0x1] =	wrdreg $0xFFFFFFFF  }
0xad: {  	[dreg:$0x0] =	wrdreg $0x60  }
0xae: {  	[dreg:$0x2] =	wrdreg s2  }
0xaf: {  	[dreg:$0x3] =	wrdreg s24  }
0xb0: {  	[dreg:$0x4] =	wrdreg $0x9  }
0xb1: {  	_ =	task.clear_ibuf [dreg:s7], $0x5FFFF;
	_ =	strace $0x90000046  }
0xb2: {  	s29 =	simm.s32 $0x9;
	_ =	strace $0x80000048  }
0xb3: {  	_ =	swait.ge [sflag:s29], $0x1  }
0xb4: {  	[sflag:s29] =	ssyncadd.s32 $0xFFFFFFFF  }
0xb5: {  	_ =	strace $0x90000048  }
0xb6: {  	_ =	sfence  }
0xb7: {  	s30 =	sld [smem:$0x0];
	_ =	sdelay $0x2  }
0xb8: {  	s31 =	sshll.u32 s1, $0xD;
	s1 =	sshrl.u32 s1, $0x2  }
0xb9: {  	s3 =	sand.u32 $0x4000, s31;
	s1 =	sadd.s32 s1, s30  }
0xba: {  	s0 =	sor.u32 s3, s0;
	s1 =	sshll.u32 s1, $0x11  }
0xbb: {  	s0 =	sor.u32 s1, s0  }
0xbc: {  	s0 =	sadd.s32 $0x8F2B, s0  }
0xbd: {  	[sflag:s0] =	ssyncadd.remote.s32 $0x1  }
0xbe: {  	_ =	sfence.sel $0xFFFF  }
0xbf: {  	[dreg:$0x0] =	wrdreg $0xFFFFFFFF;
	(pc) =	sbr.abs _section_cstart, $3  }
0xc0: {  	[dreg:$0x1] =	wrdreg $0xFFFFFFFF  }
0xc1: {  	_ =	task.clear_ibuf [dreg:s7], $0x2FFFF;
	_ =	strace $0x9FFFFFFF  }
0xc2: {  	(tm) =	ssettm $0x7FFFFFFF  }
0xc3: {  	_ =	shalt  }
tec
execute0_lowered:
.L_overlay_start_1:
0x0: {  	(tag) =	ssettag $0x1  }
0x1: {  	s2 =	rddreg [dreg:$0x0]  }
0x2: {  	s1 =	srdreg.scid;
	s0 =	stileid.u32  }
0x3: {  	s4 =	rddreg [dreg:$0x1];
	s3 =	simm.s32 $0x0;
	s12 =	simm.s32 $0xAF80  }
0x4: {  	s13 =	simm.s32 $0x1;
	s5 =	sand.u32 $0x1, s1;
	s6 =	sshll.u32 s0, $0x1  }
0x5: {  	s14 =	simm.s32 $0x2;
	s10 =	smul.u32 $0x87000, s0;
	s6 =	sor.u32 s5, s6  }
0x6: {  	s15 =	simm.s32 $0x0;
	s1 =	rddreg [dreg:$0x2];
	s7 =	smul.u32 $0x4380, s6  }
0x7: {  	[smem:$0x7FF] =	sst s3;
	s9 =	sadd.s32 $0xBD600, s4;
	s6 =	smul.u32 $0x21C000, s6  }
0x8: {  	_ =	strace $0x80000047;
	s8 =	ssub.s32 $0x2, s5;
	s11 =	smul.u32 $0x43800, s5  }
0x9: {  	s31 =	sshrl.u32 s8, $0x1;
	s7 =	sshrl.u32 s7, $0x3;
	s6 =	sshrl.u32 s6, $0x3  }
0xa: {  	s8 =	ssub.s32 s8, s31;
	s7 =	sadd.s32 s7, s4;
	s6 =	sadd.s32 s9, s6  }
0xb: {  	s9 =	sadd.s32 s10, s9;
	s10 =	simm.s32 $0xD8;
	s4 =	sadd.s32 $0xAC800, s7  }
0xc: {  	s5 =	sadd.s32 $0x41D00, s6;
	s6 =	sadd.s32 $0x42A80, s6;
	s7 =	smax.u32 s8, $0x1  }
0xd: {  	s8 =	sadd.s32 s11, s9;
	s9 =	simm.s32 $0x3;
	s11 =	simm.s32 $0x4380  }
.LBB2_1:
0xe: {  	[tilespmem:s3], [sflag:$0x3] =	stream.linear.gather [hbm4b:s4+s3], $0x4380, $0x38;
	[tilespmem:$0x11B80] =	vst v63  }
0xf: {  	_ =	swait.ge [sflag:s9], $0x4380  }
0x10: {  	[sflag:s9] =	ssyncset.done $0x0  }
0x11: {  	[sflag:s9] =	ssyncadd.s32 $0xFFFFBC80  }
0x12: {  	[tilespmem:s11], [sflag:$0x1] =	stream.indirect.gather [hbm4b:s2+s10], $0x80, s3, s10, $0xb8;
	[tilespmem:$0x11B80] =	vst v63  }
0x13: {  	_ = 	snop  }
0x14: {  	[tilespmem:s12], [sflag:$0x2] =	stream.indirect.gather [hbm4b:s2+s10], $0x80, s10, s10, $0xb8;
	[tilespmem:$0x11B80] =	vst v63  }
0x15: {  	_ =	swait.ge [sflag:s13], $0x6C00  }
0x16: {  	[sflag:s13] =	ssyncset.done $0x0  }
0x17: {  	s16 =	sadd.s32 $0x0, s8;
	[sflag:s13] =	ssyncadd.s32 $0xFFFF9400  }
0x18: {  	[hbm4b:s16+s3] =	stream.linear.scatter [tilespmem:s11], [sflag:$0x3], $0x6C00, $0x38;
	[tilespmem:$0x11B80] =	vst v63  }
0x19: {  	_ =	swait.ge [sflag:s9], $0x6C00  }
0x1a: {  	[sflag:s9] =	ssyncset.done $0x0  }
0x1b: {  	s17 =	simm.s32 $0x1B0;
	[sflag:s9] =	ssyncadd.s32 $0xFFFF9400  }
0x1c: {  	[tilespmem:s11], [sflag:$0x1] =	stream.indirect.gather [hbm4b:s2+s10], $0x80, s17, s10, $0xb8;
	[tilespmem:$0x11B80] =	vst v63  }
0x1d: {  	_ =	swait.ge [sflag:s14], $0x6C00  }
0x1e: {  	[sflag:s14] =	ssyncset.done $0x0  }
0x1f: {  	s16 =	sadd.s32 $0xD80, s16;
	[sflag:s14] =	ssyncadd.s32 $0xFFFF9400  }
0x20: {  	[hbm4b:s16+s3] =	stream.linear.scatter [tilespmem:s12], [sflag:$0x3], $0x6C00, $0x38;
	[tilespmem:$0x11B80] =	vst v63  }
0x21: {  	_ =	swait.ge [sflag:s9], $0x6C00  }
0x22: {  	s18 =	simm.s32 $0x438;
	[sflag:s9] =	ssyncset.done $0x0  }
0x23: {  	s17 =	simm.s32 $0x1B00;
	s16 =	simm.s32 $0x288;
	[sflag:s9] =	ssyncadd.s32 $0xFFFF9400  }
.LBB2_2:
0x24: {  	[tilespmem:s12], [sflag:$0x2] =	stream.indirect.gather [hbm4b:s2+s10], $0x80, s16, s10, $0xb8;
	[tilespmem:$0x11B80] =	vst v63  }
0x25: {  	s19 =	smov.u32 s17;
	s16 =	smov.u32 s18  }
0x26: {  	p0 =	sne.s32 s17, $0x40200;
	s17 =	sadd.s32 $0x1B00, s17;
	_ =	swait.ge [sflag:s13], $0x6C00  }
0x27: {  	[sflag:s13] =	ssyncset.done $0x0  }
0x28: {  	s19 =	sadd.s32 s19, s8;
	[sflag:s13] =	ssyncadd.s32 $0xFFFF9400  }
0x29: {  	[hbm4b:s19+s3] =	stream.linear.scatter [tilespmem:s11], [sflag:$0x3], $0x6C00, $0x38;
	[tilespmem:$0x11B80] =	vst v63  }
0x2a: {  	_ =	swait.ge [sflag:s9], $0x6C00  }
0x2b: {  	[sflag:s9] =	ssyncset.done $0x0  }
0x2c: {  	s20 =	sadd.s32 $0xFFFFFF28, s18;
	[sflag:s9] =	ssyncadd.s32 $0xFFFF9400  }
0x2d: {  	[tilespmem:s11], [sflag:$0x1] =	stream.indirect.gather [hbm4b:s2+s10], $0x80, s20, s10, $0xb8;
	[tilespmem:$0x11B80] =	vst v63  }
0x2e: {  	_ =	swait.ge [sflag:s14], $0x6C00  }
0x2f: {  	[sflag:s14] =	ssyncset.done $0x0  }
.Ltmp0:
0x30: {  	s19 =	sadd.s32 $0xD80, s19;
	[sflag:s14] =	ssyncadd.s32 $0xFFFF9400;
	(pc) =	sbr.rel @p0 .LBB2_2-.Ltmp0, $4  }
0x31: {  	[hbm4b:s19+s3] =	stream.linear.scatter [tilespmem:s12], [sflag:$0x3], $0x6C00, $0x38;
	[tilespmem:$0x11B80] =	vst v63  }
0x32: {  	_ =	swait.ge [sflag:s9], $0x6C00  }
0x33: {  	[sflag:s9] =	ssyncset.done $0x0  }
0x34: {  	s18 =	sadd.s32 $0x1B0, s18;
	[sflag:s9] =	ssyncadd.s32 $0xFFFF9400  }
0x35: {  	[tilespmem:s12], [sflag:$0x2] =	stream.indirect.gather [hbm4b:s2+s10], $0x80, s16, s10, $0xb8;
	[tilespmem:$0x11B80] =	vst v63  }
0x36: {  	_ =	swait.ge [sflag:s13], $0x6C00  }
0x37: {  	[sflag:s13] =	ssyncset.done $0x0  }
0x38: {  	[sflag:s13] =	ssyncadd.s32 $0xFFFF9400  }
0x39: {  	[hbm4b:s5+s3] =	stream.linear.scatter [tilespmem:s11], [sflag:$0x3], $0x6C00, $0x38;
	[tilespmem:$0x11B80] =	vst v63  }
0x3a: {  	_ =	swait.ge [sflag:s9], $0x6C00  }
0x3b: {  	[sflag:s9] =	ssyncset.done $0x0  }
0x3c: {  	[sflag:s9] =	ssyncadd.s32 $0xFFFF9400  }
0x3d: {  	s15 =	sadd.s32 $0x1, s15;
	_ =	swait.ge [sflag:s14], $0x6C00  }
0x3e: {  	p0 =	sne.s32 s15, s7;
	[sflag:s14] =	ssyncset.done $0x0  }
.Ltmp1:
0x3f: {  	[sflag:s14] =	ssyncadd.s32 $0xFFFF9400;
	(pc) =	sbr.rel @p0 .LBB2_1-.Ltmp1, $4  }
0x40: {  	[hbm4b:s6+s3] =	stream.linear.scatter [tilespmem:s12], [sflag:$0x3], $0x6C00, $0x38;
	[tilespmem:$0x11B80] =	vst v63  }
0x41: {  	_ =	swait.ge [sflag:s9], $0x6C00  }
0x42: {  	[sflag:s9] =	ssyncset.done $0x0  }
0x43: {  	[sflag:s9] =	ssyncadd.s32 $0xFFFF9400  }
0x44: {  	_ =	sfence.sel $0x180000  }
0x45: {  	[bflag:$0x0] =	sbarrier.arrive $0xFFFF  }
0x46: {  	p0 =	sne.s32 s0, $0x0;
	_ =	strace $0x90000047  }
0x47: {  	s0 =	sadd.s32 @!p0 $0x100000, s1;
	[bflag:$0x2] =	sbarrier.arrive $0xFFFF  }
0x48: {  	[sflag:s0] =	ssyncadd.tile.s32 @!p0 $0x1;
	_ =	shalt  }
.Lfunc_end2:
_tile_overlayer_lowered:
.L_overlay_start_2:
0x49: {  	(tag) =	ssettag $0x2  }
0x4a: {  	s0 =	rddreg [dreg:$0x0];
	s2 =	stileid.u32  }
0x4b: {  	s1 =	rddreg [dreg:$0x1];
	p0 =	sne.s32 s2, $0x0  }
0x4c: {  	s3 =	rddreg [dreg:$0x2];
	[bflag:$0x3] =	sbarrier.arrive $0xFFFF;
	s2 =	simm.s32 @!p0 $0x1C03  }
0x4d: {  	[timem:s3], [sflag:s2] =	dma.local @!p0 [hbm:s0], s1  }
0x4e: {  	s0 =	simm.s32 @!p0 $0x3  }
0x4f: {  	_ =	swait.ge @!p0 [sflag:s0], s1  }
0x50: {  	s1 =	ssub.s32 @!p0 $0x0, s1;
	[sflag:s0] =	ssyncset.done @!p0 $0x0  }
0x51: {  	[sflag:s0] =	ssyncadd.s32 @!p0 s1  }
0x52: {  	[bflag:$0x3] =	sbarrier.arrive $0xFFFF  }
0x53: {  	_ =	shalt  }

// kernel: kernel.27.cloned.1.call-start
scs
__scs_entry_jumppad:
0x0: {  	(pc) =	sbr.rel $0x88, $3  }
0x1: {  	(tag) =	ssettag $0x0;
	lr =	simm.s32 $0x1  }
0x2: {  	[smem:$0x3F7A] =	sst lr;
	_ =	strace $0xD0000000  }
0x3: {  	_ = 	snop  }
0x4: {  	_ = 	snop  }
0x5: {  	_ = 	snop  }
0x6: {  	_ = 	snop  }
0x7: {  	_ = 	snop  }
__scs_overlays_trampoline_lowered:
0x8: {  	[smem:$0x3F89] =	sst s0  }
0x9: {  	[smem:$0x3F8A] =	sst s1  }
0xa: {  	[smem:$0x3F8B] =	sst s2  }
0xb: {  	[smem:$0x3F8C] =	sst s3  }
0xc: {  	[smem:$0x3F8D] =	sst s4  }
0xd: {  	[smem:$0x3F8E] =	sst s5  }
0xe: {  	[smem:$0x3F8F] =	sst s6  }
0xf: {  	[smem:$0x3F90] =	sst s7  }
0x10: {  	[smem:$0x3F91] =	sst s8  }
0x11: {  	[smem:$0x3F92] =	sst s9;
	s0 =	simm.s32 @!p0 $0x0  }
0x12: {  	s1 =	sld [smem:$0x3F78];
	s0 =	simm.s32 @p0 $0x1  }
0x13: {  	[smem:$0x3F93] =	sst s0;
	s0 =	simm.s32 @!p1 $0x0  }
0x14: {  	s2 =	sld [smem:$0x3F77];
	s0 =	simm.s32 @p1 $0x1  }
0x15: {  	[smem:$0x3F94] =	sst s0;
	s0 =	simm.s32 @!p2 $0x0  }
0x16: {  	s3 =	sld [smem:$0x3FDB];
	s0 =	simm.s32 @p2 $0x1  }
0x17: {  	s4 =	simm.s32 $0x1BF5;
	[smem:$0x3F96] =	sst s0  }
0x18: {  	s0 =	sld [smem:$0x3F79];
	_ =	swait.ge [sflag:s4], $0x0  }
0x19: {  	s7 =	sld [smem:$0x3F7A]  }
0x1a: {  	s8 =	sadd.s32 $0xFFFFE003, lr  }
0x1b: {  	s9 =	sadd.s32 $0xFFFFFEF7, lr;
	s5 =	simm.s32 $0xFFFFFFFF;
	p2 =	slt.u32 s8, $0xFFFFF086  }
0x1c: {  	p1 =	slt.u32 s9, $0xF7A;
	s5 =	simm.s32 @!p2 $0x0  }
0x1d: {  	s5 =	simm.s32 @p1 $0x1;
	p0 =	seq.s32 s7, s2  }
0x1e: {  	s7 =	smul.u32 @!p0 $0xF7A, s2;
	p2 =	seq.s32 @!p0 s5, $0x0  }
0x1f: {  	s9 =	smul.u32 $0xF7A, s1;
	s8 =	simm.s32 @!p0 $0x1BF5;
	p2 =	por !p2, p0  }
0x20: {  	[sflag:s8] =	ssyncset.s32 @!p0 $0xFFFFF086;
	s6 =	sadd.s32 @!p0 s3, s7;
	s7 =	simm.s32 @!p0 $0x108  }
0x21: {  	s3 =	sadd.s32 s3, s9;
	s6 =	sadd.s32 @!p0 $0x88, s6;
	s7 =	simm.s32 @p2 $0x1082  }
0x22: {  	[simem:s7], [sflag:s8] =	dma.local @!p0 [hbm:s6], $0xF7A  }
0x23: {  	s9 =	sor.u32 $0xD0000000, s2;
	s6 =	simm.s32 $0x108;
	_ =	swait.ge @!p0 [sflag:s8], $0x0  }
0x24: {  	s3 =	sadd.s32 $0x88, s3;
	s6 =	simm.s32 @!p1 $0x1082;
	[sflag:s4] =	ssyncset.s32 $0xFFFFF086  }
0x25: {  	[simem:s6], [sflag:s4] =	dma.local [hbm:s3], $0xF7A  }
0x26: {  	[smem:$0x3F7A] =	sst s1;
	(tag) =	ssettag s2;
	_ =	strace s9  }
0x27: {  	s1 =	sld [smem:$0x3F8A]  }
0x28: {  	s2 =	sld [smem:$0x3F8B]  }
0x29: {  	s4 =	sld [smem:$0x3F8D]  }
0x2a: {  	p0 =	seq.s32 s5, $0x0;
	s5 =	sld [smem:$0x3F8E]  }
0x2b: {  	s6 =	sld [smem:$0x3F8F]  }
0x2c: {  	s7 =	sld [smem:$0x3F90]  }
0x2d: {  	s3 =	simm.s32 $0x108;
	s8 =	sld [smem:$0x3F91]  }
0x2e: {  	s3 =	simm.s32 @!p0 $0x1082;
	s9 =	sld [smem:$0x3F92]  }
0x2f: {  	lr =	sadd.s32 s0, s3;
	s0 =	sld [smem:$0x3F89]  }
0x30: {  	s3 =	sld [smem:$0x3F8C]  }
0x31: {  	[smem:$0x3F95] =	sst s10  }
0x32: {  	s10 =	sld [smem:$0x3F93];
	_ =	sdelay $0x3  }
0x33: {  	p0 =	seq.s32 s10, $0x1;
	s10 =	sld [smem:$0x3F95];
	_ =	sdelay $0x3  }
0x34: {  	[smem:$0x3F95] =	sst s10  }
0x35: {  	s10 =	sld [smem:$0x3F94];
	_ =	sdelay $0x3  }
0x36: {  	p1 =	seq.s32 s10, $0x1;
	s10 =	sld [smem:$0x3F95];
	_ =	sdelay $0x3  }
0x37: {  	[smem:$0x3F95] =	sst s10  }
0x38: {  	s10 =	sld [smem:$0x3F96]  }
0x39: {  	_ = 	snop;
	(pc) =	sbr.ind lr, $3  }
0x3a: {  	_ = 	snop  }
0x3b: {  	_ = 	snop  }
0x3c: {  	p2 =	seq.s32 s10, $0x1;
	s10 =	sld [smem:$0x3F95]  }
0x3d: {  	_ =	shalt  }
0x3e: {  	_ =	shalt  }
0x3f: {  	_ =	shalt  }
0x40: {  	_ =	shalt  }
0x41: {  	_ =	shalt  }
0x42: {  	_ =	shalt  }
0x43: {  	_ =	shalt  }
0x44: {  	_ =	shalt  }
0x45: {  	_ =	shalt  }
0x46: {  	_ =	shalt  }
0x47: {  	_ =	shalt  }
0x48: {  	_ =	shalt  }
0x49: {  	_ =	shalt  }
0x4a: {  	_ =	shalt  }
0x4b: {  	_ =	shalt  }
0x4c: {  	_ =	shalt  }
0x4d: {  	_ =	shalt  }
0x4e: {  	_ =	shalt  }
0x4f: {  	_ =	shalt  }
0x50: {  	_ =	shalt  }
0x51: {  	_ =	shalt  }
0x52: {  	_ =	shalt  }
0x53: {  	_ =	shalt  }
0x54: {  	_ =	shalt  }
0x55: {  	_ =	shalt  }
0x56: {  	_ =	shalt  }
0x57: {  	_ =	shalt  }
0x58: {  	_ =	shalt  }
0x59: {  	_ =	shalt  }
0x5a: {  	_ =	shalt  }
0x5b: {  	_ =	shalt  }
0x5c: {  	_ =	shalt  }
0x5d: {  	_ =	shalt  }
0x5e: {  	_ =	shalt  }
0x5f: {  	_ =	shalt  }
0x60: {  	_ =	shalt  }
0x61: {  	_ =	shalt  }
0x62: {  	_ =	shalt  }
0x63: {  	_ =	shalt  }
0x64: {  	_ =	shalt  }
0x65: {  	_ =	shalt  }
0x66: {  	_ =	shalt  }
0x67: {  	_ =	shalt  }
0x68: {  	_ =	shalt  }
0x69: {  	_ =	shalt  }
0x6a: {  	_ =	shalt  }
0x6b: {  	_ =	shalt  }
0x6c: {  	_ =	shalt  }
0x6d: {  	_ =	shalt  }
0x6e: {  	_ =	shalt  }
0x6f: {  	_ =	shalt  }
0x70: {  	_ =	shalt  }
0x71: {  	_ =	shalt  }
0x72: {  	_ =	shalt  }
0x73: {  	_ =	shalt  }
0x74: {  	_ =	shalt  }
0x75: {  	_ =	shalt  }
0x76: {  	_ =	shalt  }
0x77: {  	_ =	shalt  }
0x78: {  	_ =	shalt  }
0x79: {  	_ =	shalt  }
0x7a: {  	_ =	shalt  }
0x7b: {  	_ =	shalt  }
0x7c: {  	_ =	shalt  }
0x7d: {  	_ =	shalt  }
0x7e: {  	_ =	shalt  }
0x7f: {  	_ =	shalt  }
0x80: {  	_ =	shalt  }
0x81: {  	_ =	shalt  }
0x82: {  	_ =	shalt  }
0x83: {  	_ =	shalt  }
0x84: {  	_ =	shalt  }
0x85: {  	_ =	shalt  }
0x86: {  	_ =	shalt  }
0x87: {  	_ =	shalt  }
.Lfunc_end0:
.L_simem_size_0:
called_computation.1_lowered:
.L_overlay_start_0:
0x88: {  	s2 =	sld [smem:$0x3FD9]  }
0x89: {  	s3 =	sld [smem:$0x3FFE];
	_ =	sdelay $0x1  }
0x8a: {  	s1 =	srdreg.scid  }
0x8b: {  	s0 =	sand.u32 $0x1, s1  }
0x8c: {  	s16 =	sshll.u32 s0, $0xA;
	s2 =	sadd.s32 s3, s2  }
0x8d: {  	s2 =	sadd.s32 s2, s16  }
0x8e: {  	[smem:$0x3FA1] =	sst s2  }
0x8f: {  	_ = 	snop  }
0x90: {  	(tm) =	ssettm $0x1  }
0x91: {  	s17 =	sld [smem:$0x3FFB];
	_ =	sdelay $0x3  }
0x92: {  	_ =	strace s17  }
0x93: {  	s2 =	sld [smem:$0x3FFC];
	_ =	sdelay $0x3  }
0x94: {  	_ =	strace s2  }
0x95: {  	s2 =	sld [smem:$0x3FFD];
	_ =	sdelay $0x3  }
0x96: {  	_ =	strace s2  }
0x97: {  	_ =	strace $0x8FFFFFFF  }
0x98: {  	s18 =	sld [smem:$0x3FDB];
	_ =	sdelay $0x1  }
0x99: {  	s19 =	simm.s32 $_scs_section_size  }
0x9a: {  	s4 =	simm.s32 $_size__tile_overlayer_lowered;
	s5 =	simm.s32 $_tile_overlayer_lowered  }
0x9b: {  	s22 =	simm.s32 $0x1BFF;
	s21 =	sshll.u32 s5, $0x1;
	s2 =	sadd.s32 s19, s18  }
0x9c: {  	s6 =	simm.s32 $0x0;
	s20 =	sshll.u32 s4, $0x1;
	s4 =	sadd.s32 s21, s2  }
0x9d: {  	[timem:s6], [sflag:s22] =	dma.local [hbm:s4], s20  }
0x9e: {  	_ =	swait.ge [sflag:s22], s20  }
0x9f: {  	s3 =	ssub.s32 $0x0, s20;
	[sflag:s22] =	ssyncset.done $0x0  }
0xa0: {  	[sflag:s22] =	ssyncadd.s32 s3;
	_ =	sdelay $0x1  }
0xa1: {  	s23 =	simm.s32 $0x1B8B  }
0xa2: {  	_ =	swait.ge [sflag:s23], $0x1  }
0xa3: {  	[sflag:s23] =	ssyncset.done $0x0  }
0xa4: {  	s25 =	simm.s32 $0x1B8E;
	s24 =	sld [smem:$0x3FFE];
	[sflag:s23] =	ssyncadd.s32 $0xFFFFFFFF  }
0xa5: {  	s26 =	simm.s32 $execute0_lowered;
	[smem:$0x3FD2] =	sst s25  }
0xa6: {  	s4 =	sshll.u32 s26, $0x1;
	_ =	strace $0x80000049;
	[dreg:$0x1] =	wrdreg $0xFFFFFFFF  }
0xa7: {  	s28 =	simm.s32 $_size_execute0_lowered;
	s2 =	sadd.s32 s2, s4;
	[dreg:$0x0] =	wrdreg $0x0  }
0xa8: {  	s4 =	sshll.u32 s28, $0x1;
	[dreg:$0x2] =	wrdreg s2  }
0xa9: {  	[dreg:$0x3] =	wrdreg s4  }
0xaa: {  	[dreg:$0x4] =	wrdreg $0xC0  }
0xab: {  	_ =	task [dreg:s6], $0x5FFFF  }
0xac: {  	[dreg:$0x1] =	wrdreg $0xFFFFFFFF  }
0xad: {  	[dreg:$0x0] =	wrdreg $0x60  }
0xae: {  	[dreg:$0x2] =	wrdreg s24  }
0xaf: {  	[dreg:$0x3] =	wrdreg $0x9  }
0xb0: {  	_ =	task.clear_ibuf [dreg:s6], $0x4FFFF;
	_ =	strace $0x90000049  }
0xb1: {  	s29 =	simm.s32 $0x9;
	_ =	strace $0x8000004B  }
0xb2: {  	_ =	swait.ge [sflag:s29], $0x1  }
0xb3: {  	[sflag:s29] =	ssyncadd.s32 $0xFFFFFFFF  }
0xb4: {  	_ =	strace $0x9000004B  }
0xb5: {  	_ =	sfence  }
0xb6: {  	s30 =	sld [smem:$0x0];
	_ =	sdelay $0x2  }
0xb7: {  	s31 =	sshll.u32 s1, $0xD;
	s1 =	sshrl.u32 s1, $0x2  }
0xb8: {  	s3 =	sand.u32 $0x4000, s31;
	s1 =	sadd.s32 s1, s30  }
0xb9: {  	s0 =	sor.u32 s3, s0;
	s1 =	sshll.u32 s1, $0x11  }
0xba: {  	s0 =	sor.u32 s1, s0  }
0xbb: {  	s0 =	sadd.s32 $0x8F2B, s0  }
0xbc: {  	[sflag:s0] =	ssyncadd.remote.s32 $0x1  }
0xbd: {  	_ =	sfence.sel $0xFFFF  }
0xbe: {  	[dreg:$0x0] =	wrdreg $0xFFFFFFFF;
	(pc) =	sbr.abs _section_cstart, $3  }
0xbf: {  	[dreg:$0x1] =	wrdreg $0xFFFFFFFF  }
0xc0: {  	_ =	task.clear_ibuf [dreg:s6], $0x2FFFF;
	_ =	strace $0x9FFFFFFF  }
0xc1: {  	(tm) =	ssettm $0x7FFFFFFF  }
tec
execute0_lowered:
.L_overlay_start_1:
0x0: {  	(tag) =	ssettag $0x1  }
0x1: {  	s1 =	srdreg.scid  }
0x2: {  	s0 =	stileid.u32;
	s4 =	rddreg [dreg:$0x0]  }
0x3: {  	s2 =	simm.s32 $0x0;
	s12 =	simm.s32 $0xAF80;
	s13 =	simm.s32 $0x1  }
0x4: {  	s14 =	simm.s32 $0x2;
	s5 =	sand.u32 $0x1, s1;
	s3 =	sshll.u32 s0, $0x1  }
0x5: {  	s1 =	rddreg [dreg:$0x1];
	s10 =	smul.u32 $0x87000, s0;
	s6 =	sor.u32 s5, s3  }
0x6: {  	s15 =	simm.s32 $0x0;
	[smem:$0x7FF] =	sst s2;
	s7 =	smul.u32 $0x4380, s6  }
0x7: {  	s9 =	sadd.s32 $0xBD600, s4;
	_ =	strace $0x8000004A;
	s6 =	smul.u32 $0x21C000, s6  }
0x8: {  	s3 =	sadd.s32 $0xEC00, s4;
	s8 =	ssub.s32 $0x2, s5;
	s11 =	smul.u32 $0x43800, s5  }
0x9: {  	s31 =	sshrl.u32 s8, $0x1;
	s7 =	sshrl.u32 s7, $0x3;
	s6 =	sshrl.u32 s6, $0x3  }
0xa: {  	s8 =	ssub.s32 s8, s31;
	s7 =	sadd.s32 s7, s4;
	s6 =	sadd.s32 s9, s6  }
0xb: {  	s9 =	sadd.s32 s10, s9;
	s10 =	simm.s32 $0xD8;
	s4 =	sadd.s32 $0xAC800, s7  }
0xc: {  	s5 =	sadd.s32 $0x41D00, s6;
	s6 =	sadd.s32 $0x42A80, s6;
	s7 =	smax.u32 s8, $0x1  }
0xd: {  	s8 =	sadd.s32 s11, s9;
	s9 =	simm.s32 $0x3;
	s11 =	simm.s32 $0x4380  }
.LBB2_1:
0xe: {  	[tilespmem:s2], [sflag:$0x3] =	stream.linear.gather [hbm4b:s4+s2], $0x4380, $0x38;
	[tilespmem:$0x11B80] =	vst v63  }
0xf: {  	_ =	swait.ge [sflag:s9], $0x4380  }
0x10: {  	[sflag:s9] =	ssyncset.done $0x0  }
0x11: {  	[sflag:s9] =	ssyncadd.s32 $0xFFFFBC80  }
0x12: {  	[tilespmem:s11], [sflag:$0x1] =	stream.indirect.gather [hbm4b:s3+s10], $0x80, s2, s10, $0xb8;
	[tilespmem:$0x11B80] =	vst v63  }
0x13: {  	_ = 	snop  }
0x14: {  	[tilespmem:s12], [sflag:$0x2] =	stream.indirect.gather [hbm4b:s3+s10], $0x80, s10, s10, $0xb8;
	[tilespmem:$0x11B80] =	vst v63  }
0x15: {  	_ =	swait.ge [sflag:s13], $0x6C00  }
0x16: {  	[sflag:s13] =	ssyncset.done $0x0  }
0x17: {  	s16 =	sadd.s32 $0x0, s8;
	[sflag:s13] =	ssyncadd.s32 $0xFFFF9400  }
0x18: {  	[hbm4b:s16+s2] =	stream.linear.scatter [tilespmem:s11], [sflag:$0x3], $0x6C00, $0x38;
	[tilespmem:$0x11B80] =	vst v63  }
0x19: {  	_ =	swait.ge [sflag:s9], $0x6C00  }
0x1a: {  	[sflag:s9] =	ssyncset.done $0x0  }
0x1b: {  	s17 =	simm.s32 $0x1B0;
	[sflag:s9] =	ssyncadd.s32 $0xFFFF9400  }
0x1c: {  	[tilespmem:s11], [sflag:$0x1] =	stream.indirect.gather [hbm4b:s3+s10], $0x80, s17, s10, $0xb8;
	[tilespmem:$0x11B80] =	vst v63  }
0x1d: {  	_ =	swait.ge [sflag:s14], $0x6C00  }
0x1e: {  	[sflag:s14] =	ssyncset.done $0x0  }
0x1f: {  	s16 =	sadd.s32 $0xD80, s16;
	[sflag:s14] =	ssyncadd.s32 $0xFFFF9400  }
0x20: {  	[hbm4b:s16+s2] =	stream.linear.scatter [tilespmem:s12], [sflag:$0x3], $0x6C00, $0x38;
	[tilespmem:$0x11B80] =	vst v63  }
0x21: {  	_ =	swait.ge [sflag:s9], $0x6C00  }
0x22: {  	s18 =	simm.s32 $0x438;
	[sflag:s9] =	ssyncset.done $0x0  }
0x23: {  	s17 =	simm.s32 $0x1B00;
	s16 =	simm.s32 $0x288;
	[sflag:s9] =	ssyncadd.s32 $0xFFFF9400  }
.LBB2_2:
0x24: {  	[tilespmem:s12], [sflag:$0x2] =	stream.indirect.gather [hbm4b:s3+s10], $0x80, s16, s10, $0xb8;
	[tilespmem:$0x11B80] =	vst v63  }
0x25: {  	s19 =	smov.u32 s17;
	s16 =	smov.u32 s18  }
0x26: {  	p0 =	sne.s32 s17, $0x40200;
	s17 =	sadd.s32 $0x1B00, s17;
	_ =	swait.ge [sflag:s13], $0x6C00  }
0x27: {  	[sflag:s13] =	ssyncset.done $0x0  }
0x28: {  	s19 =	sadd.s32 s19, s8;
	[sflag:s13] =	ssyncadd.s32 $0xFFFF9400  }
0x29: {  	[hbm4b:s19+s2] =	stream.linear.scatter [tilespmem:s11], [sflag:$0x3], $0x6C00, $0x38;
	[tilespmem:$0x11B80] =	vst v63  }
0x2a: {  	_ =	swait.ge [sflag:s9], $0x6C00  }
0x2b: {  	[sflag:s9] =	ssyncset.done $0x0  }
0x2c: {  	s20 =	sadd.s32 $0xFFFFFF28, s18;
	[sflag:s9] =	ssyncadd.s32 $0xFFFF9400  }
0x2d: {  	[tilespmem:s11], [sflag:$0x1] =	stream.indirect.gather [hbm4b:s3+s10], $0x80, s20, s10, $0xb8;
	[tilespmem:$0x11B80] =	vst v63  }
0x2e: {  	_ =	swait.ge [sflag:s14], $0x6C00  }
0x2f: {  	[sflag:s14] =	ssyncset.done $0x0  }
.Ltmp0:
0x30: {  	s19 =	sadd.s32 $0xD80, s19;
	[sflag:s14] =	ssyncadd.s32 $0xFFFF9400;
	(pc) =	sbr.rel @p0 .LBB2_2-.Ltmp0, $4  }
0x31: {  	[hbm4b:s19+s2] =	stream.linear.scatter [tilespmem:s12], [sflag:$0x3], $0x6C00, $0x38;
	[tilespmem:$0x11B80] =	vst v63  }
0x32: {  	_ =	swait.ge [sflag:s9], $0x6C00  }
0x33: {  	[sflag:s9] =	ssyncset.done $0x0  }
0x34: {  	s18 =	sadd.s32 $0x1B0, s18;
	[sflag:s9] =	ssyncadd.s32 $0xFFFF9400  }
0x35: {  	[tilespmem:s12], [sflag:$0x2] =	stream.indirect.gather [hbm4b:s3+s10], $0x80, s16, s10, $0xb8;
	[tilespmem:$0x11B80] =	vst v63  }
0x36: {  	_ =	swait.ge [sflag:s13], $0x6C00  }
0x37: {  	[sflag:s13] =	ssyncset.done $0x0  }
0x38: {  	[sflag:s13] =	ssyncadd.s32 $0xFFFF9400  }
0x39: {  	[hbm4b:s5+s2] =	stream.linear.scatter [tilespmem:s11], [sflag:$0x3], $0x6C00, $0x38;
	[tilespmem:$0x11B80] =	vst v63  }
0x3a: {  	_ =	swait.ge [sflag:s9], $0x6C00  }
0x3b: {  	[sflag:s9] =	ssyncset.done $0x0  }
0x3c: {  	[sflag:s9] =	ssyncadd.s32 $0xFFFF9400  }
0x3d: {  	s15 =	sadd.s32 $0x1, s15;
	_ =	swait.ge [sflag:s14], $0x6C00  }
0x3e: {  	p0 =	sne.s32 s15, s7;
	[sflag:s14] =	ssyncset.done $0x0  }
.Ltmp1:
0x3f: {  	[sflag:s14] =	ssyncadd.s32 $0xFFFF9400;
	(pc) =	sbr.rel @p0 .LBB2_1-.Ltmp1, $4  }
0x40: {  	[hbm4b:s6+s2] =	stream.linear.scatter [tilespmem:s12], [sflag:$0x3], $0x6C00, $0x38;
	[tilespmem:$0x11B80] =	vst v63  }
0x41: {  	_ =	swait.ge [sflag:s9], $0x6C00  }
0x42: {  	[sflag:s9] =	ssyncset.done $0x0  }
0x43: {  	[sflag:s9] =	ssyncadd.s32 $0xFFFF9400  }
0x44: {  	_ =	sfence.sel $0x180000  }
0x45: {  	[bflag:$0x0] =	sbarrier.arrive $0xFFFF  }
0x46: {  	p0 =	sne.s32 s0, $0x0;
	_ =	strace $0x9000004A  }
0x47: {  	s0 =	sadd.s32 @!p0 $0x100000, s1;
	[bflag:$0x2] =	sbarrier.arrive $0xFFFF  }
0x48: {  	[sflag:s0] =	ssyncadd.tile.s32 @!p0 $0x1;
	_ =	shalt  }
.Lfunc_end2:
_tile_overlayer_lowered:
.L_overlay_start_2:
0x49: {  	(tag) =	ssettag $0x2  }
0x4a: {  	s0 =	rddreg [dreg:$0x0];
	s2 =	stileid.u32  }
0x4b: {  	s1 =	rddreg [dreg:$0x1];
	p0 =	sne.s32 s2, $0x0  }
0x4c: {  	s3 =	rddreg [dreg:$0x2];
	[bflag:$0x3] =	sbarrier.arrive $0xFFFF;
	s2 =	simm.s32 @!p0 $0x1C03  }
0x4d: {  	[timem:s3], [sflag:s2] =	dma.local @!p0 [hbm:s0], s1  }
0x4e: {  	s0 =	simm.s32 @!p0 $0x3  }
0x4f: {  	_ =	swait.ge @!p0 [sflag:s0], s1  }
0x50: {  	s1 =	ssub.s32 @!p0 $0x0, s1;
	[sflag:s0] =	ssyncset.done @!p0 $0x0  }
0x51: {  	[sflag:s0] =	ssyncadd.s32 @!p0 s1  }
0x52: {  	[bflag:$0x3] =	sbarrier.arrive $0xFFFF  }
0x53: {  	_ =	shalt  }

</sc_bundles>
